<compile_context>
chip_gen: v7x
topology: tpu7x:2x2x1
jax: 0.10.2.dev20260603
libtpu: 0.0.44.dev20260713+nightly
codegen_flags: <defaults>
</compile_context>

<pallas_src>
import functools

import jax
import jax.numpy as jnp
from jax import lax
from jax.experimental import pallas as pl
from jax.experimental.pallas import tpu as pltpu
from jax.experimental.pallas import tpu_sc as plsc

N_NODES = 10000
N_EDGES = 320000
D = 128

NC = 2
NS = 16
HALF_NODES = N_NODES // NC
CH = 128
CHUNKS_PER_TILE = 157
E_PAD = NS * CHUNKS_PER_TILE * CH
ROWS_PER_TILE = 312
TAIL_ROWS = HALF_NODES - NS * ROWS_PER_TILE



def _matmul_body(x_ref, w_ref, o_ref):
    o_ref[...] = jnp.dot(x_ref[...], w_ref[...],
                         preferred_element_type=jnp.float32)


def _matmul(x, W):
    blk = 2000
    return pl.pallas_call(
        _matmul_body,
        grid=(N_NODES // blk,),
        in_specs=[
            pl.BlockSpec((blk, D), lambda i: (i, 0)),
            pl.BlockSpec((D, D), lambda i: (0, 0)),
        ],
        out_specs=pl.BlockSpec((blk, D), lambda i: (i, 0)),
        out_shape=jax.ShapeDtypeStruct((N_NODES, D), jnp.float32),
    )(x, W)



def _spmm_body(support_hbm, col_hbm, row_hbm, ew_hbm, b_hbm, out_hbm,
               acc_shared, colbuf, rowidx, wbuf, rowsbuf, bbuf, zbuf, sem,
               sem_s):
    c = lax.axis_index("c")
    s = lax.axis_index("s")
    lo = c * HALF_NODES

    pltpu.sync_copy(b_hbm, bbuf)

    def _fill_body(r, _):
        for j in range(D // 16):
            sl = pl.ds(j * 16, 16)
            zbuf[r, sl] = bbuf[sl]
        return 0
    lax.fori_loop(0, ROWS_PER_TILE, _fill_body, 0)
    pltpu.sync_copy(zbuf, acc_shared.at[pl.ds(s * ROWS_PER_TILE, ROWS_PER_TILE)])

    @pl.when(s == NS - 1)
    def _fill_tail():
        pltpu.sync_copy(zbuf.at[pl.ds(0, TAIL_ROWS)],
                        acc_shared.at[pl.ds(NS * ROWS_PER_TILE, TAIL_ROWS)])
    plsc.subcore_barrier()

    zv = jnp.zeros((16,), jnp.float32)

    def _zrb_body(e, _):
        for j in range(D // 16):
            rowsbuf[e, pl.ds(j * 16, 16)] = zv
        return 0
    lax.fori_loop(0, CH, _zrb_body, 0)
    zidx = jnp.zeros((16,), jnp.int32)
    for g in range(CH // 16):
        rowidx[pl.ds(g * 16, 16)] = zidx
    pltpu.async_copy(rowsbuf, acc_shared.at[rowidx], sem_s, add=True)

    def _chunk_body(k, _):
        base = (s * CHUNKS_PER_TILE + k) * CH
        pltpu.sync_copy(col_hbm.at[pl.ds(base, CH)], colbuf)
        pltpu.make_async_copy(rowsbuf, acc_shared.at[rowidx], sem_s).wait()
        gather = pltpu.async_copy(support_hbm.at[colbuf], rowsbuf, sem)
        pltpu.sync_copy(ew_hbm.at[pl.ds(base, CH)], wbuf)
        pltpu.sync_copy(row_hbm.at[pl.ds(base, CH)], rowidx)
        gather.wait()

        def _scale_body(g, _):
            sl16 = pl.ds(g * 16, 16)
            rl = rowidx[sl16] - lo
            m = (rl >= 0) & (rl < HALF_NODES)
            wsel = jnp.where(m, wbuf[sl16], 0.0)
            rowidx[sl16] = jnp.where(m, rl, 0)
            for e2 in range(16):
                w = wsel[e2]
                e = g * 16 + e2
                for j in range(D // 16):
                    sl = pl.ds(j * 16, 16)
                    rowsbuf[e, sl] = rowsbuf[e, sl] * w
            return 0
        lax.fori_loop(0, CH // 16, _scale_body, 0)

        pltpu.async_copy(rowsbuf, acc_shared.at[rowidx], sem_s, add=True)
        return 0
    lax.fori_loop(0, CHUNKS_PER_TILE, _chunk_body, 0)
    pltpu.make_async_copy(rowsbuf, acc_shared.at[rowidx], sem_s).wait()

    plsc.subcore_barrier()
    pltpu.sync_copy(acc_shared.at[pl.ds(s * ROWS_PER_TILE, ROWS_PER_TILE)],
                    out_hbm.at[pl.ds(lo + s * ROWS_PER_TILE, ROWS_PER_TILE)])

    @pl.when(s == NS - 1)
    def _write_tail():
        pltpu.sync_copy(acc_shared.at[pl.ds(NS * ROWS_PER_TILE, TAIL_ROWS)],
                        out_hbm.at[pl.ds(lo + NS * ROWS_PER_TILE, TAIL_ROWS)])


def _spmm(support, col, row, ew, b):
    kern = functools.partial(
        pl.kernel,
        mesh=plsc.VectorSubcoreMesh(core_axis_name="c", subcore_axis_name="s"),
        out_type=jax.ShapeDtypeStruct((N_NODES, D), jnp.float32),
        scratch_types=[
            pltpu.VMEM_SHARED((HALF_NODES, D), jnp.float32),
            pltpu.VMEM((CH,), jnp.int32),
            pltpu.VMEM((CH,), jnp.int32),
            pltpu.VMEM((CH,), jnp.float32),
            pltpu.VMEM((CH, D), jnp.float32),
            pltpu.VMEM((D,), jnp.float32),
            pltpu.VMEM((ROWS_PER_TILE, D), jnp.float32),
            pltpu.SemaphoreType.DMA,
            pltpu.SemaphoreType.DMA,
        ],
    )(_spmm_body)
    return kern(support, col, row, ew, b)




def kernel(x, edge_index, edge_weight, W, b):
    ei = edge_index.astype(jnp.int32)
    pad = E_PAD - N_EDGES
    row = jnp.concatenate([ei[0], jnp.zeros((pad,), jnp.int32)])
    col = jnp.concatenate([ei[1], jnp.zeros((pad,), jnp.int32)])
    ew = jnp.concatenate([edge_weight.astype(jnp.float32),
                          jnp.zeros((pad,), jnp.float32)])

    support = _matmul(x, W)
    return _spmm(support, col, row, ew, b)

# --- scband reference (transcript-rebuilt; emitter-appended) ---
"""Pipeline reference for scband-gcnconv-15247133900890 (READ-ONLY COPY).

The authoritative reference and input builder live on the scoring server;
editing this copy changes nothing except your own understanding.
"""

import jax, jax.numpy as jnp
import numpy as np

N_NODES = 10000
N_EDGES = 320000
D_IN = 128
D_OUT = 128

def setup_inputs(seed: int = 0) -> dict:
    key = jax.random.key(seed)
    k_x, k_ei, k_ew, k_w, k_b = jax.random.split(key, 5)
    x = jax.random.normal(k_x, (N_NODES, D_IN), dtype=jnp.float32)
    edge_index = jax.random.randint(k_ei, (2, N_EDGES), 0, N_NODES, dtype=jnp.int64)
    edge_weight = jax.random.uniform(k_ew, (N_EDGES,), dtype=jnp.float32)
    # xavier_uniform for weight [in, out]
    limit_w = float(np.sqrt(6.0 / (D_IN + D_OUT)))
    W = jax.random.uniform(k_w, (D_IN, D_OUT), dtype=jnp.float32, minval=-limit_w, maxval=limit_w)
    limit_b = float(np.sqrt(6.0 / (1 + D_OUT)))
    b = jax.random.uniform(k_b, (D_OUT,), dtype=jnp.float32, minval=-limit_b, maxval=limit_b)
    return {"x": x, "edge_index": edge_index, "edge_weight": edge_weight, "W": W, "b": b}

def reference(x, edge_index, edge_weight, W, b):
    # support = x @ W  (torch.mm)
    support = jnp.dot(x, W)
    # output = spmm(adj, support): out[row] += adj[row, col] * support[col]
    row = edge_index[0]
    col = edge_index[1]
    msgs = jnp.take(support, col, axis=0) * edge_weight[:, None]
    output = jax.ops.segment_sum(msgs, row, num_segments=x.shape[0])
    return output + b

if __name__ == "__main__":
    import jax
    _d = setup_inputs()
    print(jax.jit(kernel)(*tuple(_d.values())))

</pallas_src>

<mosaic_0001>
#map = affine_map<(d0, d1) -> (0, 0)>
#map1 = affine_map<(d0, d1) -> (0)>
module attributes {stable_mosaic.version = 14 : i64} {
  func.func @_spmm_body(%arg0: i32, %arg1: i32, %arg2: memref<10000x128xf32, #tpu.memory_space<hbm>>, %arg3: memref<321536xi32, #tpu.memory_space<hbm>>, %arg4: memref<321536xi32, #tpu.memory_space<hbm>>, %arg5: memref<321536xf32, #tpu.memory_space<hbm>>, %arg6: memref<128xf32, #tpu.memory_space<hbm>>, %arg7: memref<10000x128xf32, #tpu.memory_space<hbm>>, %arg8: memref<5000x128xf32, #tpu.memory_space<vmem_shared>>, %arg9: memref<128xi32, #tpu.memory_space<vmem>>, %arg10: memref<128xi32, #tpu.memory_space<vmem>>, %arg11: memref<128xf32, #tpu.memory_space<vmem>>, %arg12: memref<128x128xf32, #tpu.memory_space<vmem>>, %arg13: memref<128xf32, #tpu.memory_space<vmem>>, %arg14: memref<312x128xf32, #tpu.memory_space<vmem>>, %arg15: memref<!tpu.dma_semaphore, #tpu.memory_space<semaphore_mem>>, %arg16: memref<!tpu.dma_semaphore, #tpu.memory_space<semaphore_mem>>) attributes {dimension_semantics = [#tpu.dimension_semantics<core_parallel>, #tpu.dimension_semantics<subcore_parallel>], iteration_bounds = array<i64: 2, 16>, scalar_prefetch = 0 : i64, scratch_operands = 9 : i64, tpu.core_type = #tpu.core_type<sc_vector_subcore>, window_params = [{transform_indices = #map}, {transform_indices = #map1}, {transform_indices = #map1}, {transform_indices = #map1}, {transform_indices = #map1}, {transform_indices = #map}]} {
    %mul3A = arith.constant 5000 : i32
    %mul3A_0 = arith.muli %arg0, %mul3A : i32
    "tpu.region"() ({
      %run_scoped3A = tpu.sem_alloc : memref<!tpu.dma_semaphore, #tpu.memory_space<semaphore_mem>>
      tpu.enqueue_dma source(%arg6 : memref<128xf32, #tpu.memory_space<hbm>>) target(%arg13 : memref<128xf32, #tpu.memory_space<vmem>>) target_semaphore(%run_scoped3A : memref<!tpu.dma_semaphore, #tpu.memory_space<semaphore_mem>>)
      tpu.wait_dma2 semaphore(%run_scoped3A : memref<!tpu.dma_semaphore, #tpu.memory_space<semaphore_mem>>) src(%arg6 : memref<128xf32, #tpu.memory_space<hbm>>) dst(%arg13 : memref<128xf32, #tpu.memory_space<vmem>>)
      tpu.yield
    }) : () -> ()
    %scan3A = arith.constant 0 : i32
    %scan3A_1 = arith.constant 0 : i32
    %scan3A_2 = arith.constant 312 : i32
    %scan3A_3 = arith.addi %scan3A_1, %scan3A_2 : i32
    %scan3A_4 = arith.constant 1 : i32
    %scan3A_5 = scf.for %scan3A_73 = %scan3A_1 to %scan3A_3 step %scan3A_4 iter_args(%scan3A_74 = %scan3A) -> (i32)  : i32 {
      %get3A = arith.constant 0 : index
      %get3A_75 = tpu.vector_load %arg13[%get3A] {strides = array<i32>} : memref<128xf32, #tpu.memory_space<vmem>>, vector<16xf32>,
      %get3A_76 = vector.shape_cast %get3A_75 : vector<16xf32> to vector<16xf32>
      %swap3A_77 = arith.index_cast %scan3A_73 : i32 to index
      %swap3A_78 = arith.constant 0 : index
      %swap3A_79 = tpu.vector_load %arg14[%swap3A_77, %swap3A_78] {strides = array<i32>} : memref<312x128xf32, #tpu.memory_space<vmem>>, vector<1x16xf32>,
      %swap3A_80 = vector.shape_cast %swap3A_79 : vector<1x16xf32> to vector<16xf32>
      %swap3A_81 = vector.shape_cast %get3A_76 : vector<16xf32> to vector<1x16xf32>
      tpu.vector_store %arg14[%swap3A_77, %swap3A_78], %swap3A_81 {strides = array<i32>} : memref<312x128xf32, #tpu.memory_space<vmem>>, vector<1x16xf32>,
      %get3A_82 = arith.constant 16 : index
      %get3A_83 = tpu.vector_load %arg13[%get3A_82] {strides = array<i32>} : memref<128xf32, #tpu.memory_space<vmem>>, vector<16xf32>,
      %get3A_84 = vector.shape_cast %get3A_83 : vector<16xf32> to vector<16xf32>
      %swap3A_85 = arith.index_cast %scan3A_73 : i32 to index
      %swap3A_86 = arith.constant 16 : index
      %swap3A_87 = tpu.vector_load %arg14[%swap3A_85, %swap3A_86] {strides = array<i32>} : memref<312x128xf32, #tpu.memory_space<vmem>>, vector<1x16xf32>,
      %swap3A_88 = vector.shape_cast %swap3A_87 : vector<1x16xf32> to vector<16xf32>
      %swap3A_89 = vector.shape_cast %get3A_84 : vector<16xf32> to vector<1x16xf32>
      tpu.vector_store %arg14[%swap3A_85, %swap3A_86], %swap3A_89 {strides = array<i32>} : memref<312x128xf32, #tpu.memory_space<vmem>>, vector<1x16xf32>,
      %get3A_90 = arith.constant 32 : index
      %get3A_91 = tpu.vector_load %arg13[%get3A_90] {strides = array<i32>} : memref<128xf32, #tpu.memory_space<vmem>>, vector<16xf32>,
      %get3A_92 = vector.shape_cast %get3A_91 : vector<16xf32> to vector<16xf32>
      %swap3A_93 = arith.index_cast %scan3A_73 : i32 to index
      %swap3A_94 = arith.constant 32 : index
      %swap3A_95 = tpu.vector_load %arg14[%swap3A_93, %swap3A_94] {strides = array<i32>} : memref<312x128xf32, #tpu.memory_space<vmem>>, vector<1x16xf32>,
      %swap3A_96 = vector.shape_cast %swap3A_95 : vector<1x16xf32> to vector<16xf32>
      %swap3A_97 = vector.shape_cast %get3A_92 : vector<16xf32> to vector<1x16xf32>
      tpu.vector_store %arg14[%swap3A_93, %swap3A_94], %swap3A_97 {strides = array<i32>} : memref<312x128xf32, #tpu.memory_space<vmem>>, vector<1x16xf32>,
      %get3A_98 = arith.constant 48 : index
      %get3A_99 = tpu.vector_load %arg13[%get3A_98] {strides = array<i32>} : memref<128xf32, #tpu.memory_space<vmem>>, vector<16xf32>,
      %get3A_100 = vector.shape_cast %get3A_99 : vector<16xf32> to vector<16xf32>
      %swap3A_101 = arith.index_cast %scan3A_73 : i32 to index
      %swap3A_102 = arith.constant 48 : index
      %swap3A_103 = tpu.vector_load %arg14[%swap3A_101, %swap3A_102] {strides = array<i32>} : memref<312x128xf32, #tpu.memory_space<vmem>>, vector<1x16xf32>,
      %swap3A_104 = vector.shape_cast %swap3A_103 : vector<1x16xf32> to vector<16xf32>
      %swap3A_105 = vector.shape_cast %get3A_100 : vector<16xf32> to vector<1x16xf32>
      tpu.vector_store %arg14[%swap3A_101, %swap3A_102], %swap3A_105 {strides = array<i32>} : memref<312x128xf32, #tpu.memory_space<vmem>>, vector<1x16xf32>,
      %get3A_106 = arith.constant 64 : index
      %get3A_107 = tpu.vector_load %arg13[%get3A_106] {strides = array<i32>} : memref<128xf32, #tpu.memory_space<vmem>>, vector<16xf32>,
      %get3A_108 = vector.shape_cast %get3A_107 : vector<16xf32> to vector<16xf32>
      %swap3A_109 = arith.index_cast %scan3A_73 : i32 to index
      %swap3A_110 = arith.constant 64 : index
      %swap3A_111 = tpu.vector_load %arg14[%swap3A_109, %swap3A_110] {strides = array<i32>} : memref<312x128xf32, #tpu.memory_space<vmem>>, vector<1x16xf32>,
      %swap3A_112 = vector.shape_cast %swap3A_111 : vector<1x16xf32> to vector<16xf32>
      %swap3A_113 = vector.shape_cast %get3A_108 : vector<16xf32> to vector<1x16xf32>
      tpu.vector_store %arg14[%swap3A_109, %swap3A_110], %swap3A_113 {strides = array<i32>} : memref<312x128xf32, #tpu.memory_space<vmem>>, vector<1x16xf32>,
      %get3A_114 = arith.constant 80 : index
      %get3A_115 = tpu.vector_load %arg13[%get3A_114] {strides = array<i32>} : memref<128xf32, #tpu.memory_space<vmem>>, vector<16xf32>,
      %get3A_116 = vector.shape_cast %get3A_115 : vector<16xf32> to vector<16xf32>
      %swap3A_117 = arith.index_cast %scan3A_73 : i32 to index
      %swap3A_118 = arith.constant 80 : index
      %swap3A_119 = tpu.vector_load %arg14[%swap3A_117, %swap3A_118] {strides = array<i32>} : memref<312x128xf32, #tpu.memory_space<vmem>>, vector<1x16xf32>,
      %swap3A_120 = vector.shape_cast %swap3A_119 : vector<1x16xf32> to vector<16xf32>
      %swap3A_121 = vector.shape_cast %get3A_116 : vector<16xf32> to vector<1x16xf32>
      tpu.vector_store %arg14[%swap3A_117, %swap3A_118], %swap3A_121 {strides = array<i32>} : memref<312x128xf32, #tpu.memory_space<vmem>>, vector<1x16xf32>,
      %get3A_122 = arith.constant 96 : index
      %get3A_123 = tpu.vector_load %arg13[%get3A_122] {strides = array<i32>} : memref<128xf32, #tpu.memory_space<vmem>>, vector<16xf32>,
      %get3A_124 = vector.shape_cast %get3A_123 : vector<16xf32> to vector<16xf32>
      %swap3A_125 = arith.index_cast %scan3A_73 : i32 to index
      %swap3A_126 = arith.constant 96 : index
      %swap3A_127 = tpu.vector_load %arg14[%swap3A_125, %swap3A_126] {strides = array<i32>} : memref<312x128xf32, #tpu.memory_space<vmem>>, vector<1x16xf32>,
      %swap3A_128 = vector.shape_cast %swap3A_127 : vector<1x16xf32> to vector<16xf32>
      %swap3A_129 = vector.shape_cast %get3A_124 : vector<16xf32> to vector<1x16xf32>
      tpu.vector_store %arg14[%swap3A_125, %swap3A_126], %swap3A_129 {strides = array<i32>} : memref<312x128xf32, #tpu.memory_space<vmem>>, vector<1x16xf32>,
      %get3A_130 = arith.constant 112 : index
      %get3A_131 = tpu.vector_load %arg13[%get3A_130] {strides = array<i32>} : memref<128xf32, #tpu.memory_space<vmem>>, vector<16xf32>,
      %get3A_132 = vector.shape_cast %get3A_131 : vector<16xf32> to vector<16xf32>
      %swap3A_133 = arith.index_cast %scan3A_73 : i32 to index
      %swap3A_134 = arith.constant 112 : index
      %swap3A_135 = tpu.vector_load %arg14[%swap3A_133, %swap3A_134] {strides = array<i32>} : memref<312x128xf32, #tpu.memory_space<vmem>>, vector<1x16xf32>,
      %swap3A_136 = vector.shape_cast %swap3A_135 : vector<1x16xf32> to vector<16xf32>
      %swap3A_137 = vector.shape_cast %get3A_132 : vector<16xf32> to vector<1x16xf32>
      tpu.vector_store %arg14[%swap3A_133, %swap3A_134], %swap3A_137 {strides = array<i32>} : memref<312x128xf32, #tpu.memory_space<vmem>>, vector<1x16xf32>,
      %scan3A_138 = arith.constant 0 : i32
      scf.yield %scan3A_138 : i32
    }
    %scan3A_6 = arith.constant 312 : i32
    %mul3A_7 = arith.constant 312 : i32
    %mul3A_8 = arith.muli %arg1, %mul3A_7 : i32
    "tpu.region"() ({
      %run_scoped3A = tpu.sem_alloc : memref<!tpu.dma_semaphore, #tpu.memory_space<semaphore_mem>>
      %dma_start3A_73 = arith.constant 0 : i32
      %dma_start3A_74 = tpu.memref_slice %arg8[%mul3A_8, %dma_start3A_73] : memref<5000x128xf32, #tpu.memory_space<vmem_shared>> -> memref<312x128xf32, #tpu.memory_space<vmem_shared>>
      %dma_start3A_75 = arith.constant 0 : i32
      %dma_start3A_76 = tpu.memref_slice %arg8[%mul3A_8, %dma_start3A_75] : memref<5000x128xf32, #tpu.memory_space<vmem_shared>> -> memref<312x128xf32, #tpu.memory_space<vmem_shared>>
      tpu.enqueue_dma source(%arg14 : memref<312x128xf32, #tpu.memory_space<vmem>>) target(%dma_start3A_76 : memref<312x128xf32, #tpu.memory_space<vmem_shared>>) target_semaphore(%run_scoped3A : memref<!tpu.dma_semaphore, #tpu.memory_space<semaphore_mem>>)
      %dma_wait3A_77 = arith.constant 0 : i32
      %dma_wait3A_78 = tpu.memref_slice %arg8[%mul3A_8, %dma_wait3A_77] : memref<5000x128xf32, #tpu.memory_space<vmem_shared>> -> memref<312x128xf32, #tpu.memory_space<vmem_shared>>
      %dma_wait3A_79 = arith.constant 0 : i32
      %dma_wait3A_80 = tpu.memref_slice %arg8[%mul3A_8, %dma_wait3A_79] : memref<5000x128xf32, #tpu.memory_space<vmem_shared>> -> memref<312x128xf32, #tpu.memory_space<vmem_shared>>
      tpu.wait_dma2 semaphore(%run_scoped3A : memref<!tpu.dma_semaphore, #tpu.memory_space<semaphore_mem>>) src(%arg14 : memref<312x128xf32, #tpu.memory_space<vmem>>) dst(%dma_wait3A_80 : memref<312x128xf32, #tpu.memory_space<vmem_shared>>)
      tpu.yield
    }) : () -> ()
    %eq3A = arith.constant 15 : i32
    %eq3A_9 = arith.cmpi eq, %arg1, %eq3A : i32
    %convert_element_type3A = arith.extui %eq3A_9 : i1 to i32
    %cond3A = arith.constant 0 : i32
    %cond3A_10 = arith.cmpi ne, %convert_element_type3A, %cond3A : i32
    scf.if %cond3A_10 {
      "tpu.region"() ({
        %run_scoped3A = tpu.sem_alloc : memref<!tpu.dma_semaphore, #tpu.memory_space<semaphore_mem>>
        %dma_start3A_73 = arith.constant 0 : i32
        %dma_start3A_74 = arith.constant 0 : i32
        %dma_start3A_75 = tpu.memref_slice %arg14[%dma_start3A_73, %dma_start3A_74] : memref<312x128xf32, #tpu.memory_space<vmem>> -> memref<8x128xf32, #tpu.memory_space<vmem>>
        %dma_start3A_76 = arith.constant 4992 : i32
        %dma_start3A_77 = arith.constant 0 : i32
        %dma_start3A_78 = tpu.memref_slice %arg8[%dma_start3A_76, %dma_start3A_77] : memref<5000x128xf32, #tpu.memory_space<vmem_shared>> -> memref<8x128xf32, #tpu.memory_space<vmem_shared>>
        %dma_start3A_79 = arith.constant 4992 : i32
        %dma_start3A_80 = arith.constant 0 : i32
        %dma_start3A_81 = tpu.memref_slice %arg8[%dma_start3A_79, %dma_start3A_80] : memref<5000x128xf32, #tpu.memory_space<vmem_shared>> -> memref<8x128xf32, #tpu.memory_space<vmem_shared>>
        %dma_start3A_82 = arith.constant 0 : i32
        %dma_start3A_83 = arith.constant 0 : i32
        %dma_start3A_84 = tpu.memref_slice %arg14[%dma_start3A_82, %dma_start3A_83] : memref<312x128xf32, #tpu.memory_space<vmem>> -> memref<8x128xf32, #tpu.memory_space<vmem>>
        tpu.enqueue_dma source(%dma_start3A_84 : memref<8x128xf32, #tpu.memory_space<vmem>>) target(%dma_start3A_81 : memref<8x128xf32, #tpu.memory_space<vmem_shared>>) target_semaphore(%run_scoped3A : memref<!tpu.dma_semaphore, #tpu.memory_space<semaphore_mem>>)
        %dma_wait3A_85 = arith.constant 0 : i32
        %dma_wait3A_86 = arith.constant 0 : i32
        %dma_wait3A_87 = tpu.memref_slice %arg14[%dma_wait3A_85, %dma_wait3A_86] : memref<312x128xf32, #tpu.memory_space<vmem>> -> memref<8x128xf32, #tpu.memory_space<vmem>>
        %dma_wait3A_88 = arith.constant 4992 : i32
        %dma_wait3A_89 = arith.constant 0 : i32
        %dma_wait3A_90 = tpu.memref_slice %arg8[%dma_wait3A_88, %dma_wait3A_89] : memref<5000x128xf32, #tpu.memory_space<vmem_shared>> -> memref<8x128xf32, #tpu.memory_space<vmem_shared>>
        %dma_wait3A_91 = arith.constant 4992 : i32
        %dma_wait3A_92 = arith.constant 0 : i32
        %dma_wait3A_93 = tpu.memref_slice %arg8[%dma_wait3A_91, %dma_wait3A_92] : memref<5000x128xf32, #tpu.memory_space<vmem_shared>> -> memref<8x128xf32, #tpu.memory_space<vmem_shared>>
        %dma_wait3A_94 = arith.constant 0 : i32
        %dma_wait3A_95 = arith.constant 0 : i32
        %dma_wait3A_96 = tpu.memref_slice %arg14[%dma_wait3A_94, %dma_wait3A_95] : memref<312x128xf32, #tpu.memory_space<vmem>> -> memref<8x128xf32, #tpu.memory_space<vmem>>
        tpu.wait_dma2 semaphore(%run_scoped3A : memref<!tpu.dma_semaphore, #tpu.memory_space<semaphore_mem>>) src(%dma_wait3A_96 : memref<8x128xf32, #tpu.memory_space<vmem>>) dst(%dma_wait3A_93 : memref<8x128xf32, #tpu.memory_space<vmem_shared>>)
        tpu.yield
      }) : () -> ()
    } else {
    }
    %barrier3A = arith.constant 0 : index
    tpu.barrier barrier_id(%barrier3A)
    %broadcast_in_dim3A = arith.constant 0.000000e+00 : f32
    %broadcast_in_dim3A_11 = vector.broadcast %broadcast_in_dim3A : f32 to vector<16xf32>
    %scan3A_12 = arith.constant 0 : i32
    %scan3A_13 = arith.constant 0 : i32
    %scan3A_14 = arith.constant 128 : i32
    %scan3A_15 = arith.addi %scan3A_13, %scan3A_14 : i32
    %scan3A_16 = arith.constant 1 : i32
    %scan3A_17 = scf.for %scan3A_73 = %scan3A_13 to %scan3A_15 step %scan3A_16 iter_args(%scan3A_74 = %scan3A_12) -> (i32)  : i32 {
      %swap3A_75 = arith.index_cast %scan3A_73 : i32 to index
      %swap3A_76 = arith.constant 0 : index
      %swap3A_77 = tpu.vector_load %arg12[%swap3A_75, %swap3A_76] {strides = array<i32>} : memref<128x128xf32, #tpu.memory_space<vmem>>, vector<1x16xf32>,
      %swap3A_78 = vector.shape_cast %swap3A_77 : vector<1x16xf32> to vector<16xf32>
      %swap3A_79 = vector.shape_cast %broadcast_in_dim3A_11 : vector<16xf32> to vector<1x16xf32>
      tpu.vector_store %arg12[%swap3A_75, %swap3A_76], %swap3A_79 {strides = array<i32>} : memref<128x128xf32, #tpu.memory_space<vmem>>, vector<1x16xf32>,
      %swap3A_80 = arith.index_cast %scan3A_73 : i32 to index
      %swap3A_81 = arith.constant 16 : index
      %swap3A_82 = tpu.vector_load %arg12[%swap3A_80, %swap3A_81] {strides = array<i32>} : memref<128x128xf32, #tpu.memory_space<vmem>>, vector<1x16xf32>,
      %swap3A_83 = vector.shape_cast %swap3A_82 : vector<1x16xf32> to vector<16xf32>
      %swap3A_84 = vector.shape_cast %broadcast_in_dim3A_11 : vector<16xf32> to vector<1x16xf32>
      tpu.vector_store %arg12[%swap3A_80, %swap3A_81], %swap3A_84 {strides = array<i32>} : memref<128x128xf32, #tpu.memory_space<vmem>>, vector<1x16xf32>,
      %swap3A_85 = arith.index_cast %scan3A_73 : i32 to index
      %swap3A_86 = arith.constant 32 : index
      %swap3A_87 = tpu.vector_load %arg12[%swap3A_85, %swap3A_86] {strides = array<i32>} : memref<128x128xf32, #tpu.memory_space<vmem>>, vector<1x16xf32>,
      %swap3A_88 = vector.shape_cast %swap3A_87 : vector<1x16xf32> to vector<16xf32>
      %swap3A_89 = vector.shape_cast %broadcast_in_dim3A_11 : vector<16xf32> to vector<1x16xf32>
      tpu.vector_store %arg12[%swap3A_85, %swap3A_86], %swap3A_89 {strides = array<i32>} : memref<128x128xf32, #tpu.memory_space<vmem>>, vector<1x16xf32>,
      %swap3A_90 = arith.index_cast %scan3A_73 : i32 to index
      %swap3A_91 = arith.constant 48 : index
      %swap3A_92 = tpu.vector_load %arg12[%swap3A_90, %swap3A_91] {strides = array<i32>} : memref<128x128xf32, #tpu.memory_space<vmem>>, vector<1x16xf32>,
      %swap3A_93 = vector.shape_cast %swap3A_92 : vector<1x16xf32> to vector<16xf32>
      %swap3A_94 = vector.shape_cast %broadcast_in_dim3A_11 : vector<16xf32> to vector<1x16xf32>
      tpu.vector_store %arg12[%swap3A_90, %swap3A_91], %swap3A_94 {strides = array<i32>} : memref<128x128xf32, #tpu.memory_space<vmem>>, vector<1x16xf32>,
      %swap3A_95 = arith.index_cast %scan3A_73 : i32 to index
      %swap3A_96 = arith.constant 64 : index
      %swap3A_97 = tpu.vector_load %arg12[%swap3A_95, %swap3A_96] {strides = array<i32>} : memref<128x128xf32, #tpu.memory_space<vmem>>, vector<1x16xf32>,
      %swap3A_98 = vector.shape_cast %swap3A_97 : vector<1x16xf32> to vector<16xf32>
      %swap3A_99 = vector.shape_cast %broadcast_in_dim3A_11 : vector<16xf32> to vector<1x16xf32>
      tpu.vector_store %arg12[%swap3A_95, %swap3A_96], %swap3A_99 {strides = array<i32>} : memref<128x128xf32, #tpu.memory_space<vmem>>, vector<1x16xf32>,
      %swap3A_100 = arith.index_cast %scan3A_73 : i32 to index
      %swap3A_101 = arith.constant 80 : index
      %swap3A_102 = tpu.vector_load %arg12[%swap3A_100, %swap3A_101] {strides = array<i32>} : memref<128x128xf32, #tpu.memory_space<vmem>>, vector<1x16xf32>,
      %swap3A_103 = vector.shape_cast %swap3A_102 : vector<1x16xf32> to vector<16xf32>
      %swap3A_104 = vector.shape_cast %broadcast_in_dim3A_11 : vector<16xf32> to vector<1x16xf32>
      tpu.vector_store %arg12[%swap3A_100, %swap3A_101], %swap3A_104 {strides = array<i32>} : memref<128x128xf32, #tpu.memory_space<vmem>>, vector<1x16xf32>,
      %swap3A_105 = arith.index_cast %scan3A_73 : i32 to index
      %swap3A_106 = arith.constant 96 : index
      %swap3A_107 = tpu.vector_load %arg12[%swap3A_105, %swap3A_106] {strides = array<i32>} : memref<128x128xf32, #tpu.memory_space<vmem>>, vector<1x16xf32>,
      %swap3A_108 = vector.shape_cast %swap3A_107 : vector<1x16xf32> to vector<16xf32>
      %swap3A_109 = vector.shape_cast %broadcast_in_dim3A_11 : vector<16xf32> to vector<1x16xf32>
      tpu.vector_store %arg12[%swap3A_105, %swap3A_106], %swap3A_109 {strides = array<i32>} : memref<128x128xf32, #tpu.memory_space<vmem>>, vector<1x16xf32>,
      %swap3A_110 = arith.index_cast %scan3A_73 : i32 to index
      %swap3A_111 = arith.constant 112 : index
      %swap3A_112 = tpu.vector_load %arg12[%swap3A_110, %swap3A_111] {strides = array<i32>} : memref<128x128xf32, #tpu.memory_space<vmem>>, vector<1x16xf32>,
      %swap3A_113 = vector.shape_cast %swap3A_112 : vector<1x16xf32> to vector<16xf32>
      %swap3A_114 = vector.shape_cast %broadcast_in_dim3A_11 : vector<16xf32> to vector<1x16xf32>
      tpu.vector_store %arg12[%swap3A_110, %swap3A_111], %swap3A_114 {strides = array<i32>} : memref<128x128xf32, #tpu.memory_space<vmem>>, vector<1x16xf32>,
      %scan3A_115 = arith.constant 0 : i32
      scf.yield %scan3A_115 : i32
    }
    %scan3A_18 = arith.constant 128 : i32
    %broadcast_in_dim3A_19 = arith.constant 0 : i32
    %broadcast_in_dim3A_20 = vector.broadcast %broadcast_in_dim3A_19 : i32 to vector<16xi32>
    %swap3A = arith.constant 0 : index
    %swap3A_21 = tpu.vector_load %arg10[%swap3A] {strides = array<i32>} : memref<128xi32, #tpu.memory_space<vmem>>, vector<16xi32>,
    %swap3A_22 = vector.shape_cast %swap3A_21 : vector<16xi32> to vector<16xi32>
    %swap3A_23 = vector.shape_cast %broadcast_in_dim3A_20 : vector<16xi32> to vector<16xi32>
    tpu.vector_store %arg10[%swap3A], %swap3A_23 {strides = array<i32>} : memref<128xi32, #tpu.memory_space<vmem>>, vector<16xi32>,
    %swap3A_24 = arith.constant 16 : index
    %swap3A_25 = tpu.vector_load %arg10[%swap3A_24] {strides = array<i32>} : memref<128xi32, #tpu.memory_space<vmem>>, vector<16xi32>,
    %swap3A_26 = vector.shape_cast %swap3A_25 : vector<16xi32> to vector<16xi32>
    %swap3A_27 = vector.shape_cast %broadcast_in_dim3A_20 : vector<16xi32> to vector<16xi32>
    tpu.vector_store %arg10[%swap3A_24], %swap3A_27 {strides = array<i32>} : memref<128xi32, #tpu.memory_space<vmem>>, vector<16xi32>,
    %swap3A_28 = arith.constant 32 : index
    %swap3A_29 = tpu.vector_load %arg10[%swap3A_28] {strides = array<i32>} : memref<128xi32, #tpu.memory_space<vmem>>, vector<16xi32>,
    %swap3A_30 = vector.shape_cast %swap3A_29 : vector<16xi32> to vector<16xi32>
    %swap3A_31 = vector.shape_cast %broadcast_in_dim3A_20 : vector<16xi32> to vector<16xi32>
    tpu.vector_store %arg10[%swap3A_28], %swap3A_31 {strides = array<i32>} : memref<128xi32, #tpu.memory_space<vmem>>, vector<16xi32>,
    %swap3A_32 = arith.constant 48 : index
    %swap3A_33 = tpu.vector_load %arg10[%swap3A_32] {strides = array<i32>} : memref<128xi32, #tpu.memory_space<vmem>>, vector<16xi32>,
    %swap3A_34 = vector.shape_cast %swap3A_33 : vector<16xi32> to vector<16xi32>
    %swap3A_35 = vector.shape_cast %broadcast_in_dim3A_20 : vector<16xi32> to vector<16xi32>
    tpu.vector_store %arg10[%swap3A_32], %swap3A_35 {strides = array<i32>} : memref<128xi32, #tpu.memory_space<vmem>>, vector<16xi32>,
    %swap3A_36 = arith.constant 64 : index
    %swap3A_37 = tpu.vector_load %arg10[%swap3A_36] {strides = array<i32>} : memref<128xi32, #tpu.memory_space<vmem>>, vector<16xi32>,
    %swap3A_38 = vector.shape_cast %swap3A_37 : vector<16xi32> to vector<16xi32>
    %swap3A_39 = vector.shape_cast %broadcast_in_dim3A_20 : vector<16xi32> to vector<16xi32>
    tpu.vector_store %arg10[%swap3A_36], %swap3A_39 {strides = array<i32>} : memref<128xi32, #tpu.memory_space<vmem>>, vector<16xi32>,
    %swap3A_40 = arith.constant 80 : index
    %swap3A_41 = tpu.vector_load %arg10[%swap3A_40] {strides = array<i32>} : memref<128xi32, #tpu.memory_space<vmem>>, vector<16xi32>,
    %swap3A_42 = vector.shape_cast %swap3A_41 : vector<16xi32> to vector<16xi32>
    %swap3A_43 = vector.shape_cast %broadcast_in_dim3A_20 : vector<16xi32> to vector<16xi32>
    tpu.vector_store %arg10[%swap3A_40], %swap3A_43 {strides = array<i32>} : memref<128xi32, #tpu.memory_space<vmem>>, vector<16xi32>,
    %swap3A_44 = arith.constant 96 : index
    %swap3A_45 = tpu.vector_load %arg10[%swap3A_44] {strides = array<i32>} : memref<128xi32, #tpu.memory_space<vmem>>, vector<16xi32>,
    %swap3A_46 = vector.shape_cast %swap3A_45 : vector<16xi32> to vector<16xi32>
    %swap3A_47 = vector.shape_cast %broadcast_in_dim3A_20 : vector<16xi32> to vector<16xi32>
    tpu.vector_store %arg10[%swap3A_44], %swap3A_47 {strides = array<i32>} : memref<128xi32, #tpu.memory_space<vmem>>, vector<16xi32>,
    %swap3A_48 = arith.constant 112 : index
    %swap3A_49 = tpu.vector_load %arg10[%swap3A_48] {strides = array<i32>} : memref<128xi32, #tpu.memory_space<vmem>>, vector<16xi32>,
    %swap3A_50 = vector.shape_cast %swap3A_49 : vector<16xi32> to vector<16xi32>
    %swap3A_51 = vector.shape_cast %broadcast_in_dim3A_20 : vector<16xi32> to vector<16xi32>
    tpu.vector_store %arg10[%swap3A_48], %swap3A_51 {strides = array<i32>} : memref<128xi32, #tpu.memory_space<vmem>>, vector<16xi32>,
    %dma_start3A = arith.constant 0 : i32
    %dma_start3A_52 = arith.constant 0 : i32
    %dma_start3A_53 = tpu.memref_slice %arg8[%dma_start3A, %dma_start3A_52] : memref<5000x128xf32, #tpu.memory_space<vmem_shared>> -> memref<5000x128xf32, #tpu.memory_space<vmem_shared>>
    tpu.enqueue_indirect_dma source(%arg12 : memref<128x128xf32, #tpu.memory_space<vmem>>) target(%dma_start3A_53 : memref<5000x128xf32, #tpu.memory_space<vmem_shared>>) offsets(%arg10 : memref<128xi32, #tpu.memory_space<vmem>>) semaphore(%arg16 : memref<!tpu.dma_semaphore, #tpu.memory_space<semaphore_mem>>) {add = true}
    %scan3A_54 = arith.constant 0 : i32
    %scan3A_55 = arith.constant 0 : i32
    %scan3A_56 = arith.constant 157 : i32
    %scan3A_57 = arith.addi %scan3A_55, %scan3A_56 : i32
    %scan3A_58 = arith.constant 1 : i32
    %scan3A_59 = scf.for %scan3A_73 = %scan3A_55 to %scan3A_57 step %scan3A_58 iter_args(%scan3A_74 = %scan3A_54) -> (i32)  : i32 {
      %mul3A_75 = arith.constant 157 : i32
      %mul3A_76 = arith.muli %arg1, %mul3A_75 : i32
      %add3A_77 = arith.addi %mul3A_76, %scan3A_73 : i32
      %mul3A_78 = arith.constant 128 : i32
      %mul3A_79 = arith.muli %add3A_77, %mul3A_78 : i32
      "tpu.region"() ({
        %run_scoped3A = tpu.sem_alloc : memref<!tpu.dma_semaphore, #tpu.memory_space<semaphore_mem>>
        %dma_start3A_100 = tpu.memref_slice %arg3[%mul3A_79] : memref<321536xi32, #tpu.memory_space<hbm>> -> memref<128xi32, #tpu.memory_space<hbm>>
        %dma_start3A_101 = tpu.memref_slice %arg3[%mul3A_79] : memref<321536xi32, #tpu.memory_space<hbm>> -> memref<128xi32, #tpu.memory_space<hbm>>
        tpu.enqueue_dma source(%dma_start3A_101 : memref<128xi32, #tpu.memory_space<hbm>>) target(%arg9 : memref<128xi32, #tpu.memory_space<vmem>>) target_semaphore(%run_scoped3A : memref<!tpu.dma_semaphore, #tpu.memory_space<semaphore_mem>>)
        %dma_wait3A_102 = tpu.memref_slice %arg3[%mul3A_79] : memref<321536xi32, #tpu.memory_space<hbm>> -> memref<128xi32, #tpu.memory_space<hbm>>
        %dma_wait3A_103 = tpu.memref_slice %arg3[%mul3A_79] : memref<321536xi32, #tpu.memory_space<hbm>> -> memref<128xi32, #tpu.memory_space<hbm>>
        tpu.wait_dma2 semaphore(%run_scoped3A : memref<!tpu.dma_semaphore, #tpu.memory_space<semaphore_mem>>) src(%dma_wait3A_103 : memref<128xi32, #tpu.memory_space<hbm>>) dst(%arg9 : memref<128xi32, #tpu.memory_space<vmem>>)
        tpu.yield
      }) : () -> ()
      %dma_wait3A_80 = arith.constant 0 : i32
      %dma_wait3A_81 = arith.constant 0 : i32
      %dma_wait3A_82 = tpu.memref_slice %arg8[%dma_wait3A_80, %dma_wait3A_81] : memref<5000x128xf32, #tpu.memory_space<vmem_shared>> -> memref<5000x128xf32, #tpu.memory_space<vmem_shared>>
      tpu.wait_indirect_dma semaphore(%arg16 : memref<!tpu.dma_semaphore, #tpu.memory_space<semaphore_mem>>) src(%arg12 : memref<128x128xf32, #tpu.memory_space<vmem>>) dst(%dma_wait3A_82 : memref<5000x128xf32, #tpu.memory_space<vmem_shared>>)
      %dma_start3A_83 = arith.constant 0 : i32
      %dma_start3A_84 = arith.constant 0 : i32
      %dma_start3A_85 = tpu.memref_slice %arg2[%dma_start3A_83, %dma_start3A_84] : memref<10000x128xf32, #tpu.memory_space<hbm>> -> memref<10000x128xf32, #tpu.memory_space<hbm>>
      tpu.enqueue_indirect_dma source(%dma_start3A_85 : memref<10000x128xf32, #tpu.memory_space<hbm>>) target(%arg12 : memref<128x128xf32, #tpu.memory_space<vmem>>) offsets(%arg9 : memref<128xi32, #tpu.memory_space<vmem>>) semaphore(%arg15 : memref<!tpu.dma_semaphore, #tpu.memory_space<semaphore_mem>>)
      "tpu.region"() ({
        %run_scoped3A = tpu.sem_alloc : memref<!tpu.dma_semaphore, #tpu.memory_space<semaphore_mem>>
        %dma_start3A_100 = tpu.memref_slice %arg5[%mul3A_79] : memref<321536xf32, #tpu.memory_space<hbm>> -> memref<128xf32, #tpu.memory_space<hbm>>
        %dma_start3A_101 = tpu.memref_slice %arg5[%mul3A_79] : memref<321536xf32, #tpu.memory_space<hbm>> -> memref<128xf32, #tpu.memory_space<hbm>>
        tpu.enqueue_dma source(%dma_start3A_101 : memref<128xf32, #tpu.memory_space<hbm>>) target(%arg11 : memref<128xf32, #tpu.memory_space<vmem>>) target_semaphore(%run_scoped3A : memref<!tpu.dma_semaphore, #tpu.memory_space<semaphore_mem>>)
        %dma_wait3A_102 = tpu.memref_slice %arg5[%mul3A_79] : memref<321536xf32, #tpu.memory_space<hbm>> -> memref<128xf32, #tpu.memory_space<hbm>>
        %dma_wait3A_103 = tpu.memref_slice %arg5[%mul3A_79] : memref<321536xf32, #tpu.memory_space<hbm>> -> memref<128xf32, #tpu.memory_space<hbm>>
        tpu.wait_dma2 semaphore(%run_scoped3A : memref<!tpu.dma_semaphore, #tpu.memory_space<semaphore_mem>>) src(%dma_wait3A_103 : memref<128xf32, #tpu.memory_space<hbm>>) dst(%arg11 : memref<128xf32, #tpu.memory_space<vmem>>)
        tpu.yield
      }) : () -> ()
      "tpu.region"() ({
        %run_scoped3A = tpu.sem_alloc : memref<!tpu.dma_semaphore, #tpu.memory_space<semaphore_mem>>
        %dma_start3A_100 = tpu.memref_slice %arg4[%mul3A_79] : memref<321536xi32, #tpu.memory_space<hbm>> -> memref<128xi32, #tpu.memory_space<hbm>>
        %dma_start3A_101 = tpu.memref_slice %arg4[%mul3A_79] : memref<321536xi32, #tpu.memory_space<hbm>> -> memref<128xi32, #tpu.memory_space<hbm>>
        tpu.enqueue_dma source(%dma_start3A_101 : memref<128xi32, #tpu.memory_space<hbm>>) target(%arg10 : memref<128xi32, #tpu.memory_space<vmem>>) target_semaphore(%run_scoped3A : memref<!tpu.dma_semaphore, #tpu.memory_space<semaphore_mem>>)
        %dma_wait3A_102 = tpu.memref_slice %arg4[%mul3A_79] : memref<321536xi32, #tpu.memory_space<hbm>> -> memref<128xi32, #tpu.memory_space<hbm>>
        %dma_wait3A_103 = tpu.memref_slice %arg4[%mul3A_79] : memref<321536xi32, #tpu.memory_space<hbm>> -> memref<128xi32, #tpu.memory_space<hbm>>
        tpu.wait_dma2 semaphore(%run_scoped3A : memref<!tpu.dma_semaphore, #tpu.memory_space<semaphore_mem>>) src(%dma_wait3A_103 : memref<128xi32, #tpu.memory_space<hbm>>) dst(%arg10 : memref<128xi32, #tpu.memory_space<vmem>>)
        tpu.yield
      }) : () -> ()
      %dma_wait3A_86 = arith.constant 0 : i32
      %dma_wait3A_87 = arith.constant 0 : i32
      %dma_wait3A_88 = tpu.memref_slice %arg2[%dma_wait3A_86, %dma_wait3A_87] : memref<10000x128xf32, #tpu.memory_space<hbm>> -> memref<10000x128xf32, #tpu.memory_space<hbm>>
      tpu.wait_indirect_dma semaphore(%arg15 : memref<!tpu.dma_semaphore, #tpu.memory_space<semaphore_mem>>) src(%dma_wait3A_88 : memref<10000x128xf32, #tpu.memory_space<hbm>>) dst(%arg12 : memref<128x128xf32, #tpu.memory_space<vmem>>)
      %scan3A_89 = arith.constant 0 : i32
      %scan3A_90 = arith.constant 0 : i32
      %scan3A_91 = arith.constant 8 : i32
      %scan3A_92 = arith.addi %scan3A_90, %scan3A_91 : i32
      %scan3A_93 = arith.constant 1 : i32
      %scan3A_94 = scf.for %scan3A_100 = %scan3A_90 to %scan3A_92 step %scan3A_93 iter_args(%scan3A_101 = %scan3A_89) -> (i32)  : i32 {
        %mul3A_102 = arith.constant 16 : i32
        %mul3A_103 = arith.muli %scan3A_100, %mul3A_102 : i32
        %get3A = arith.index_cast %mul3A_103 : i32 to index
        %get3A_104 = tpu.vector_load %arg10[%get3A] {strides = array<i32>} : memref<128xi32, #tpu.memory_space<vmem>>, vector<16xi32>,
        %get3A_105 = vector.shape_cast %get3A_104 : vector<16xi32> to vector<16xi32>
        %sub3A = vector.broadcast %mul3A_0 : i32 to vector<16xi32>
        %sub3A_106 = arith.subi %get3A_105, %sub3A : vector<16xi32>
        %ge3A = arith.constant 0 : i32
        %ge3A_107 = vector.broadcast %ge3A : i32 to vector<16xi32>
        %ge3A_108 = arith.cmpi sge, %sub3A_106, %ge3A_107 : vector<16xi32>
        %lt3A = arith.constant 5000 : i32
        %lt3A_109 = vector.broadcast %lt3A : i32 to vector<16xi32>
        %lt3A_110 = arith.cmpi slt, %sub3A_106, %lt3A_109 : vector<16xi32>
        %and3A = arith.andi %ge3A_108, %lt3A_110 : vector<16xi1>
        %get3A_111 = arith.index_cast %mul3A_103 : i32 to index
        %get3A_112 = tpu.vector_load %arg11[%get3A_111] {strides = array<i32>} : memref<128xf32, #tpu.memory_space<vmem>>, vector<16xf32>,
        %get3A_113 = vector.shape_cast %get3A_112 : vector<16xf32> to vector<16xf32>
        %jit3A = arith.constant 0.000000e+00 : f32
        %broadcast_in_dim3A_114 = vector.broadcast %jit3A : f32 to vector<16xf32>
        %select_n3A = arith.select %and3A, %get3A_113, %broadcast_in_dim3A_114 : vector<16xi1>, vector<16xf32>
        %jit3A_115 = arith.constant 0 : i32
        %broadcast_in_dim3A_116 = vector.broadcast %jit3A_115 : i32 to vector<16xi32>
        %select_n3A_117 = arith.select %and3A, %sub3A_106, %broadcast_in_dim3A_116 : vector<16xi1>, vector<16xi32>
        %swap3A_118 = arith.index_cast %mul3A_103 : i32 to index
        %swap3A_119 = tpu.vector_load %arg10[%swap3A_118] {strides = array<i32>} : memref<128xi32, #tpu.memory_space<vmem>>, vector<16xi32>,
        %swap3A_120 = vector.shape_cast %swap3A_119 : vector<16xi32> to vector<16xi32>
        %swap3A_121 = vector.shape_cast %select_n3A_117 : vector<16xi32> to vector<16xi32>
        tpu.vector_store %arg10[%swap3A_118], %swap3A_121 {strides = array<i32>} : memref<128xi32, #tpu.memory_space<vmem>>, vector<16xi32>,
        %slice3A = vector.extract_strided_slice %select_n3A {offsets = [0], sizes = [1], strides = [1]} : vector<16xf32> to vector<1xf32>
        %squeeze3A = vector.extract %slice3A[0] : f32 from vector<1xf32>
        %mul3A_122 = arith.constant 16 : i32
        %mul3A_123 = arith.muli %scan3A_100, %mul3A_122 : i32
        %add3A_124 = arith.constant 0 : i32
        %add3A_125 = arith.addi %mul3A_123, %add3A_124 : i32
        %get3A_126 = arith.index_cast %add3A_125 : i32 to index
        %get3A_127 = arith.constant 0 : index
        %get3A_128 = tpu.vector_load %arg12[%get3A_126, %get3A_127] {strides = array<i32>} : memref<128x128xf32, #tpu.memory_space<vmem>>, vector<1x16xf32>,
        %get3A_129 = vector.shape_cast %get3A_128 : vector<1x16xf32> to vector<16xf32>
        %mul3A_130 = vector.broadcast %squeeze3A : f32 to vector<16xf32>
        %mul3A_131 = arith.mulf %get3A_129, %mul3A_130 : vector<16xf32>
        %swap3A_132 = arith.index_cast %add3A_125 : i32 to index
        %swap3A_133 = arith.constant 0 : index
        %swap3A_134 = tpu.vector_load %arg12[%swap3A_132, %swap3A_133] {strides = array<i32>} : memref<128x128xf32, #tpu.memory_space<vmem>>, vector<1x16xf32>,
        %swap3A_135 = vector.shape_cast %swap3A_134 : vector<1x16xf32> to vector<16xf32>
        %swap3A_136 = vector.shape_cast %mul3A_131 : vector<16xf32> to vector<1x16xf32>
        tpu.vector_store %arg12[%swap3A_132, %swap3A_133], %swap3A_136 {strides = array<i32>} : memref<128x128xf32, #tpu.memory_space<vmem>>, vector<1x16xf32>,
        %get3A_137 = arith.index_cast %add3A_125 : i32 to index
        %get3A_138 = arith.constant 16 : index
        %get3A_139 = tpu.vector_load %arg12[%get3A_137, %get3A_138] {strides = array<i32>} : memref<128x128xf32, #tpu.memory_space<vmem>>, vector<1x16xf32>,
        %get3A_140 = vector.shape_cast %get3A_139 : vector<1x16xf32> to vector<16xf32>
        %mul3A_141 = vector.broadcast %squeeze3A : f32 to vector<16xf32>
        %mul3A_142 = arith.mulf %get3A_140, %mul3A_141 : vector<16xf32>
        %swap3A_143 = arith.index_cast %add3A_125 : i32 to index
        %swap3A_144 = arith.constant 16 : index
        %swap3A_145 = tpu.vector_load %arg12[%swap3A_143, %swap3A_144] {strides = array<i32>} : memref<128x128xf32, #tpu.memory_space<vmem>>, vector<1x16xf32>,
        %swap3A_146 = vector.shape_cast %swap3A_145 : vector<1x16xf32> to vector<16xf32>
        %swap3A_147 = vector.shape_cast %mul3A_142 : vector<16xf32> to vector<1x16xf32>
        tpu.vector_store %arg12[%swap3A_143, %swap3A_144], %swap3A_147 {strides = array<i32>} : memref<128x128xf32, #tpu.memory_space<vmem>>, vector<1x16xf32>,
        %get3A_148 = arith.index_cast %add3A_125 : i32 to index
        %get3A_149 = arith.constant 32 : index
        %get3A_150 = tpu.vector_load %arg12[%get3A_148, %get3A_149] {strides = array<i32>} : memref<128x128xf32, #tpu.memory_space<vmem>>, vector<1x16xf32>,
        %get3A_151 = vector.shape_cast %get3A_150 : vector<1x16xf32> to vector<16xf32>
        %mul3A_152 = vector.broadcast %squeeze3A : f32 to vector<16xf32>
        %mul3A_153 = arith.mulf %get3A_151, %mul3A_152 : vector<16xf32>
        %swap3A_154 = arith.index_cast %add3A_125 : i32 to index
        %swap3A_155 = arith.constant 32 : index
        %swap3A_156 = tpu.vector_load %arg12[%swap3A_154, %swap3A_155] {strides = array<i32>} : memref<128x128xf32, #tpu.memory_space<vmem>>, vector<1x16xf32>,
        %swap3A_157 = vector.shape_cast %swap3A_156 : vector<1x16xf32> to vector<16xf32>
        %swap3A_158 = vector.shape_cast %mul3A_153 : vector<16xf32> to vector<1x16xf32>
        tpu.vector_store %arg12[%swap3A_154, %swap3A_155], %swap3A_158 {strides = array<i32>} : memref<128x128xf32, #tpu.memory_space<vmem>>, vector<1x16xf32>,
        %get3A_159 = arith.index_cast %add3A_125 : i32 to index
        %get3A_160 = arith.constant 48 : index
        %get3A_161 = tpu.vector_load %arg12[%get3A_159, %get3A_160] {strides = array<i32>} : memref<128x128xf32, #tpu.memory_space<vmem>>, vector<1x16xf32>,
        %get3A_162 = vector.shape_cast %get3A_161 : vector<1x16xf32> to vector<16xf32>
        %mul3A_163 = vector.broadcast %squeeze3A : f32 to vector<16xf32>
        %mul3A_164 = arith.mulf %get3A_162, %mul3A_163 : vector<16xf32>
        %swap3A_165 = arith.index_cast %add3A_125 : i32 to index
        %swap3A_166 = arith.constant 48 : index
        %swap3A_167 = tpu.vector_load %arg12[%swap3A_165, %swap3A_166] {strides = array<i32>} : memref<128x128xf32, #tpu.memory_space<vmem>>, vector<1x16xf32>,
        %swap3A_168 = vector.shape_cast %swap3A_167 : vector<1x16xf32> to vector<16xf32>
        %swap3A_169 = vector.shape_cast %mul3A_164 : vector<16xf32> to vector<1x16xf32>
        tpu.vector_store %arg12[%swap3A_165, %swap3A_166], %swap3A_169 {strides = array<i32>} : memref<128x128xf32, #tpu.memory_space<vmem>>, vector<1x16xf32>,
        %get3A_170 = arith.index_cast %add3A_125 : i32 to index
        %get3A_171 = arith.constant 64 : index
        %get3A_172 = tpu.vector_load %arg12[%get3A_170, %get3A_171] {strides = array<i32>} : memref<128x128xf32, #tpu.memory_space<vmem>>, vector<1x16xf32>,
        %get3A_173 = vector.shape_cast %get3A_172 : vector<1x16xf32> to vector<16xf32>
        %mul3A_174 = vector.broadcast %squeeze3A : f32 to vector<16xf32>
        %mul3A_175 = arith.mulf %get3A_173, %mul3A_174 : vector<16xf32>
        %swap3A_176 = arith.index_cast %add3A_125 : i32 to index
        %swap3A_177 = arith.constant 64 : index
        %swap3A_178 = tpu.vector_load %arg12[%swap3A_176, %swap3A_177] {strides = array<i32>} : memref<128x128xf32, #tpu.memory_space<vmem>>, vector<1x16xf32>,
        %swap3A_179 = vector.shape_cast %swap3A_178 : vector<1x16xf32> to vector<16xf32>
        %swap3A_180 = vector.shape_cast %mul3A_175 : vector<16xf32> to vector<1x16xf32>
        tpu.vector_store %arg12[%swap3A_176, %swap3A_177], %swap3A_180 {strides = array<i32>} : memref<128x128xf32, #tpu.memory_space<vmem>>, vector<1x16xf32>,
        %get3A_181 = arith.index_cast %add3A_125 : i32 to index
        %get3A_182 = arith.constant 80 : index
        %get3A_183 = tpu.vector_load %arg12[%get3A_181, %get3A_182] {strides = array<i32>} : memref<128x128xf32, #tpu.memory_space<vmem>>, vector<1x16xf32>,
        %get3A_184 = vector.shape_cast %get3A_183 : vector<1x16xf32> to vector<16xf32>
        %mul3A_185 = vector.broadcast %squeeze3A : f32 to vector<16xf32>
        %mul3A_186 = arith.mulf %get3A_184, %mul3A_185 : vector<16xf32>
        %swap3A_187 = arith.index_cast %add3A_125 : i32 to index
        %swap3A_188 = arith.constant 80 : index
        %swap3A_189 = tpu.vector_load %arg12[%swap3A_187, %swap3A_188] {strides = array<i32>} : memref<128x128xf32, #tpu.memory_space<vmem>>, vector<1x16xf32>,
        %swap3A_190 = vector.shape_cast %swap3A_189 : vector<1x16xf32> to vector<16xf32>
        %swap3A_191 = vector.shape_cast %mul3A_186 : vector<16xf32> to vector<1x16xf32>
        tpu.vector_store %arg12[%swap3A_187, %swap3A_188], %swap3A_191 {strides = array<i32>} : memref<128x128xf32, #tpu.memory_space<vmem>>, vector<1x16xf32>,
        %get3A_192 = arith.index_cast %add3A_125 : i32 to index
        %get3A_193 = arith.constant 96 : index
        %get3A_194 = tpu.vector_load %arg12[%get3A_192, %get3A_193] {strides = array<i32>} : memref<128x128xf32, #tpu.memory_space<vmem>>, vector<1x16xf32>,
        %get3A_195 = vector.shape_cast %get3A_194 : vector<1x16xf32> to vector<16xf32>
        %mul3A_196 = vector.broadcast %squeeze3A : f32 to vector<16xf32>
        %mul3A_197 = arith.mulf %get3A_195, %mul3A_196 : vector<16xf32>
        %swap3A_198 = arith.index_cast %add3A_125 : i32 to index
        %swap3A_199 = arith.constant 96 : index
        %swap3A_200 = tpu.vector_load %arg12[%swap3A_198, %swap3A_199] {strides = array<i32>} : memref<128x128xf32, #tpu.memory_space<vmem>>, vector<1x16xf32>,
        %swap3A_201 = vector.shape_cast %swap3A_200 : vector<1x16xf32> to vector<16xf32>
        %swap3A_202 = vector.shape_cast %mul3A_197 : vector<16xf32> to vector<1x16xf32>
        tpu.vector_store %arg12[%swap3A_198, %swap3A_199], %swap3A_202 {strides = array<i32>} : memref<128x128xf32, #tpu.memory_space<vmem>>, vector<1x16xf32>,
        %get3A_203 = arith.index_cast %add3A_125 : i32 to index
        %get3A_204 = arith.constant 112 : index
        %get3A_205 = tpu.vector_load %arg12[%get3A_203, %get3A_204] {strides = array<i32>} : memref<128x128xf32, #tpu.memory_space<vmem>>, vector<1x16xf32>,
        %get3A_206 = vector.shape_cast %get3A_205 : vector<1x16xf32> to vector<16xf32>
        %mul3A_207 = vector.broadcast %squeeze3A : f32 to vector<16xf32>
        %mul3A_208 = arith.mulf %get3A_206, %mul3A_207 : vector<16xf32>
        %swap3A_209 = arith.index_cast %add3A_125 : i32 to index
        %swap3A_210 = arith.constant 112 : index
        %swap3A_211 = tpu.vector_load %arg12[%swap3A_209, %swap3A_210] {strides = array<i32>} : memref<128x128xf32, #tpu.memory_space<vmem>>, vector<1x16xf32>,
        %swap3A_212 = vector.shape_cast %swap3A_211 : vector<1x16xf32> to vector<16xf32>
        %swap3A_213 = vector.shape_cast %mul3A_208 : vector<16xf32> to vector<1x16xf32>
        tpu.vector_store %arg12[%swap3A_209, %swap3A_210], %swap3A_213 {strides = array<i32>} : memref<128x128xf32, #tpu.memory_space<vmem>>, vector<1x16xf32>,
        %slice3A_214 = vector.extract_strided_slice %select_n3A {offsets = [1], sizes = [1], strides = [1]} : vector<16xf32> to vector<1xf32>
        %squeeze3A_215 = vector.extract %slice3A_214[0] : f32 from vector<1xf32>
        %mul3A_216 = arith.constant 16 : i32
        %mul3A_217 = arith.muli %scan3A_100, %mul3A_216 : i32
        %add3A_218 = arith.constant 1 : i32
        %add3A_219 = arith.addi %mul3A_217, %add3A_218 : i32
        %get3A_220 = arith.index_cast %add3A_219 : i32 to index
        %get3A_221 = arith.constant 0 : index
        %get3A_222 = tpu.vector_load %arg12[%get3A_220, %get3A_221] {strides = array<i32>} : memref<128x128xf32, #tpu.memory_space<vmem>>, vector<1x16xf32>,
        %get3A_223 = vector.shape_cast %get3A_222 : vector<1x16xf32> to vector<16xf32>
        %mul3A_224 = vector.broadcast %squeeze3A_215 : f32 to vector<16xf32>
        %mul3A_225 = arith.mulf %get3A_223, %mul3A_224 : vector<16xf32>
        %swap3A_226 = arith.index_cast %add3A_219 : i32 to index
        %swap3A_227 = arith.constant 0 : index
        %swap3A_228 = tpu.vector_load %arg12[%swap3A_226, %swap3A_227] {strides = array<i32>} : memref<128x128xf32, #tpu.memory_space<vmem>>, vector<1x16xf32>,
        %swap3A_229 = vector.shape_cast %swap3A_228 : vector<1x16xf32> to vector<16xf32>
        %swap3A_230 = vector.shape_cast %mul3A_225 : vector<16xf32> to vector<1x16xf32>
        tpu.vector_store %arg12[%swap3A_226, %swap3A_227], %swap3A_230 {strides = array<i32>} : memref<128x128xf32, #tpu.memory_space<vmem>>, vector<1x16xf32>,
        %get3A_231 = arith.index_cast %add3A_219 : i32 to index
        %get3A_232 = arith.constant 16 : index
        %get3A_233 = tpu.vector_load %arg12[%get3A_231, %get3A_232] {strides = array<i32>} : memref<128x128xf32, #tpu.memory_space<vmem>>, vector<1x16xf32>,
        %get3A_234 = vector.shape_cast %get3A_233 : vector<1x16xf32> to vector<16xf32>
        %mul3A_235 = vector.broadcast %squeeze3A_215 : f32 to vector<16xf32>
        %mul3A_236 = arith.mulf %get3A_234, %mul3A_235 : vector<16xf32>
        %swap3A_237 = arith.index_cast %add3A_219 : i32 to index
        %swap3A_238 = arith.constant 16 : index
        %swap3A_239 = tpu.vector_load %arg12[%swap3A_237, %swap3A_238] {strides = array<i32>} : memref<128x128xf32, #tpu.memory_space<vmem>>, vector<1x16xf32>,
        %swap3A_240 = vector.shape_cast %swap3A_239 : vector<1x16xf32> to vector<16xf32>
        %swap3A_241 = vector.shape_cast %mul3A_236 : vector<16xf32> to vector<1x16xf32>
        tpu.vector_store %arg12[%swap3A_237, %swap3A_238], %swap3A_241 {strides = array<i32>} : memref<128x128xf32, #tpu.memory_space<vmem>>, vector<1x16xf32>,
        %get3A_242 = arith.index_cast %add3A_219 : i32 to index
        %get3A_243 = arith.constant 32 : index
        %get3A_244 = tpu.vector_load %arg12[%get3A_242, %get3A_243] {strides = array<i32>} : memref<128x128xf32, #tpu.memory_space<vmem>>, vector<1x16xf32>,
        %get3A_245 = vector.shape_cast %get3A_244 : vector<1x16xf32> to vector<16xf32>
        %mul3A_246 = vector.broadcast %squeeze3A_215 : f32 to vector<16xf32>
        %mul3A_247 = arith.mulf %get3A_245, %mul3A_246 : vector<16xf32>
        %swap3A_248 = arith.index_cast %add3A_219 : i32 to index
        %swap3A_249 = arith.constant 32 : index
        %swap3A_250 = tpu.vector_load %arg12[%swap3A_248, %swap3A_249] {strides = array<i32>} : memref<128x128xf32, #tpu.memory_space<vmem>>, vector<1x16xf32>,
        %swap3A_251 = vector.shape_cast %swap3A_250 : vector<1x16xf32> to vector<16xf32>
        %swap3A_252 = vector.shape_cast %mul3A_247 : vector<16xf32> to vector<1x16xf32>
        tpu.vector_store %arg12[%swap3A_248, %swap3A_249], %swap3A_252 {strides = array<i32>} : memref<128x128xf32, #tpu.memory_space<vmem>>, vector<1x16xf32>,
        %get3A_253 = arith.index_cast %add3A_219 : i32 to index
        %get3A_254 = arith.constant 48 : index
        %get3A_255 = tpu.vector_load %arg12[%get3A_253, %get3A_254] {strides = array<i32>} : memref<128x128xf32, #tpu.memory_space<vmem>>, vector<1x16xf32>,
        %get3A_256 = vector.shape_cast %get3A_255 : vector<1x16xf32> to vector<16xf32>
        %mul3A_257 = vector.broadcast %squeeze3A_215 : f32 to vector<16xf32>
        %mul3A_258 = arith.mulf %get3A_256, %mul3A_257 : vector<16xf32>
        %swap3A_259 = arith.index_cast %add3A_219 : i32 to index
        %swap3A_260 = arith.constant 48 : index
        %swap3A_261 = tpu.vector_load %arg12[%swap3A_259, %swap3A_260] {strides = array<i32>} : memref<128x128xf32, #tpu.memory_space<vmem>>, vector<1x16xf32>,
        %swap3A_262 = vector.shape_cast %swap3A_261 : vector<1x16xf32> to vector<16xf32>
        %swap3A_263 = vector.shape_cast %mul3A_258 : vector<16xf32> to vector<1x16xf32>
        tpu.vector_store %arg12[%swap3A_259, %swap3A_260], %swap3A_263 {strides = array<i32>} : memref<128x128xf32, #tpu.memory_space<vmem>>, vector<1x16xf32>,
        %get3A_264 = arith.index_cast %add3A_219 : i32 to index
        %get3A_265 = arith.constant 64 : index
        %get3A_266 = tpu.vector_load %arg12[%get3A_264, %get3A_265] {strides = array<i32>} : memref<128x128xf32, #tpu.memory_space<vmem>>, vector<1x16xf32>,
        %get3A_267 = vector.shape_cast %get3A_266 : vector<1x16xf32> to vector<16xf32>
        %mul3A_268 = vector.broadcast %squeeze3A_215 : f32 to vector<16xf32>
        %mul3A_269 = arith.mulf %get3A_267, %mul3A_268 : vector<16xf32>
        %swap3A_270 = arith.index_cast %add3A_219 : i32 to index
        %swap3A_271 = arith.constant 64 : index
        %swap3A_272 = tpu.vector_load %arg12[%swap3A_270, %swap3A_271] {strides = array<i32>} : memref<128x128xf32, #tpu.memory_space<vmem>>, vector<1x16xf32>,
        %swap3A_273 = vector.shape_cast %swap3A_272 : vector<1x16xf32> to vector<16xf32>
        %swap3A_274 = vector.shape_cast %mul3A_269 : vector<16xf32> to vector<1x16xf32>
        tpu.vector_store %arg12[%swap3A_270, %swap3A_271], %swap3A_274 {strides = array<i32>} : memref<128x128xf32, #tpu.memory_space<vmem>>, vector<1x16xf32>,
        %get3A_275 = arith.index_cast %add3A_219 : i32 to index
        %get3A_276 = arith.constant 80 : index
        %get3A_277 = tpu.vector_load %arg12[%get3A_275, %get3A_276] {strides = array<i32>} : memref<128x128xf32, #tpu.memory_space<vmem>>, vector<1x16xf32>,
        %get3A_278 = vector.shape_cast %get3A_277 : vector<1x16xf32> to vector<16xf32>
        %mul3A_279 = vector.broadcast %squeeze3A_215 : f32 to vector<16xf32>
        %mul3A_280 = arith.mulf %get3A_278, %mul3A_279 : vector<16xf32>
        %swap3A_281 = arith.index_cast %add3A_219 : i32 to index
        %swap3A_282 = arith.constant 80 : index
        %swap3A_283 = tpu.vector_load %arg12[%swap3A_281, %swap3A_282] {strides = array<i32>} : memref<128x128xf32, #tpu.memory_space<vmem>>, vector<1x16xf32>,
        %swap3A_284 = vector.shape_cast %swap3A_283 : vector<1x16xf32> to vector<16xf32>
        %swap3A_285 = vector.shape_cast %mul3A_280 : vector<16xf32> to vector<1x16xf32>
        tpu.vector_store %arg12[%swap3A_281, %swap3A_282], %swap3A_285 {strides = array<i32>} : memref<128x128xf32, #tpu.memory_space<vmem>>, vector<1x16xf32>,
        %get3A_286 = arith.index_cast %add3A_219 : i32 to index
        %get3A_287 = arith.constant 96 : index
        %get3A_288 = tpu.vector_load %arg12[%get3A_286, %get3A_287] {strides = array<i32>} : memref<128x128xf32, #tpu.memory_space<vmem>>, vector<1x16xf32>,
        %get3A_289 = vector.shape_cast %get3A_288 : vector<1x16xf32> to vector<16xf32>
        %mul3A_290 = vector.broadcast %squeeze3A_215 : f32 to vector<16xf32>
        %mul3A_291 = arith.mulf %get3A_289, %mul3A_290 : vector<16xf32>
        %swap3A_292 = arith.index_cast %add3A_219 : i32 to index
        %swap3A_293 = arith.constant 96 : index
        %swap3A_294 = tpu.vector_load %arg12[%swap3A_292, %swap3A_293] {strides = array<i32>} : memref<128x128xf32, #tpu.memory_space<vmem>>, vector<1x16xf32>,
        %swap3A_295 = vector.shape_cast %swap3A_294 : vector<1x16xf32> to vector<16xf32>
        %swap3A_296 = vector.shape_cast %mul3A_291 : vector<16xf32> to vector<1x16xf32>
        tpu.vector_store %arg12[%swap3A_292, %swap3A_293], %swap3A_296 {strides = array<i32>} : memref<128x128xf32, #tpu.memory_space<vmem>>, vector<1x16xf32>,
        %get3A_297 = arith.index_cast %add3A_219 : i32 to index
        %get3A_298 = arith.constant 112 : index
        %get3A_299 = tpu.vector_load %arg12[%get3A_297, %get3A_298] {strides = array<i32>} : memref<128x128xf32, #tpu.memory_space<vmem>>, vector<1x16xf32>,
        %get3A_300 = vector.shape_cast %get3A_299 : vector<1x16xf32> to vector<16xf32>
        %mul3A_301 = vector.broadcast %squeeze3A_215 : f32 to vector<16xf32>
        %mul3A_302 = arith.mulf %get3A_300, %mul3A_301 : vector<16xf32>
        %swap3A_303 = arith.index_cast %add3A_219 : i32 to index
        %swap3A_304 = arith.constant 112 : index
        %swap3A_305 = tpu.vector_load %arg12[%swap3A_303, %swap3A_304] {strides = array<i32>} : memref<128x128xf32, #tpu.memory_space<vmem>>, vector<1x16xf32>,
        %swap3A_306 = vector.shape_cast %swap3A_305 : vector<1x16xf32> to vector<16xf32>
        %swap3A_307 = vector.shape_cast %mul3A_302 : vector<16xf32> to vector<1x16xf32>
        tpu.vector_store %arg12[%swap3A_303, %swap3A_304], %swap3A_307 {strides = array<i32>} : memref<128x128xf32, #tpu.memory_space<vmem>>, vector<1x16xf32>,
        %slice3A_308 = vector.extract_strided_slice %select_n3A {offsets = [2], sizes = [1], strides = [1]} : vector<16xf32> to vector<1xf32>
        %squeeze3A_309 = vector.extract %slice3A_308[0] : f32 from vector<1xf32>
        %mul3A_310 = arith.constant 16 : i32
        %mul3A_311 = arith.muli %scan3A_100, %mul3A_310 : i32
        %add3A_312 = arith.constant 2 : i32
        %add3A_313 = arith.addi %mul3A_311, %add3A_312 : i32
        %get3A_314 = arith.index_cast %add3A_313 : i32 to index
        %get3A_315 = arith.constant 0 : index
        %get3A_316 = tpu.vector_load %arg12[%get3A_314, %get3A_315] {strides = array<i32>} : memref<128x128xf32, #tpu.memory_space<vmem>>, vector<1x16xf32>,
        %get3A_317 = vector.shape_cast %get3A_316 : vector<1x16xf32> to vector<16xf32>
        %mul3A_318 = vector.broadcast %squeeze3A_309 : f32 to vector<16xf32>
        %mul3A_319 = arith.mulf %get3A_317, %mul3A_318 : vector<16xf32>
        %swap3A_320 = arith.index_cast %add3A_313 : i32 to index
        %swap3A_321 = arith.constant 0 : index
        %swap3A_322 = tpu.vector_load %arg12[%swap3A_320, %swap3A_321] {strides = array<i32>} : memref<128x128xf32, #tpu.memory_space<vmem>>, vector<1x16xf32>,
        %swap3A_323 = vector.shape_cast %swap3A_322 : vector<1x16xf32> to vector<16xf32>
        %swap3A_324 = vector.shape_cast %mul3A_319 : vector<16xf32> to vector<1x16xf32>
        tpu.vector_store %arg12[%swap3A_320, %swap3A_321], %swap3A_324 {strides = array<i32>} : memref<128x128xf32, #tpu.memory_space<vmem>>, vector<1x16xf32>,
        %get3A_325 = arith.index_cast %add3A_313 : i32 to index
        %get3A_326 = arith.constant 16 : index
        %get3A_327 = tpu.vector_load %arg12[%get3A_325, %get3A_326] {strides = array<i32>} : memref<128x128xf32, #tpu.memory_space<vmem>>, vector<1x16xf32>,
        %get3A_328 = vector.shape_cast %get3A_327 : vector<1x16xf32> to vector<16xf32>
        %mul3A_329 = vector.broadcast %squeeze3A_309 : f32 to vector<16xf32>
        %mul3A_330 = arith.mulf %get3A_328, %mul3A_329 : vector<16xf32>
        %swap3A_331 = arith.index_cast %add3A_313 : i32 to index
        %swap3A_332 = arith.constant 16 : index
        %swap3A_333 = tpu.vector_load %arg12[%swap3A_331, %swap3A_332] {strides = array<i32>} : memref<128x128xf32, #tpu.memory_space<vmem>>, vector<1x16xf32>,
        %swap3A_334 = vector.shape_cast %swap3A_333 : vector<1x16xf32> to vector<16xf32>
        %swap3A_335 = vector.shape_cast %mul3A_330 : vector<16xf32> to vector<1x16xf32>
        tpu.vector_store %arg12[%swap3A_331, %swap3A_332], %swap3A_335 {strides = array<i32>} : memref<128x128xf32, #tpu.memory_space<vmem>>, vector<1x16xf32>,
        %get3A_336 = arith.index_cast %add3A_313 : i32 to index
        %get3A_337 = arith.constant 32 : index
        %get3A_338 = tpu.vector_load %arg12[%get3A_336, %get3A_337] {strides = array<i32>} : memref<128x128xf32, #tpu.memory_space<vmem>>, vector<1x16xf32>,
        %get3A_339 = vector.shape_cast %get3A_338 : vector<1x16xf32> to vector<16xf32>
        %mul3A_340 = vector.broadcast %squeeze3A_309 : f32 to vector<16xf32>
        %mul3A_341 = arith.mulf %get3A_339, %mul3A_340 : vector<16xf32>
        %swap3A_342 = arith.index_cast %add3A_313 : i32 to index
        %swap3A_343 = arith.constant 32 : index
        %swap3A_344 = tpu.vector_load %arg12[%swap3A_342, %swap3A_343] {strides = array<i32>} : memref<128x128xf32, #tpu.memory_space<vmem>>, vector<1x16xf32>,
        %swap3A_345 = vector.shape_cast %swap3A_344 : vector<1x16xf32> to vector<16xf32>
        %swap3A_346 = vector.shape_cast %mul3A_341 : vector<16xf32> to vector<1x16xf32>
        tpu.vector_store %arg12[%swap3A_342, %swap3A_343], %swap3A_346 {strides = array<i32>} : memref<128x128xf32, #tpu.memory_space<vmem>>, vector<1x16xf32>,
        %get3A_347 = arith.index_cast %add3A_313 : i32 to index
        %get3A_348 = arith.constant 48 : index
        %get3A_349 = tpu.vector_load %arg12[%get3A_347, %get3A_348] {strides = array<i32>} : memref<128x128xf32, #tpu.memory_space<vmem>>, vector<1x16xf32>,
        %get3A_350 = vector.shape_cast %get3A_349 : vector<1x16xf32> to vector<16xf32>
        %mul3A_351 = vector.broadcast %squeeze3A_309 : f32 to vector<16xf32>
        %mul3A_352 = arith.mulf %get3A_350, %mul3A_351 : vector<16xf32>
        %swap3A_353 = arith.index_cast %add3A_313 : i32 to index
        %swap3A_354 = arith.constant 48 : index
        %swap3A_355 = tpu.vector_load %arg12[%swap3A_353, %swap3A_354] {strides = array<i32>} : memref<128x128xf32, #tpu.memory_space<vmem>>, vector<1x16xf32>,
        %swap3A_356 = vector.shape_cast %swap3A_355 : vector<1x16xf32> to vector<16xf32>
        %swap3A_357 = vector.shape_cast %mul3A_352 : vector<16xf32> to vector<1x16xf32>
        tpu.vector_store %arg12[%swap3A_353, %swap3A_354], %swap3A_357 {strides = array<i32>} : memref<128x128xf32, #tpu.memory_space<vmem>>, vector<1x16xf32>,
        %get3A_358 = arith.index_cast %add3A_313 : i32 to index
        %get3A_359 = arith.constant 64 : index
        %get3A_360 = tpu.vector_load %arg12[%get3A_358, %get3A_359] {strides = array<i32>} : memref<128x128xf32, #tpu.memory_space<vmem>>, vector<1x16xf32>,
        %get3A_361 = vector.shape_cast %get3A_360 : vector<1x16xf32> to vector<16xf32>
        %mul3A_362 = vector.broadcast %squeeze3A_309 : f32 to vector<16xf32>
        %mul3A_363 = arith.mulf %get3A_361, %mul3A_362 : vector<16xf32>
        %swap3A_364 = arith.index_cast %add3A_313 : i32 to index
        %swap3A_365 = arith.constant 64 : index
        %swap3A_366 = tpu.vector_load %arg12[%swap3A_364, %swap3A_365] {strides = array<i32>} : memref<128x128xf32, #tpu.memory_space<vmem>>, vector<1x16xf32>,
        %swap3A_367 = vector.shape_cast %swap3A_366 : vector<1x16xf32> to vector<16xf32>
        %swap3A_368 = vector.shape_cast %mul3A_363 : vector<16xf32> to vector<1x16xf32>
        tpu.vector_store %arg12[%swap3A_364, %swap3A_365], %swap3A_368 {strides = array<i32>} : memref<128x128xf32, #tpu.memory_space<vmem>>, vector<1x16xf32>,
        %get3A_369 = arith.index_cast %add3A_313 : i32 to index
        %get3A_370 = arith.constant 80 : index
        %get3A_371 = tpu.vector_load %arg12[%get3A_369, %get3A_370] {strides = array<i32>} : memref<128x128xf32, #tpu.memory_space<vmem>>, vector<1x16xf32>,
        %get3A_372 = vector.shape_cast %get3A_371 : vector<1x16xf32> to vector<16xf32>
        %mul3A_373 = vector.broadcast %squeeze3A_309 : f32 to vector<16xf32>
        %mul3A_374 = arith.mulf %get3A_372, %mul3A_373 : vector<16xf32>
        %swap3A_375 = arith.index_cast %add3A_313 : i32 to index
        %swap3A_376 = arith.constant 80 : index
        %swap3A_377 = tpu.vector_load %arg12[%swap3A_375, %swap3A_376] {strides = array<i32>} : memref<128x128xf32, #tpu.memory_space<vmem>>, vector<1x16xf32>,
        %swap3A_378 = vector.shape_cast %swap3A_377 : vector<1x16xf32> to vector<16xf32>
        %swap3A_379 = vector.shape_cast %mul3A_374 : vector<16xf32> to vector<1x16xf32>
        tpu.vector_store %arg12[%swap3A_375, %swap3A_376], %swap3A_379 {strides = array<i32>} : memref<128x128xf32, #tpu.memory_space<vmem>>, vector<1x16xf32>,
        %get3A_380 = arith.index_cast %add3A_313 : i32 to index
        %get3A_381 = arith.constant 96 : index
        %get3A_382 = tpu.vector_load %arg12[%get3A_380, %get3A_381] {strides = array<i32>} : memref<128x128xf32, #tpu.memory_space<vmem>>, vector<1x16xf32>,
        %get3A_383 = vector.shape_cast %get3A_382 : vector<1x16xf32> to vector<16xf32>
        %mul3A_384 = vector.broadcast %squeeze3A_309 : f32 to vector<16xf32>
        %mul3A_385 = arith.mulf %get3A_383, %mul3A_384 : vector<16xf32>
        %swap3A_386 = arith.index_cast %add3A_313 : i32 to index
        %swap3A_387 = arith.constant 96 : index
        %swap3A_388 = tpu.vector_load %arg12[%swap3A_386, %swap3A_387] {strides = array<i32>} : memref<128x128xf32, #tpu.memory_space<vmem>>, vector<1x16xf32>,
        %swap3A_389 = vector.shape_cast %swap3A_388 : vector<1x16xf32> to vector<16xf32>
        %swap3A_390 = vector.shape_cast %mul3A_385 : vector<16xf32> to vector<1x16xf32>
        tpu.vector_store %arg12[%swap3A_386, %swap3A_387], %swap3A_390 {strides = array<i32>} : memref<128x128xf32, #tpu.memory_space<vmem>>, vector<1x16xf32>,
        %get3A_391 = arith.index_cast %add3A_313 : i32 to index
        %get3A_392 = arith.constant 112 : index
        %get3A_393 = tpu.vector_load %arg12[%get3A_391, %get3A_392] {strides = array<i32>} : memref<128x128xf32, #tpu.memory_space<vmem>>, vector<1x16xf32>,
        %get3A_394 = vector.shape_cast %get3A_393 : vector<1x16xf32> to vector<16xf32>
        %mul3A_395 = vector.broadcast %squeeze3A_309 : f32 to vector<16xf32>
        %mul3A_396 = arith.mulf %get3A_394, %mul3A_395 : vector<16xf32>
        %swap3A_397 = arith.index_cast %add3A_313 : i32 to index
        %swap3A_398 = arith.constant 112 : index
        %swap3A_399 = tpu.vector_load %arg12[%swap3A_397, %swap3A_398] {strides = array<i32>} : memref<128x128xf32, #tpu.memory_space<vmem>>, vector<1x16xf32>,
        %swap3A_400 = vector.shape_cast %swap3A_399 : vector<1x16xf32> to vector<16xf32>
        %swap3A_401 = vector.shape_cast %mul3A_396 : vector<16xf32> to vector<1x16xf32>
        tpu.vector_store %arg12[%swap3A_397, %swap3A_398], %swap3A_401 {strides = array<i32>} : memref<128x128xf32, #tpu.memory_space<vmem>>, vector<1x16xf32>,
        %slice3A_402 = vector.extract_strided_slice %select_n3A {offsets = [3], sizes = [1], strides = [1]} : vector<16xf32> to vector<1xf32>
        %squeeze3A_403 = vector.extract %slice3A_402[0] : f32 from vector<1xf32>
        %mul3A_404 = arith.constant 16 : i32
        %mul3A_405 = arith.muli %scan3A_100, %mul3A_404 : i32
        %add3A_406 = arith.constant 3 : i32
        %add3A_407 = arith.addi %mul3A_405, %add3A_406 : i32
        %get3A_408 = arith.index_cast %add3A_407 : i32 to index
        %get3A_409 = arith.constant 0 : index
        %get3A_410 = tpu.vector_load %arg12[%get3A_408, %get3A_409] {strides = array<i32>} : memref<128x128xf32, #tpu.memory_space<vmem>>, vector<1x16xf32>,
        %get3A_411 = vector.shape_cast %get3A_410 : vector<1x16xf32> to vector<16xf32>
        %mul3A_412 = vector.broadcast %squeeze3A_403 : f32 to vector<16xf32>
        %mul3A_413 = arith.mulf %get3A_411, %mul3A_412 : vector<16xf32>
        %swap3A_414 = arith.index_cast %add3A_407 : i32 to index
        %swap3A_415 = arith.constant 0 : index
        %swap3A_416 = tpu.vector_load %arg12[%swap3A_414, %swap3A_415] {strides = array<i32>} : memref<128x128xf32, #tpu.memory_space<vmem>>, vector<1x16xf32>,
        %swap3A_417 = vector.shape_cast %swap3A_416 : vector<1x16xf32> to vector<16xf32>
        %swap3A_418 = vector.shape_cast %mul3A_413 : vector<16xf32> to vector<1x16xf32>
        tpu.vector_store %arg12[%swap3A_414, %swap3A_415], %swap3A_418 {strides = array<i32>} : memref<128x128xf32, #tpu.memory_space<vmem>>, vector<1x16xf32>,
        %get3A_419 = arith.index_cast %add3A_407 : i32 to index
        %get3A_420 = arith.constant 16 : index
        %get3A_421 = tpu.vector_load %arg12[%get3A_419, %get3A_420] {strides = array<i32>} : memref<128x128xf32, #tpu.memory_space<vmem>>, vector<1x16xf32>,
        %get3A_422 = vector.shape_cast %get3A_421 : vector<1x16xf32> to vector<16xf32>
        %mul3A_423 = vector.broadcast %squeeze3A_403 : f32 to vector<16xf32>
        %mul3A_424 = arith.mulf %get3A_422, %mul3A_423 : vector<16xf32>
        %swap3A_425 = arith.index_cast %add3A_407 : i32 to index
        %swap3A_426 = arith.constant 16 : index
        %swap3A_427 = tpu.vector_load %arg12[%swap3A_425, %swap3A_426] {strides = array<i32>} : memref<128x128xf32, #tpu.memory_space<vmem>>, vector<1x16xf32>,
        %swap3A_428 = vector.shape_cast %swap3A_427 : vector<1x16xf32> to vector<16xf32>
        %swap3A_429 = vector.shape_cast %mul3A_424 : vector<16xf32> to vector<1x16xf32>
        tpu.vector_store %arg12[%swap3A_425, %swap3A_426], %swap3A_429 {strides = array<i32>} : memref<128x128xf32, #tpu.memory_space<vmem>>, vector<1x16xf32>,
        %get3A_430 = arith.index_cast %add3A_407 : i32 to index
        %get3A_431 = arith.constant 32 : index
        %get3A_432 = tpu.vector_load %arg12[%get3A_430, %get3A_431] {strides = array<i32>} : memref<128x128xf32, #tpu.memory_space<vmem>>, vector<1x16xf32>,
        %get3A_433 = vector.shape_cast %get3A_432 : vector<1x16xf32> to vector<16xf32>
        %mul3A_434 = vector.broadcast %squeeze3A_403 : f32 to vector<16xf32>
        %mul3A_435 = arith.mulf %get3A_433, %mul3A_434 : vector<16xf32>
        %swap3A_436 = arith.index_cast %add3A_407 : i32 to index
        %swap3A_437 = arith.constant 32 : index
        %swap3A_438 = tpu.vector_load %arg12[%swap3A_436, %swap3A_437] {strides = array<i32>} : memref<128x128xf32, #tpu.memory_space<vmem>>, vector<1x16xf32>,
        %swap3A_439 = vector.shape_cast %swap3A_438 : vector<1x16xf32> to vector<16xf32>
        %swap3A_440 = vector.shape_cast %mul3A_435 : vector<16xf32> to vector<1x16xf32>
        tpu.vector_store %arg12[%swap3A_436, %swap3A_437], %swap3A_440 {strides = array<i32>} : memref<128x128xf32, #tpu.memory_space<vmem>>, vector<1x16xf32>,
        %get3A_441 = arith.index_cast %add3A_407 : i32 to index
        %get3A_442 = arith.constant 48 : index
        %get3A_443 = tpu.vector_load %arg12[%get3A_441, %get3A_442] {strides = array<i32>} : memref<128x128xf32, #tpu.memory_space<vmem>>, vector<1x16xf32>,
        %get3A_444 = vector.shape_cast %get3A_443 : vector<1x16xf32> to vector<16xf32>
        %mul3A_445 = vector.broadcast %squeeze3A_403 : f32 to vector<16xf32>
        %mul3A_446 = arith.mulf %get3A_444, %mul3A_445 : vector<16xf32>
        %swap3A_447 = arith.index_cast %add3A_407 : i32 to index
        %swap3A_448 = arith.constant 48 : index
        %swap3A_449 = tpu.vector_load %arg12[%swap3A_447, %swap3A_448] {strides = array<i32>} : memref<128x128xf32, #tpu.memory_space<vmem>>, vector<1x16xf32>,
        %swap3A_450 = vector.shape_cast %swap3A_449 : vector<1x16xf32> to vector<16xf32>
        %swap3A_451 = vector.shape_cast %mul3A_446 : vector<16xf32> to vector<1x16xf32>
        tpu.vector_store %arg12[%swap3A_447, %swap3A_448], %swap3A_451 {strides = array<i32>} : memref<128x128xf32, #tpu.memory_space<vmem>>, vector<1x16xf32>,
        %get3A_452 = arith.index_cast %add3A_407 : i32 to index
        %get3A_453 = arith.constant 64 : index
        %get3A_454 = tpu.vector_load %arg12[%get3A_452, %get3A_453] {strides = array<i32>} : memref<128x128xf32, #tpu.memory_space<vmem>>, vector<1x16xf32>,
        %get3A_455 = vector.shape_cast %get3A_454 : vector<1x16xf32> to vector<16xf32>
        %mul3A_456 = vector.broadcast %squeeze3A_403 : f32 to vector<16xf32>
        %mul3A_457 = arith.mulf %get3A_455, %mul3A_456 : vector<16xf32>
        %swap3A_458 = arith.index_cast %add3A_407 : i32 to index
        %swap3A_459 = arith.constant 64 : index
        %swap3A_460 = tpu.vector_load %arg12[%swap3A_458, %swap3A_459] {strides = array<i32>} : memref<128x128xf32, #tpu.memory_space<vmem>>, vector<1x16xf32>,
        %swap3A_461 = vector.shape_cast %swap3A_460 : vector<1x16xf32> to vector<16xf32>
        %swap3A_462 = vector.shape_cast %mul3A_457 : vector<16xf32> to vector<1x16xf32>
        tpu.vector_store %arg12[%swap3A_458, %swap3A_459], %swap3A_462 {strides = array<i32>} : memref<128x128xf32, #tpu.memory_space<vmem>>, vector<1x16xf32>,
        %get3A_463 = arith.index_cast %add3A_407 : i32 to index
        %get3A_464 = arith.constant 80 : index
        %get3A_465 = tpu.vector_load %arg12[%get3A_463, %get3A_464] {strides = array<i32>} : memref<128x128xf32, #tpu.memory_space<vmem>>, vector<1x16xf32>,
        %get3A_466 = vector.shape_cast %get3A_465 : vector<1x16xf32> to vector<16xf32>
        %mul3A_467 = vector.broadcast %squeeze3A_403 : f32 to vector<16xf32>
        %mul3A_468 = arith.mulf %get3A_466, %mul3A_467 : vector<16xf32>
        %swap3A_469 = arith.index_cast %add3A_407 : i32 to index
        %swap3A_470 = arith.constant 80 : index
        %swap3A_471 = tpu.vector_load %arg12[%swap3A_469, %swap3A_470] {strides = array<i32>} : memref<128x128xf32, #tpu.memory_space<vmem>>, vector<1x16xf32>,
        %swap3A_472 = vector.shape_cast %swap3A_471 : vector<1x16xf32> to vector<16xf32>
        %swap3A_473 = vector.shape_cast %mul3A_468 : vector<16xf32> to vector<1x16xf32>
        tpu.vector_store %arg12[%swap3A_469, %swap3A_470], %swap3A_473 {strides = array<i32>} : memref<128x128xf32, #tpu.memory_space<vmem>>, vector<1x16xf32>,
        %get3A_474 = arith.index_cast %add3A_407 : i32 to index
        %get3A_475 = arith.constant 96 : index
        %get3A_476 = tpu.vector_load %arg12[%get3A_474, %get3A_475] {strides = array<i32>} : memref<128x128xf32, #tpu.memory_space<vmem>>, vector<1x16xf32>,
        %get3A_477 = vector.shape_cast %get3A_476 : vector<1x16xf32> to vector<16xf32>
        %mul3A_478 = vector.broadcast %squeeze3A_403 : f32 to vector<16xf32>
        %mul3A_479 = arith.mulf %get3A_477, %mul3A_478 : vector<16xf32>
        %swap3A_480 = arith.index_cast %add3A_407 : i32 to index
        %swap3A_481 = arith.constant 96 : index
        %swap3A_482 = tpu.vector_load %arg12[%swap3A_480, %swap3A_481] {strides = array<i32>} : memref<128x128xf32, #tpu.memory_space<vmem>>, vector<1x16xf32>,
        %swap3A_483 = vector.shape_cast %swap3A_482 : vector<1x16xf32> to vector<16xf32>
        %swap3A_484 = vector.shape_cast %mul3A_479 : vector<16xf32> to vector<1x16xf32>
        tpu.vector_store %arg12[%swap3A_480, %swap3A_481], %swap3A_484 {strides = array<i32>} : memref<128x128xf32, #tpu.memory_space<vmem>>, vector<1x16xf32>,
        %get3A_485 = arith.index_cast %add3A_407 : i32 to index
        %get3A_486 = arith.constant 112 : index
        %get3A_487 = tpu.vector_load %arg12[%get3A_485, %get3A_486] {strides = array<i32>} : memref<128x128xf32, #tpu.memory_space<vmem>>, vector<1x16xf32>,
        %get3A_488 = vector.shape_cast %get3A_487 : vector<1x16xf32> to vector<16xf32>
        %mul3A_489 = vector.broadcast %squeeze3A_403 : f32 to vector<16xf32>
        %mul3A_490 = arith.mulf %get3A_488, %mul3A_489 : vector<16xf32>
        %swap3A_491 = arith.index_cast %add3A_407 : i32 to index
        %swap3A_492 = arith.constant 112 : index
        %swap3A_493 = tpu.vector_load %arg12[%swap3A_491, %swap3A_492] {strides = array<i32>} : memref<128x128xf32, #tpu.memory_space<vmem>>, vector<1x16xf32>,
        %swap3A_494 = vector.shape_cast %swap3A_493 : vector<1x16xf32> to vector<16xf32>
        %swap3A_495 = vector.shape_cast %mul3A_490 : vector<16xf32> to vector<1x16xf32>
        tpu.vector_store %arg12[%swap3A_491, %swap3A_492], %swap3A_495 {strides = array<i32>} : memref<128x128xf32, #tpu.memory_space<vmem>>, vector<1x16xf32>,
        %slice3A_496 = vector.extract_strided_slice %select_n3A {offsets = [4], sizes = [1], strides = [1]} : vector<16xf32> to vector<1xf32>
        %squeeze3A_497 = vector.extract %slice3A_496[0] : f32 from vector<1xf32>
        %mul3A_498 = arith.constant 16 : i32
        %mul3A_499 = arith.muli %scan3A_100, %mul3A_498 : i32
        %add3A_500 = arith.constant 4 : i32
        %add3A_501 = arith.addi %mul3A_499, %add3A_500 : i32
        %get3A_502 = arith.index_cast %add3A_501 : i32 to index
        %get3A_503 = arith.constant 0 : index
        %get3A_504 = tpu.vector_load %arg12[%get3A_502, %get3A_503] {strides = array<i32>} : memref<128x128xf32, #tpu.memory_space<vmem>>, vector<1x16xf32>,
        %get3A_505 = vector.shape_cast %get3A_504 : vector<1x16xf32> to vector<16xf32>
        %mul3A_506 = vector.broadcast %squeeze3A_497 : f32 to vector<16xf32>
        %mul3A_507 = arith.mulf %get3A_505, %mul3A_506 : vector<16xf32>
        %swap3A_508 = arith.index_cast %add3A_501 : i32 to index
        %swap3A_509 = arith.constant 0 : index
        %swap3A_510 = tpu.vector_load %arg12[%swap3A_508, %swap3A_509] {strides = array<i32>} : memref<128x128xf32, #tpu.memory_space<vmem>>, vector<1x16xf32>,
        %swap3A_511 = vector.shape_cast %swap3A_510 : vector<1x16xf32> to vector<16xf32>
        %swap3A_512 = vector.shape_cast %mul3A_507 : vector<16xf32> to vector<1x16xf32>
        tpu.vector_store %arg12[%swap3A_508, %swap3A_509], %swap3A_512 {strides = array<i32>} : memref<128x128xf32, #tpu.memory_space<vmem>>, vector<1x16xf32>,
        %get3A_513 = arith.index_cast %add3A_501 : i32 to index
        %get3A_514 = arith.constant 16 : index
        %get3A_515 = tpu.vector_load %arg12[%get3A_513, %get3A_514] {strides = array<i32>} : memref<128x128xf32, #tpu.memory_space<vmem>>, vector<1x16xf32>,
        %get3A_516 = vector.shape_cast %get3A_515 : vector<1x16xf32> to vector<16xf32>
        %mul3A_517 = vector.broadcast %squeeze3A_497 : f32 to vector<16xf32>
        %mul3A_518 = arith.mulf %get3A_516, %mul3A_517 : vector<16xf32>
        %swap3A_519 = arith.index_cast %add3A_501 : i32 to index
        %swap3A_520 = arith.constant 16 : index
        %swap3A_521 = tpu.vector_load %arg12[%swap3A_519, %swap3A_520] {strides = array<i32>} : memref<128x128xf32, #tpu.memory_space<vmem>>, vector<1x16xf32>,
        %swap3A_522 = vector.shape_cast %swap3A_521 : vector<1x16xf32> to vector<16xf32>
        %swap3A_523 = vector.shape_cast %mul3A_518 : vector<16xf32> to vector<1x16xf32>
        tpu.vector_store %arg12[%swap3A_519, %swap3A_520], %swap3A_523 {strides = array<i32>} : memref<128x128xf32, #tpu.memory_space<vmem>>, vector<1x16xf32>,
        %get3A_524 = arith.index_cast %add3A_501 : i32 to index
        %get3A_525 = arith.constant 32 : index
        %get3A_526 = tpu.vector_load %arg12[%get3A_524, %get3A_525] {strides = array<i32>} : memref<128x128xf32, #tpu.memory_space<vmem>>, vector<1x16xf32>,
        %get3A_527 = vector.shape_cast %get3A_526 : vector<1x16xf32> to vector<16xf32>
        %mul3A_528 = vector.broadcast %squeeze3A_497 : f32 to vector<16xf32>
        %mul3A_529 = arith.mulf %get3A_527, %mul3A_528 : vector<16xf32>
        %swap3A_530 = arith.index_cast %add3A_501 : i32 to index
        %swap3A_531 = arith.constant 32 : index
        %swap3A_532 = tpu.vector_load %arg12[%swap3A_530, %swap3A_531] {strides = array<i32>} : memref<128x128xf32, #tpu.memory_space<vmem>>, vector<1x16xf32>,
        %swap3A_533 = vector.shape_cast %swap3A_532 : vector<1x16xf32> to vector<16xf32>
        %swap3A_534 = vector.shape_cast %mul3A_529 : vector<16xf32> to vector<1x16xf32>
        tpu.vector_store %arg12[%swap3A_530, %swap3A_531], %swap3A_534 {strides = array<i32>} : memref<128x128xf32, #tpu.memory_space<vmem>>, vector<1x16xf32>,
        %get3A_535 = arith.index_cast %add3A_501 : i32 to index
        %get3A_536 = arith.constant 48 : index
        %get3A_537 = tpu.vector_load %arg12[%get3A_535, %get3A_536] {strides = array<i32>} : memref<128x128xf32, #tpu.memory_space<vmem>>, vector<1x16xf32>,
        %get3A_538 = vector.shape_cast %get3A_537 : vector<1x16xf32> to vector<16xf32>
        %mul3A_539 = vector.broadcast %squeeze3A_497 : f32 to vector<16xf32>
        %mul3A_540 = arith.mulf %get3A_538, %mul3A_539 : vector<16xf32>
        %swap3A_541 = arith.index_cast %add3A_501 : i32 to index
        %swap3A_542 = arith.constant 48 : index
        %swap3A_543 = tpu.vector_load %arg12[%swap3A_541, %swap3A_542] {strides = array<i32>} : memref<128x128xf32, #tpu.memory_space<vmem>>, vector<1x16xf32>,
        %swap3A_544 = vector.shape_cast %swap3A_543 : vector<1x16xf32> to vector<16xf32>
        %swap3A_545 = vector.shape_cast %mul3A_540 : vector<16xf32> to vector<1x16xf32>
        tpu.vector_store %arg12[%swap3A_541, %swap3A_542], %swap3A_545 {strides = array<i32>} : memref<128x128xf32, #tpu.memory_space<vmem>>, vector<1x16xf32>,
        %get3A_546 = arith.index_cast %add3A_501 : i32 to index
        %get3A_547 = arith.constant 64 : index
        %get3A_548 = tpu.vector_load %arg12[%get3A_546, %get3A_547] {strides = array<i32>} : memref<128x128xf32, #tpu.memory_space<vmem>>, vector<1x16xf32>,
        %get3A_549 = vector.shape_cast %get3A_548 : vector<1x16xf32> to vector<16xf32>
        %mul3A_550 = vector.broadcast %squeeze3A_497 : f32 to vector<16xf32>
        %mul3A_551 = arith.mulf %get3A_549, %mul3A_550 : vector<16xf32>
        %swap3A_552 = arith.index_cast %add3A_501 : i32 to index
        %swap3A_553 = arith.constant 64 : index
        %swap3A_554 = tpu.vector_load %arg12[%swap3A_552, %swap3A_553] {strides = array<i32>} : memref<128x128xf32, #tpu.memory_space<vmem>>, vector<1x16xf32>,
        %swap3A_555 = vector.shape_cast %swap3A_554 : vector<1x16xf32> to vector<16xf32>
        %swap3A_556 = vector.shape_cast %mul3A_551 : vector<16xf32> to vector<1x16xf32>
        tpu.vector_store %arg12[%swap3A_552, %swap3A_553], %swap3A_556 {strides = array<i32>} : memref<128x128xf32, #tpu.memory_space<vmem>>, vector<1x16xf32>,
        %get3A_557 = arith.index_cast %add3A_501 : i32 to index
        %get3A_558 = arith.constant 80 : index
        %get3A_559 = tpu.vector_load %arg12[%get3A_557, %get3A_558] {strides = array<i32>} : memref<128x128xf32, #tpu.memory_space<vmem>>, vector<1x16xf32>,
        %get3A_560 = vector.shape_cast %get3A_559 : vector<1x16xf32> to vector<16xf32>
        %mul3A_561 = vector.broadcast %squeeze3A_497 : f32 to vector<16xf32>
        %mul3A_562 = arith.mulf %get3A_560, %mul3A_561 : vector<16xf32>
        %swap3A_563 = arith.index_cast %add3A_501 : i32 to index
        %swap3A_564 = arith.constant 80 : index
        %swap3A_565 = tpu.vector_load %arg12[%swap3A_563, %swap3A_564] {strides = array<i32>} : memref<128x128xf32, #tpu.memory_space<vmem>>, vector<1x16xf32>,
        %swap3A_566 = vector.shape_cast %swap3A_565 : vector<1x16xf32> to vector<16xf32>
        %swap3A_567 = vector.shape_cast %mul3A_562 : vector<16xf32> to vector<1x16xf32>
        tpu.vector_store %arg12[%swap3A_563, %swap3A_564], %swap3A_567 {strides = array<i32>} : memref<128x128xf32, #tpu.memory_space<vmem>>, vector<1x16xf32>,
        %get3A_568 = arith.index_cast %add3A_501 : i32 to index
        %get3A_569 = arith.constant 96 : index
        %get3A_570 = tpu.vector_load %arg12[%get3A_568, %get3A_569] {strides = array<i32>} : memref<128x128xf32, #tpu.memory_space<vmem>>, vector<1x16xf32>,
        %get3A_571 = vector.shape_cast %get3A_570 : vector<1x16xf32> to vector<16xf32>
        %mul3A_572 = vector.broadcast %squeeze3A_497 : f32 to vector<16xf32>
        %mul3A_573 = arith.mulf %get3A_571, %mul3A_572 : vector<16xf32>
        %swap3A_574 = arith.index_cast %add3A_501 : i32 to index
        %swap3A_575 = arith.constant 96 : index
        %swap3A_576 = tpu.vector_load %arg12[%swap3A_574, %swap3A_575] {strides = array<i32>} : memref<128x128xf32, #tpu.memory_space<vmem>>, vector<1x16xf32>,
        %swap3A_577 = vector.shape_cast %swap3A_576 : vector<1x16xf32> to vector<16xf32>
        %swap3A_578 = vector.shape_cast %mul3A_573 : vector<16xf32> to vector<1x16xf32>
        tpu.vector_store %arg12[%swap3A_574, %swap3A_575], %swap3A_578 {strides = array<i32>} : memref<128x128xf32, #tpu.memory_space<vmem>>, vector<1x16xf32>,
        %get3A_579 = arith.index_cast %add3A_501 : i32 to index
        %get3A_580 = arith.constant 112 : index
        %get3A_581 = tpu.vector_load %arg12[%get3A_579, %get3A_580] {strides = array<i32>} : memref<128x128xf32, #tpu.memory_space<vmem>>, vector<1x16xf32>,
        %get3A_582 = vector.shape_cast %get3A_581 : vector<1x16xf32> to vector<16xf32>
        %mul3A_583 = vector.broadcast %squeeze3A_497 : f32 to vector<16xf32>
        %mul3A_584 = arith.mulf %get3A_582, %mul3A_583 : vector<16xf32>
        %swap3A_585 = arith.index_cast %add3A_501 : i32 to index
        %swap3A_586 = arith.constant 112 : index
        %swap3A_587 = tpu.vector_load %arg12[%swap3A_585, %swap3A_586] {strides = array<i32>} : memref<128x128xf32, #tpu.memory_space<vmem>>, vector<1x16xf32>,
        %swap3A_588 = vector.shape_cast %swap3A_587 : vector<1x16xf32> to vector<16xf32>
        %swap3A_589 = vector.shape_cast %mul3A_584 : vector<16xf32> to vector<1x16xf32>
        tpu.vector_store %arg12[%swap3A_585, %swap3A_586], %swap3A_589 {strides = array<i32>} : memref<128x128xf32, #tpu.memory_space<vmem>>, vector<1x16xf32>,
        %slice3A_590 = vector.extract_strided_slice %select_n3A {offsets = [5], sizes = [1], strides = [1]} : vector<16xf32> to vector<1xf32>
        %squeeze3A_591 = vector.extract %slice3A_590[0] : f32 from vector<1xf32>
        %mul3A_592 = arith.constant 16 : i32
        %mul3A_593 = arith.muli %scan3A_100, %mul3A_592 : i32
        %add3A_594 = arith.constant 5 : i32
        %add3A_595 = arith.addi %mul3A_593, %add3A_594 : i32
        %get3A_596 = arith.index_cast %add3A_595 : i32 to index
        %get3A_597 = arith.constant 0 : index
        %get3A_598 = tpu.vector_load %arg12[%get3A_596, %get3A_597] {strides = array<i32>} : memref<128x128xf32, #tpu.memory_space<vmem>>, vector<1x16xf32>,
        %get3A_599 = vector.shape_cast %get3A_598 : vector<1x16xf32> to vector<16xf32>
        %mul3A_600 = vector.broadcast %squeeze3A_591 : f32 to vector<16xf32>
        %mul3A_601 = arith.mulf %get3A_599, %mul3A_600 : vector<16xf32>
        %swap3A_602 = arith.index_cast %add3A_595 : i32 to index
        %swap3A_603 = arith.constant 0 : index
        %swap3A_604 = tpu.vector_load %arg12[%swap3A_602, %swap3A_603] {strides = array<i32>} : memref<128x128xf32, #tpu.memory_space<vmem>>, vector<1x16xf32>,
        %swap3A_605 = vector.shape_cast %swap3A_604 : vector<1x16xf32> to vector<16xf32>
        %swap3A_606 = vector.shape_cast %mul3A_601 : vector<16xf32> to vector<1x16xf32>
        tpu.vector_store %arg12[%swap3A_602, %swap3A_603], %swap3A_606 {strides = array<i32>} : memref<128x128xf32, #tpu.memory_space<vmem>>, vector<1x16xf32>,
        %get3A_607 = arith.index_cast %add3A_595 : i32 to index
        %get3A_608 = arith.constant 16 : index
        %get3A_609 = tpu.vector_load %arg12[%get3A_607, %get3A_608] {strides = array<i32>} : memref<128x128xf32, #tpu.memory_space<vmem>>, vector<1x16xf32>,
        %get3A_610 = vector.shape_cast %get3A_609 : vector<1x16xf32> to vector<16xf32>
        %mul3A_611 = vector.broadcast %squeeze3A_591 : f32 to vector<16xf32>
        %mul3A_612 = arith.mulf %get3A_610, %mul3A_611 : vector<16xf32>
        %swap3A_613 = arith.index_cast %add3A_595 : i32 to index
        %swap3A_614 = arith.constant 16 : index
        %swap3A_615 = tpu.vector_load %arg12[%swap3A_613, %swap3A_614] {strides = array<i32>} : memref<128x128xf32, #tpu.memory_space<vmem>>, vector<1x16xf32>,
        %swap3A_616 = vector.shape_cast %swap3A_615 : vector<1x16xf32> to vector<16xf32>
        %swap3A_617 = vector.shape_cast %mul3A_612 : vector<16xf32> to vector<1x16xf32>
        tpu.vector_store %arg12[%swap3A_613, %swap3A_614], %swap3A_617 {strides = array<i32>} : memref<128x128xf32, #tpu.memory_space<vmem>>, vector<1x16xf32>,
        %get3A_618 = arith.index_cast %add3A_595 : i32 to index
        %get3A_619 = arith.constant 32 : index
        %get3A_620 = tpu.vector_load %arg12[%get3A_618, %get3A_619] {strides = array<i32>} : memref<128x128xf32, #tpu.memory_space<vmem>>, vector<1x16xf32>,
        %get3A_621 = vector.shape_cast %get3A_620 : vector<1x16xf32> to vector<16xf32>
        %mul3A_622 = vector.broadcast %squeeze3A_591 : f32 to vector<16xf32>
        %mul3A_623 = arith.mulf %get3A_621, %mul3A_622 : vector<16xf32>
        %swap3A_624 = arith.index_cast %add3A_595 : i32 to index
        %swap3A_625 = arith.constant 32 : index
        %swap3A_626 = tpu.vector_load %arg12[%swap3A_624, %swap3A_625] {strides = array<i32>} : memref<128x128xf32, #tpu.memory_space<vmem>>, vector<1x16xf32>,
        %swap3A_627 = vector.shape_cast %swap3A_626 : vector<1x16xf32> to vector<16xf32>
        %swap3A_628 = vector.shape_cast %mul3A_623 : vector<16xf32> to vector<1x16xf32>
        tpu.vector_store %arg12[%swap3A_624, %swap3A_625], %swap3A_628 {strides = array<i32>} : memref<128x128xf32, #tpu.memory_space<vmem>>, vector<1x16xf32>,
        %get3A_629 = arith.index_cast %add3A_595 : i32 to index
        %get3A_630 = arith.constant 48 : index
        %get3A_631 = tpu.vector_load %arg12[%get3A_629, %get3A_630] {strides = array<i32>} : memref<128x128xf32, #tpu.memory_space<vmem>>, vector<1x16xf32>,
        %get3A_632 = vector.shape_cast %get3A_631 : vector<1x16xf32> to vector<16xf32>
        %mul3A_633 = vector.broadcast %squeeze3A_591 : f32 to vector<16xf32>
        %mul3A_634 = arith.mulf %get3A_632, %mul3A_633 : vector<16xf32>
        %swap3A_635 = arith.index_cast %add3A_595 : i32 to index
        %swap3A_636 = arith.constant 48 : index
        %swap3A_637 = tpu.vector_load %arg12[%swap3A_635, %swap3A_636] {strides = array<i32>} : memref<128x128xf32, #tpu.memory_space<vmem>>, vector<1x16xf32>,
        %swap3A_638 = vector.shape_cast %swap3A_637 : vector<1x16xf32> to vector<16xf32>
        %swap3A_639 = vector.shape_cast %mul3A_634 : vector<16xf32> to vector<1x16xf32>
        tpu.vector_store %arg12[%swap3A_635, %swap3A_636], %swap3A_639 {strides = array<i32>} : memref<128x128xf32, #tpu.memory_space<vmem>>, vector<1x16xf32>,
        %get3A_640 = arith.index_cast %add3A_595 : i32 to index
        %get3A_641 = arith.constant 64 : index
        %get3A_642 = tpu.vector_load %arg12[%get3A_640, %get3A_641] {strides = array<i32>} : memref<128x128xf32, #tpu.memory_space<vmem>>, vector<1x16xf32>,
        %get3A_643 = vector.shape_cast %get3A_642 : vector<1x16xf32> to vector<16xf32>
        %mul3A_644 = vector.broadcast %squeeze3A_591 : f32 to vector<16xf32>
        %mul3A_645 = arith.mulf %get3A_643, %mul3A_644 : vector<16xf32>
        %swap3A_646 = arith.index_cast %add3A_595 : i32 to index
        %swap3A_647 = arith.constant 64 : index
        %swap3A_648 = tpu.vector_load %arg12[%swap3A_646, %swap3A_647] {strides = array<i32>} : memref<128x128xf32, #tpu.memory_space<vmem>>, vector<1x16xf32>,
        %swap3A_649 = vector.shape_cast %swap3A_648 : vector<1x16xf32> to vector<16xf32>
        %swap3A_650 = vector.shape_cast %mul3A_645 : vector<16xf32> to vector<1x16xf32>
        tpu.vector_store %arg12[%swap3A_646, %swap3A_647], %swap3A_650 {strides = array<i32>} : memref<128x128xf32, #tpu.memory_space<vmem>>, vector<1x16xf32>,
        %get3A_651 = arith.index_cast %add3A_595 : i32 to index
        %get3A_652 = arith.constant 80 : index
        %get3A_653 = tpu.vector_load %arg12[%get3A_651, %get3A_652] {strides = array<i32>} : memref<128x128xf32, #tpu.memory_space<vmem>>, vector<1x16xf32>,
        %get3A_654 = vector.shape_cast %get3A_653 : vector<1x16xf32> to vector<16xf32>
        %mul3A_655 = vector.broadcast %squeeze3A_591 : f32 to vector<16xf32>
        %mul3A_656 = arith.mulf %get3A_654, %mul3A_655 : vector<16xf32>
        %swap3A_657 = arith.index_cast %add3A_595 : i32 to index
        %swap3A_658 = arith.constant 80 : index
        %swap3A_659 = tpu.vector_load %arg12[%swap3A_657, %swap3A_658] {strides = array<i32>} : memref<128x128xf32, #tpu.memory_space<vmem>>, vector<1x16xf32>,
        %swap3A_660 = vector.shape_cast %swap3A_659 : vector<1x16xf32> to vector<16xf32>
        %swap3A_661 = vector.shape_cast %mul3A_656 : vector<16xf32> to vector<1x16xf32>
        tpu.vector_store %arg12[%swap3A_657, %swap3A_658], %swap3A_661 {strides = array<i32>} : memref<128x128xf32, #tpu.memory_space<vmem>>, vector<1x16xf32>,
        %get3A_662 = arith.index_cast %add3A_595 : i32 to index
        %get3A_663 = arith.constant 96 : index
        %get3A_664 = tpu.vector_load %arg12[%get3A_662, %get3A_663] {strides = array<i32>} : memref<128x128xf32, #tpu.memory_space<vmem>>, vector<1x16xf32>,
        %get3A_665 = vector.shape_cast %get3A_664 : vector<1x16xf32> to vector<16xf32>
        %mul3A_666 = vector.broadcast %squeeze3A_591 : f32 to vector<16xf32>
        %mul3A_667 = arith.mulf %get3A_665, %mul3A_666 : vector<16xf32>
        %swap3A_668 = arith.index_cast %add3A_595 : i32 to index
        %swap3A_669 = arith.constant 96 : index
        %swap3A_670 = tpu.vector_load %arg12[%swap3A_668, %swap3A_669] {strides = array<i32>} : memref<128x128xf32, #tpu.memory_space<vmem>>, vector<1x16xf32>,
        %swap3A_671 = vector.shape_cast %swap3A_670 : vector<1x16xf32> to vector<16xf32>
        %swap3A_672 = vector.shape_cast %mul3A_667 : vector<16xf32> to vector<1x16xf32>
        tpu.vector_store %arg12[%swap3A_668, %swap3A_669], %swap3A_672 {strides = array<i32>} : memref<128x128xf32, #tpu.memory_space<vmem>>, vector<1x16xf32>,
        %get3A_673 = arith.index_cast %add3A_595 : i32 to index
        %get3A_674 = arith.constant 112 : index
        %get3A_675 = tpu.vector_load %arg12[%get3A_673, %get3A_674] {strides = array<i32>} : memref<128x128xf32, #tpu.memory_space<vmem>>, vector<1x16xf32>,
        %get3A_676 = vector.shape_cast %get3A_675 : vector<1x16xf32> to vector<16xf32>
        %mul3A_677 = vector.broadcast %squeeze3A_591 : f32 to vector<16xf32>
        %mul3A_678 = arith.mulf %get3A_676, %mul3A_677 : vector<16xf32>
        %swap3A_679 = arith.index_cast %add3A_595 : i32 to index
        %swap3A_680 = arith.constant 112 : index
        %swap3A_681 = tpu.vector_load %arg12[%swap3A_679, %swap3A_680] {strides = array<i32>} : memref<128x128xf32, #tpu.memory_space<vmem>>, vector<1x16xf32>,
        %swap3A_682 = vector.shape_cast %swap3A_681 : vector<1x16xf32> to vector<16xf32>
        %swap3A_683 = vector.shape_cast %mul3A_678 : vector<16xf32> to vector<1x16xf32>
        tpu.vector_store %arg12[%swap3A_679, %swap3A_680], %swap3A_683 {strides = array<i32>} : memref<128x128xf32, #tpu.memory_space<vmem>>, vector<1x16xf32>,
        %slice3A_684 = vector.extract_strided_slice %select_n3A {offsets = [6], sizes = [1], strides = [1]} : vector<16xf32> to vector<1xf32>
        %squeeze3A_685 = vector.extract %slice3A_684[0] : f32 from vector<1xf32>
        %mul3A_686 = arith.constant 16 : i32
        %mul3A_687 = arith.muli %scan3A_100, %mul3A_686 : i32
        %add3A_688 = arith.constant 6 : i32
        %add3A_689 = arith.addi %mul3A_687, %add3A_688 : i32
        %get3A_690 = arith.index_cast %add3A_689 : i32 to index
        %get3A_691 = arith.constant 0 : index
        %get3A_692 = tpu.vector_load %arg12[%get3A_690, %get3A_691] {strides = array<i32>} : memref<128x128xf32, #tpu.memory_space<vmem>>, vector<1x16xf32>,
        %get3A_693 = vector.shape_cast %get3A_692 : vector<1x16xf32> to vector<16xf32>
        %mul3A_694 = vector.broadcast %squeeze3A_685 : f32 to vector<16xf32>
        %mul3A_695 = arith.mulf %get3A_693, %mul3A_694 : vector<16xf32>
        %swap3A_696 = arith.index_cast %add3A_689 : i32 to index
        %swap3A_697 = arith.constant 0 : index
        %swap3A_698 = tpu.vector_load %arg12[%swap3A_696, %swap3A_697] {strides = array<i32>} : memref<128x128xf32, #tpu.memory_space<vmem>>, vector<1x16xf32>,
        %swap3A_699 = vector.shape_cast %swap3A_698 : vector<1x16xf32> to vector<16xf32>
        %swap3A_700 = vector.shape_cast %mul3A_695 : vector<16xf32> to vector<1x16xf32>
        tpu.vector_store %arg12[%swap3A_696, %swap3A_697], %swap3A_700 {strides = array<i32>} : memref<128x128xf32, #tpu.memory_space<vmem>>, vector<1x16xf32>,
        %get3A_701 = arith.index_cast %add3A_689 : i32 to index
        %get3A_702 = arith.constant 16 : index
        %get3A_703 = tpu.vector_load %arg12[%get3A_701, %get3A_702] {strides = array<i32>} : memref<128x128xf32, #tpu.memory_space<vmem>>, vector<1x16xf32>,
        %get3A_704 = vector.shape_cast %get3A_703 : vector<1x16xf32> to vector<16xf32>
        %mul3A_705 = vector.broadcast %squeeze3A_685 : f32 to vector<16xf32>
        %mul3A_706 = arith.mulf %get3A_704, %mul3A_705 : vector<16xf32>
        %swap3A_707 = arith.index_cast %add3A_689 : i32 to index
        %swap3A_708 = arith.constant 16 : index
        %swap3A_709 = tpu.vector_load %arg12[%swap3A_707, %swap3A_708] {strides = array<i32>} : memref<128x128xf32, #tpu.memory_space<vmem>>, vector<1x16xf32>,
        %swap3A_710 = vector.shape_cast %swap3A_709 : vector<1x16xf32> to vector<16xf32>
        %swap3A_711 = vector.shape_cast %mul3A_706 : vector<16xf32> to vector<1x16xf32>
        tpu.vector_store %arg12[%swap3A_707, %swap3A_708], %swap3A_711 {strides = array<i32>} : memref<128x128xf32, #tpu.memory_space<vmem>>, vector<1x16xf32>,
        %get3A_712 = arith.index_cast %add3A_689 : i32 to index
        %get3A_713 = arith.constant 32 : index
        %get3A_714 = tpu.vector_load %arg12[%get3A_712, %get3A_713] {strides = array<i32>} : memref<128x128xf32, #tpu.memory_space<vmem>>, vector<1x16xf32>,
        %get3A_715 = vector.shape_cast %get3A_714 : vector<1x16xf32> to vector<16xf32>
        %mul3A_716 = vector.broadcast %squeeze3A_685 : f32 to vector<16xf32>
        %mul3A_717 = arith.mulf %get3A_715, %mul3A_716 : vector<16xf32>
        %swap3A_718 = arith.index_cast %add3A_689 : i32 to index
        %swap3A_719 = arith.constant 32 : index
        %swap3A_720 = tpu.vector_load %arg12[%swap3A_718, %swap3A_719] {strides = array<i32>} : memref<128x128xf32, #tpu.memory_space<vmem>>, vector<1x16xf32>,
        %swap3A_721 = vector.shape_cast %swap3A_720 : vector<1x16xf32> to vector<16xf32>
        %swap3A_722 = vector.shape_cast %mul3A_717 : vector<16xf32> to vector<1x16xf32>
        tpu.vector_store %arg12[%swap3A_718, %swap3A_719], %swap3A_722 {strides = array<i32>} : memref<128x128xf32, #tpu.memory_space<vmem>>, vector<1x16xf32>,
        %get3A_723 = arith.index_cast %add3A_689 : i32 to index
        %get3A_724 = arith.constant 48 : index
        %get3A_725 = tpu.vector_load %arg12[%get3A_723, %get3A_724] {strides = array<i32>} : memref<128x128xf32, #tpu.memory_space<vmem>>, vector<1x16xf32>,
        %get3A_726 = vector.shape_cast %get3A_725 : vector<1x16xf32> to vector<16xf32>
        %mul3A_727 = vector.broadcast %squeeze3A_685 : f32 to vector<16xf32>
        %mul3A_728 = arith.mulf %get3A_726, %mul3A_727 : vector<16xf32>
        %swap3A_729 = arith.index_cast %add3A_689 : i32 to index
        %swap3A_730 = arith.constant 48 : index
        %swap3A_731 = tpu.vector_load %arg12[%swap3A_729, %swap3A_730] {strides = array<i32>} : memref<128x128xf32, #tpu.memory_space<vmem>>, vector<1x16xf32>,
        %swap3A_732 = vector.shape_cast %swap3A_731 : vector<1x16xf32> to vector<16xf32>
        %swap3A_733 = vector.shape_cast %mul3A_728 : vector<16xf32> to vector<1x16xf32>
        tpu.vector_store %arg12[%swap3A_729, %swap3A_730], %swap3A_733 {strides = array<i32>} : memref<128x128xf32, #tpu.memory_space<vmem>>, vector<1x16xf32>,
        %get3A_734 = arith.index_cast %add3A_689 : i32 to index
        %get3A_735 = arith.constant 64 : index
        %get3A_736 = tpu.vector_load %arg12[%get3A_734, %get3A_735] {strides = array<i32>} : memref<128x128xf32, #tpu.memory_space<vmem>>, vector<1x16xf32>,
        %get3A_737 = vector.shape_cast %get3A_736 : vector<1x16xf32> to vector<16xf32>
        %mul3A_738 = vector.broadcast %squeeze3A_685 : f32 to vector<16xf32>
        %mul3A_739 = arith.mulf %get3A_737, %mul3A_738 : vector<16xf32>
        %swap3A_740 = arith.index_cast %add3A_689 : i32 to index
        %swap3A_741 = arith.constant 64 : index
        %swap3A_742 = tpu.vector_load %arg12[%swap3A_740, %swap3A_741] {strides = array<i32>} : memref<128x128xf32, #tpu.memory_space<vmem>>, vector<1x16xf32>,
        %swap3A_743 = vector.shape_cast %swap3A_742 : vector<1x16xf32> to vector<16xf32>
        %swap3A_744 = vector.shape_cast %mul3A_739 : vector<16xf32> to vector<1x16xf32>
        tpu.vector_store %arg12[%swap3A_740, %swap3A_741], %swap3A_744 {strides = array<i32>} : memref<128x128xf32, #tpu.memory_space<vmem>>, vector<1x16xf32>,
        %get3A_745 = arith.index_cast %add3A_689 : i32 to index
        %get3A_746 = arith.constant 80 : index
        %get3A_747 = tpu.vector_load %arg12[%get3A_745, %get3A_746] {strides = array<i32>} : memref<128x128xf32, #tpu.memory_space<vmem>>, vector<1x16xf32>,
        %get3A_748 = vector.shape_cast %get3A_747 : vector<1x16xf32> to vector<16xf32>
        %mul3A_749 = vector.broadcast %squeeze3A_685 : f32 to vector<16xf32>
        %mul3A_750 = arith.mulf %get3A_748, %mul3A_749 : vector<16xf32>
        %swap3A_751 = arith.index_cast %add3A_689 : i32 to index
        %swap3A_752 = arith.constant 80 : index
        %swap3A_753 = tpu.vector_load %arg12[%swap3A_751, %swap3A_752] {strides = array<i32>} : memref<128x128xf32, #tpu.memory_space<vmem>>, vector<1x16xf32>,
        %swap3A_754 = vector.shape_cast %swap3A_753 : vector<1x16xf32> to vector<16xf32>
        %swap3A_755 = vector.shape_cast %mul3A_750 : vector<16xf32> to vector<1x16xf32>
        tpu.vector_store %arg12[%swap3A_751, %swap3A_752], %swap3A_755 {strides = array<i32>} : memref<128x128xf32, #tpu.memory_space<vmem>>, vector<1x16xf32>,
        %get3A_756 = arith.index_cast %add3A_689 : i32 to index
        %get3A_757 = arith.constant 96 : index
        %get3A_758 = tpu.vector_load %arg12[%get3A_756, %get3A_757] {strides = array<i32>} : memref<128x128xf32, #tpu.memory_space<vmem>>, vector<1x16xf32>,
        %get3A_759 = vector.shape_cast %get3A_758 : vector<1x16xf32> to vector<16xf32>
        %mul3A_760 = vector.broadcast %squeeze3A_685 : f32 to vector<16xf32>
        %mul3A_761 = arith.mulf %get3A_759, %mul3A_760 : vector<16xf32>
        %swap3A_762 = arith.index_cast %add3A_689 : i32 to index
        %swap3A_763 = arith.constant 96 : index
        %swap3A_764 = tpu.vector_load %arg12[%swap3A_762, %swap3A_763] {strides = array<i32>} : memref<128x128xf32, #tpu.memory_space<vmem>>, vector<1x16xf32>,
        %swap3A_765 = vector.shape_cast %swap3A_764 : vector<1x16xf32> to vector<16xf32>
        %swap3A_766 = vector.shape_cast %mul3A_761 : vector<16xf32> to vector<1x16xf32>
        tpu.vector_store %arg12[%swap3A_762, %swap3A_763], %swap3A_766 {strides = array<i32>} : memref<128x128xf32, #tpu.memory_space<vmem>>, vector<1x16xf32>,
        %get3A_767 = arith.index_cast %add3A_689 : i32 to index
        %get3A_768 = arith.constant 112 : index
        %get3A_769 = tpu.vector_load %arg12[%get3A_767, %get3A_768] {strides = array<i32>} : memref<128x128xf32, #tpu.memory_space<vmem>>, vector<1x16xf32>,
        %get3A_770 = vector.shape_cast %get3A_769 : vector<1x16xf32> to vector<16xf32>
        %mul3A_771 = vector.broadcast %squeeze3A_685 : f32 to vector<16xf32>
        %mul3A_772 = arith.mulf %get3A_770, %mul3A_771 : vector<16xf32>
        %swap3A_773 = arith.index_cast %add3A_689 : i32 to index
        %swap3A_774 = arith.constant 112 : index
        %swap3A_775 = tpu.vector_load %arg12[%swap3A_773, %swap3A_774] {strides = array<i32>} : memref<128x128xf32, #tpu.memory_space<vmem>>, vector<1x16xf32>,
        %swap3A_776 = vector.shape_cast %swap3A_775 : vector<1x16xf32> to vector<16xf32>
        %swap3A_777 = vector.shape_cast %mul3A_772 : vector<16xf32> to vector<1x16xf32>
        tpu.vector_store %arg12[%swap3A_773, %swap3A_774], %swap3A_777 {strides = array<i32>} : memref<128x128xf32, #tpu.memory_space<vmem>>, vector<1x16xf32>,
        %slice3A_778 = vector.extract_strided_slice %select_n3A {offsets = [7], sizes = [1], strides = [1]} : vector<16xf32> to vector<1xf32>
        %squeeze3A_779 = vector.extract %slice3A_778[0] : f32 from vector<1xf32>
        %mul3A_780 = arith.constant 16 : i32
        %mul3A_781 = arith.muli %scan3A_100, %mul3A_780 : i32
        %add3A_782 = arith.constant 7 : i32
        %add3A_783 = arith.addi %mul3A_781, %add3A_782 : i32
        %get3A_784 = arith.index_cast %add3A_783 : i32 to index
        %get3A_785 = arith.constant 0 : index
        %get3A_786 = tpu.vector_load %arg12[%get3A_784, %get3A_785] {strides = array<i32>} : memref<128x128xf32, #tpu.memory_space<vmem>>, vector<1x16xf32>,
        %get3A_787 = vector.shape_cast %get3A_786 : vector<1x16xf32> to vector<16xf32>
        %mul3A_788 = vector.broadcast %squeeze3A_779 : f32 to vector<16xf32>
        %mul3A_789 = arith.mulf %get3A_787, %mul3A_788 : vector<16xf32>
        %swap3A_790 = arith.index_cast %add3A_783 : i32 to index
        %swap3A_791 = arith.constant 0 : index
        %swap3A_792 = tpu.vector_load %arg12[%swap3A_790, %swap3A_791] {strides = array<i32>} : memref<128x128xf32, #tpu.memory_space<vmem>>, vector<1x16xf32>,
        %swap3A_793 = vector.shape_cast %swap3A_792 : vector<1x16xf32> to vector<16xf32>
        %swap3A_794 = vector.shape_cast %mul3A_789 : vector<16xf32> to vector<1x16xf32>
        tpu.vector_store %arg12[%swap3A_790, %swap3A_791], %swap3A_794 {strides = array<i32>} : memref<128x128xf32, #tpu.memory_space<vmem>>, vector<1x16xf32>,
        %get3A_795 = arith.index_cast %add3A_783 : i32 to index
        %get3A_796 = arith.constant 16 : index
        %get3A_797 = tpu.vector_load %arg12[%get3A_795, %get3A_796] {strides = array<i32>} : memref<128x128xf32, #tpu.memory_space<vmem>>, vector<1x16xf32>,
        %get3A_798 = vector.shape_cast %get3A_797 : vector<1x16xf32> to vector<16xf32>
        %mul3A_799 = vector.broadcast %squeeze3A_779 : f32 to vector<16xf32>
        %mul3A_800 = arith.mulf %get3A_798, %mul3A_799 : vector<16xf32>
        %swap3A_801 = arith.index_cast %add3A_783 : i32 to index
        %swap3A_802 = arith.constant 16 : index
        %swap3A_803 = tpu.vector_load %arg12[%swap3A_801, %swap3A_802] {strides = array<i32>} : memref<128x128xf32, #tpu.memory_space<vmem>>, vector<1x16xf32>,
        %swap3A_804 = vector.shape_cast %swap3A_803 : vector<1x16xf32> to vector<16xf32>
        %swap3A_805 = vector.shape_cast %mul3A_800 : vector<16xf32> to vector<1x16xf32>
        tpu.vector_store %arg12[%swap3A_801, %swap3A_802], %swap3A_805 {strides = array<i32>} : memref<128x128xf32, #tpu.memory_space<vmem>>, vector<1x16xf32>,
        %get3A_806 = arith.index_cast %add3A_783 : i32 to index
        %get3A_807 = arith.constant 32 : index
        %get3A_808 = tpu.vector_load %arg12[%get3A_806, %get3A_807] {strides = array<i32>} : memref<128x128xf32, #tpu.memory_space<vmem>>, vector<1x16xf32>,
        %get3A_809 = vector.shape_cast %get3A_808 : vector<1x16xf32> to vector<16xf32>
        %mul3A_810 = vector.broadcast %squeeze3A_779 : f32 to vector<16xf32>
        %mul3A_811 = arith.mulf %get3A_809, %mul3A_810 : vector<16xf32>
        %swap3A_812 = arith.index_cast %add3A_783 : i32 to index
        %swap3A_813 = arith.constant 32 : index
        %swap3A_814 = tpu.vector_load %arg12[%swap3A_812, %swap3A_813] {strides = array<i32>} : memref<128x128xf32, #tpu.memory_space<vmem>>, vector<1x16xf32>,
        %swap3A_815 = vector.shape_cast %swap3A_814 : vector<1x16xf32> to vector<16xf32>
        %swap3A_816 = vector.shape_cast %mul3A_811 : vector<16xf32> to vector<1x16xf32>
        tpu.vector_store %arg12[%swap3A_812, %swap3A_813], %swap3A_816 {strides = array<i32>} : memref<128x128xf32, #tpu.memory_space<vmem>>, vector<1x16xf32>,
        %get3A_817 = arith.index_cast %add3A_783 : i32 to index
        %get3A_818 = arith.constant 48 : index
        %get3A_819 = tpu.vector_load %arg12[%get3A_817, %get3A_818] {strides = array<i32>} : memref<128x128xf32, #tpu.memory_space<vmem>>, vector<1x16xf32>,
        %get3A_820 = vector.shape_cast %get3A_819 : vector<1x16xf32> to vector<16xf32>
        %mul3A_821 = vector.broadcast %squeeze3A_779 : f32 to vector<16xf32>
        %mul3A_822 = arith.mulf %get3A_820, %mul3A_821 : vector<16xf32>
        %swap3A_823 = arith.index_cast %add3A_783 : i32 to index
        %swap3A_824 = arith.constant 48 : index
        %swap3A_825 = tpu.vector_load %arg12[%swap3A_823, %swap3A_824] {strides = array<i32>} : memref<128x128xf32, #tpu.memory_space<vmem>>, vector<1x16xf32>,
        %swap3A_826 = vector.shape_cast %swap3A_825 : vector<1x16xf32> to vector<16xf32>
        %swap3A_827 = vector.shape_cast %mul3A_822 : vector<16xf32> to vector<1x16xf32>
        tpu.vector_store %arg12[%swap3A_823, %swap3A_824], %swap3A_827 {strides = array<i32>} : memref<128x128xf32, #tpu.memory_space<vmem>>, vector<1x16xf32>,
        %get3A_828 = arith.index_cast %add3A_783 : i32 to index
        %get3A_829 = arith.constant 64 : index
        %get3A_830 = tpu.vector_load %arg12[%get3A_828, %get3A_829] {strides = array<i32>} : memref<128x128xf32, #tpu.memory_space<vmem>>, vector<1x16xf32>,
        %get3A_831 = vector.shape_cast %get3A_830 : vector<1x16xf32> to vector<16xf32>
        %mul3A_832 = vector.broadcast %squeeze3A_779 : f32 to vector<16xf32>
        %mul3A_833 = arith.mulf %get3A_831, %mul3A_832 : vector<16xf32>
        %swap3A_834 = arith.index_cast %add3A_783 : i32 to index
        %swap3A_835 = arith.constant 64 : index
        %swap3A_836 = tpu.vector_load %arg12[%swap3A_834, %swap3A_835] {strides = array<i32>} : memref<128x128xf32, #tpu.memory_space<vmem>>, vector<1x16xf32>,
        %swap3A_837 = vector.shape_cast %swap3A_836 : vector<1x16xf32> to vector<16xf32>
        %swap3A_838 = vector.shape_cast %mul3A_833 : vector<16xf32> to vector<1x16xf32>
        tpu.vector_store %arg12[%swap3A_834, %swap3A_835], %swap3A_838 {strides = array<i32>} : memref<128x128xf32, #tpu.memory_space<vmem>>, vector<1x16xf32>,
        %get3A_839 = arith.index_cast %add3A_783 : i32 to index
        %get3A_840 = arith.constant 80 : index
        %get3A_841 = tpu.vector_load %arg12[%get3A_839, %get3A_840] {strides = array<i32>} : memref<128x128xf32, #tpu.memory_space<vmem>>, vector<1x16xf32>,
        %get3A_842 = vector.shape_cast %get3A_841 : vector<1x16xf32> to vector<16xf32>
        %mul3A_843 = vector.broadcast %squeeze3A_779 : f32 to vector<16xf32>
        %mul3A_844 = arith.mulf %get3A_842, %mul3A_843 : vector<16xf32>
        %swap3A_845 = arith.index_cast %add3A_783 : i32 to index
        %swap3A_846 = arith.constant 80 : index
        %swap3A_847 = tpu.vector_load %arg12[%swap3A_845, %swap3A_846] {strides = array<i32>} : memref<128x128xf32, #tpu.memory_space<vmem>>, vector<1x16xf32>,
        %swap3A_848 = vector.shape_cast %swap3A_847 : vector<1x16xf32> to vector<16xf32>
        %swap3A_849 = vector.shape_cast %mul3A_844 : vector<16xf32> to vector<1x16xf32>
        tpu.vector_store %arg12[%swap3A_845, %swap3A_846], %swap3A_849 {strides = array<i32>} : memref<128x128xf32, #tpu.memory_space<vmem>>, vector<1x16xf32>,
        %get3A_850 = arith.index_cast %add3A_783 : i32 to index
        %get3A_851 = arith.constant 96 : index
        %get3A_852 = tpu.vector_load %arg12[%get3A_850, %get3A_851] {strides = array<i32>} : memref<128x128xf32, #tpu.memory_space<vmem>>, vector<1x16xf32>,
        %get3A_853 = vector.shape_cast %get3A_852 : vector<1x16xf32> to vector<16xf32>
        %mul3A_854 = vector.broadcast %squeeze3A_779 : f32 to vector<16xf32>
        %mul3A_855 = arith.mulf %get3A_853, %mul3A_854 : vector<16xf32>
        %swap3A_856 = arith.index_cast %add3A_783 : i32 to index
        %swap3A_857 = arith.constant 96 : index
        %swap3A_858 = tpu.vector_load %arg12[%swap3A_856, %swap3A_857] {strides = array<i32>} : memref<128x128xf32, #tpu.memory_space<vmem>>, vector<1x16xf32>,
        %swap3A_859 = vector.shape_cast %swap3A_858 : vector<1x16xf32> to vector<16xf32>
        %swap3A_860 = vector.shape_cast %mul3A_855 : vector<16xf32> to vector<1x16xf32>
        tpu.vector_store %arg12[%swap3A_856, %swap3A_857], %swap3A_860 {strides = array<i32>} : memref<128x128xf32, #tpu.memory_space<vmem>>, vector<1x16xf32>,
        %get3A_861 = arith.index_cast %add3A_783 : i32 to index
        %get3A_862 = arith.constant 112 : index
        %get3A_863 = tpu.vector_load %arg12[%get3A_861, %get3A_862] {strides = array<i32>} : memref<128x128xf32, #tpu.memory_space<vmem>>, vector<1x16xf32>,
        %get3A_864 = vector.shape_cast %get3A_863 : vector<1x16xf32> to vector<16xf32>
        %mul3A_865 = vector.broadcast %squeeze3A_779 : f32 to vector<16xf32>
        %mul3A_866 = arith.mulf %get3A_864, %mul3A_865 : vector<16xf32>
        %swap3A_867 = arith.index_cast %add3A_783 : i32 to index
        %swap3A_868 = arith.constant 112 : index
        %swap3A_869 = tpu.vector_load %arg12[%swap3A_867, %swap3A_868] {strides = array<i32>} : memref<128x128xf32, #tpu.memory_space<vmem>>, vector<1x16xf32>,
        %swap3A_870 = vector.shape_cast %swap3A_869 : vector<1x16xf32> to vector<16xf32>
        %swap3A_871 = vector.shape_cast %mul3A_866 : vector<16xf32> to vector<1x16xf32>
        tpu.vector_store %arg12[%swap3A_867, %swap3A_868], %swap3A_871 {strides = array<i32>} : memref<128x128xf32, #tpu.memory_space<vmem>>, vector<1x16xf32>,
        %slice3A_872 = vector.extract_strided_slice %select_n3A {offsets = [8], sizes = [1], strides = [1]} : vector<16xf32> to vector<1xf32>
        %squeeze3A_873 = vector.extract %slice3A_872[0] : f32 from vector<1xf32>
        %mul3A_874 = arith.constant 16 : i32
        %mul3A_875 = arith.muli %scan3A_100, %mul3A_874 : i32
        %add3A_876 = arith.constant 8 : i32
        %add3A_877 = arith.addi %mul3A_875, %add3A_876 : i32
        %get3A_878 = arith.index_cast %add3A_877 : i32 to index
        %get3A_879 = arith.constant 0 : index
        %get3A_880 = tpu.vector_load %arg12[%get3A_878, %get3A_879] {strides = array<i32>} : memref<128x128xf32, #tpu.memory_space<vmem>>, vector<1x16xf32>,
        %get3A_881 = vector.shape_cast %get3A_880 : vector<1x16xf32> to vector<16xf32>
        %mul3A_882 = vector.broadcast %squeeze3A_873 : f32 to vector<16xf32>
        %mul3A_883 = arith.mulf %get3A_881, %mul3A_882 : vector<16xf32>
        %swap3A_884 = arith.index_cast %add3A_877 : i32 to index
        %swap3A_885 = arith.constant 0 : index
        %swap3A_886 = tpu.vector_load %arg12[%swap3A_884, %swap3A_885] {strides = array<i32>} : memref<128x128xf32, #tpu.memory_space<vmem>>, vector<1x16xf32>,
        %swap3A_887 = vector.shape_cast %swap3A_886 : vector<1x16xf32> to vector<16xf32>
        %swap3A_888 = vector.shape_cast %mul3A_883 : vector<16xf32> to vector<1x16xf32>
        tpu.vector_store %arg12[%swap3A_884, %swap3A_885], %swap3A_888 {strides = array<i32>} : memref<128x128xf32, #tpu.memory_space<vmem>>, vector<1x16xf32>,
        %get3A_889 = arith.index_cast %add3A_877 : i32 to index
        %get3A_890 = arith.constant 16 : index
        %get3A_891 = tpu.vector_load %arg12[%get3A_889, %get3A_890] {strides = array<i32>} : memref<128x128xf32, #tpu.memory_space<vmem>>, vector<1x16xf32>,
        %get3A_892 = vector.shape_cast %get3A_891 : vector<1x16xf32> to vector<16xf32>
        %mul3A_893 = vector.broadcast %squeeze3A_873 : f32 to vector<16xf32>
        %mul3A_894 = arith.mulf %get3A_892, %mul3A_893 : vector<16xf32>
        %swap3A_895 = arith.index_cast %add3A_877 : i32 to index
        %swap3A_896 = arith.constant 16 : index
        %swap3A_897 = tpu.vector_load %arg12[%swap3A_895, %swap3A_896] {strides = array<i32>} : memref<128x128xf32, #tpu.memory_space<vmem>>, vector<1x16xf32>,
        %swap3A_898 = vector.shape_cast %swap3A_897 : vector<1x16xf32> to vector<16xf32>
        %swap3A_899 = vector.shape_cast %mul3A_894 : vector<16xf32> to vector<1x16xf32>
        tpu.vector_store %arg12[%swap3A_895, %swap3A_896], %swap3A_899 {strides = array<i32>} : memref<128x128xf32, #tpu.memory_space<vmem>>, vector<1x16xf32>,
        %get3A_900 = arith.index_cast %add3A_877 : i32 to index
        %get3A_901 = arith.constant 32 : index
        %get3A_902 = tpu.vector_load %arg12[%get3A_900, %get3A_901] {strides = array<i32>} : memref<128x128xf32, #tpu.memory_space<vmem>>, vector<1x16xf32>,
        %get3A_903 = vector.shape_cast %get3A_902 : vector<1x16xf32> to vector<16xf32>
        %mul3A_904 = vector.broadcast %squeeze3A_873 : f32 to vector<16xf32>
        %mul3A_905 = arith.mulf %get3A_903, %mul3A_904 : vector<16xf32>
        %swap3A_906 = arith.index_cast %add3A_877 : i32 to index
        %swap3A_907 = arith.constant 32 : index
        %swap3A_908 = tpu.vector_load %arg12[%swap3A_906, %swap3A_907] {strides = array<i32>} : memref<128x128xf32, #tpu.memory_space<vmem>>, vector<1x16xf32>,
        %swap3A_909 = vector.shape_cast %swap3A_908 : vector<1x16xf32> to vector<16xf32>
        %swap3A_910 = vector.shape_cast %mul3A_905 : vector<16xf32> to vector<1x16xf32>
        tpu.vector_store %arg12[%swap3A_906, %swap3A_907], %swap3A_910 {strides = array<i32>} : memref<128x128xf32, #tpu.memory_space<vmem>>, vector<1x16xf32>,
        %get3A_911 = arith.index_cast %add3A_877 : i32 to index
        %get3A_912 = arith.constant 48 : index
        %get3A_913 = tpu.vector_load %arg12[%get3A_911, %get3A_912] {strides = array<i32>} : memref<128x128xf32, #tpu.memory_space<vmem>>, vector<1x16xf32>,
        %get3A_914 = vector.shape_cast %get3A_913 : vector<1x16xf32> to vector<16xf32>
        %mul3A_915 = vector.broadcast %squeeze3A_873 : f32 to vector<16xf32>
        %mul3A_916 = arith.mulf %get3A_914, %mul3A_915 : vector<16xf32>
        %swap3A_917 = arith.index_cast %add3A_877 : i32 to index
        %swap3A_918 = arith.constant 48 : index
        %swap3A_919 = tpu.vector_load %arg12[%swap3A_917, %swap3A_918] {strides = array<i32>} : memref<128x128xf32, #tpu.memory_space<vmem>>, vector<1x16xf32>,
        %swap3A_920 = vector.shape_cast %swap3A_919 : vector<1x16xf32> to vector<16xf32>
        %swap3A_921 = vector.shape_cast %mul3A_916 : vector<16xf32> to vector<1x16xf32>
        tpu.vector_store %arg12[%swap3A_917, %swap3A_918], %swap3A_921 {strides = array<i32>} : memref<128x128xf32, #tpu.memory_space<vmem>>, vector<1x16xf32>,
        %get3A_922 = arith.index_cast %add3A_877 : i32 to index
        %get3A_923 = arith.constant 64 : index
        %get3A_924 = tpu.vector_load %arg12[%get3A_922, %get3A_923] {strides = array<i32>} : memref<128x128xf32, #tpu.memory_space<vmem>>, vector<1x16xf32>,
        %get3A_925 = vector.shape_cast %get3A_924 : vector<1x16xf32> to vector<16xf32>
        %mul3A_926 = vector.broadcast %squeeze3A_873 : f32 to vector<16xf32>
        %mul3A_927 = arith.mulf %get3A_925, %mul3A_926 : vector<16xf32>
        %swap3A_928 = arith.index_cast %add3A_877 : i32 to index
        %swap3A_929 = arith.constant 64 : index
        %swap3A_930 = tpu.vector_load %arg12[%swap3A_928, %swap3A_929] {strides = array<i32>} : memref<128x128xf32, #tpu.memory_space<vmem>>, vector<1x16xf32>,
        %swap3A_931 = vector.shape_cast %swap3A_930 : vector<1x16xf32> to vector<16xf32>
        %swap3A_932 = vector.shape_cast %mul3A_927 : vector<16xf32> to vector<1x16xf32>
        tpu.vector_store %arg12[%swap3A_928, %swap3A_929], %swap3A_932 {strides = array<i32>} : memref<128x128xf32, #tpu.memory_space<vmem>>, vector<1x16xf32>,
        %get3A_933 = arith.index_cast %add3A_877 : i32 to index
        %get3A_934 = arith.constant 80 : index
        %get3A_935 = tpu.vector_load %arg12[%get3A_933, %get3A_934] {strides = array<i32>} : memref<128x128xf32, #tpu.memory_space<vmem>>, vector<1x16xf32>,
        %get3A_936 = vector.shape_cast %get3A_935 : vector<1x16xf32> to vector<16xf32>
        %mul3A_937 = vector.broadcast %squeeze3A_873 : f32 to vector<16xf32>
        %mul3A_938 = arith.mulf %get3A_936, %mul3A_937 : vector<16xf32>
        %swap3A_939 = arith.index_cast %add3A_877 : i32 to index
        %swap3A_940 = arith.constant 80 : index
        %swap3A_941 = tpu.vector_load %arg12[%swap3A_939, %swap3A_940] {strides = array<i32>} : memref<128x128xf32, #tpu.memory_space<vmem>>, vector<1x16xf32>,
        %swap3A_942 = vector.shape_cast %swap3A_941 : vector<1x16xf32> to vector<16xf32>
        %swap3A_943 = vector.shape_cast %mul3A_938 : vector<16xf32> to vector<1x16xf32>
        tpu.vector_store %arg12[%swap3A_939, %swap3A_940], %swap3A_943 {strides = array<i32>} : memref<128x128xf32, #tpu.memory_space<vmem>>, vector<1x16xf32>,
        %get3A_944 = arith.index_cast %add3A_877 : i32 to index
        %get3A_945 = arith.constant 96 : index
        %get3A_946 = tpu.vector_load %arg12[%get3A_944, %get3A_945] {strides = array<i32>} : memref<128x128xf32, #tpu.memory_space<vmem>>, vector<1x16xf32>,
        %get3A_947 = vector.shape_cast %get3A_946 : vector<1x16xf32> to vector<16xf32>
        %mul3A_948 = vector.broadcast %squeeze3A_873 : f32 to vector<16xf32>
        %mul3A_949 = arith.mulf %get3A_947, %mul3A_948 : vector<16xf32>
        %swap3A_950 = arith.index_cast %add3A_877 : i32 to index
        %swap3A_951 = arith.constant 96 : index
        %swap3A_952 = tpu.vector_load %arg12[%swap3A_950, %swap3A_951] {strides = array<i32>} : memref<128x128xf32, #tpu.memory_space<vmem>>, vector<1x16xf32>,
        %swap3A_953 = vector.shape_cast %swap3A_952 : vector<1x16xf32> to vector<16xf32>
        %swap3A_954 = vector.shape_cast %mul3A_949 : vector<16xf32> to vector<1x16xf32>
        tpu.vector_store %arg12[%swap3A_950, %swap3A_951], %swap3A_954 {strides = array<i32>} : memref<128x128xf32, #tpu.memory_space<vmem>>, vector<1x16xf32>,
        %get3A_955 = arith.index_cast %add3A_877 : i32 to index
        %get3A_956 = arith.constant 112 : index
        %get3A_957 = tpu.vector_load %arg12[%get3A_955, %get3A_956] {strides = array<i32>} : memref<128x128xf32, #tpu.memory_space<vmem>>, vector<1x16xf32>,
        %get3A_958 = vector.shape_cast %get3A_957 : vector<1x16xf32> to vector<16xf32>
        %mul3A_959 = vector.broadcast %squeeze3A_873 : f32 to vector<16xf32>
        %mul3A_960 = arith.mulf %get3A_958, %mul3A_959 : vector<16xf32>
        %swap3A_961 = arith.index_cast %add3A_877 : i32 to index
        %swap3A_962 = arith.constant 112 : index
        %swap3A_963 = tpu.vector_load %arg12[%swap3A_961, %swap3A_962] {strides = array<i32>} : memref<128x128xf32, #tpu.memory_space<vmem>>, vector<1x16xf32>,
        %swap3A_964 = vector.shape_cast %swap3A_963 : vector<1x16xf32> to vector<16xf32>
        %swap3A_965 = vector.shape_cast %mul3A_960 : vector<16xf32> to vector<1x16xf32>
        tpu.vector_store %arg12[%swap3A_961, %swap3A_962], %swap3A_965 {strides = array<i32>} : memref<128x128xf32, #tpu.memory_space<vmem>>, vector<1x16xf32>,
        %slice3A_966 = vector.extract_strided_slice %select_n3A {offsets = [9], sizes = [1], strides = [1]} : vector<16xf32> to vector<1xf32>
        %squeeze3A_967 = vector.extract %slice3A_966[0] : f32 from vector<1xf32>
        %mul3A_968 = arith.constant 16 : i32
        %mul3A_969 = arith.muli %scan3A_100, %mul3A_968 : i32
        %add3A_970 = arith.constant 9 : i32
        %add3A_971 = arith.addi %mul3A_969, %add3A_970 : i32
        %get3A_972 = arith.index_cast %add3A_971 : i32 to index
        %get3A_973 = arith.constant 0 : index
        %get3A_974 = tpu.vector_load %arg12[%get3A_972, %get3A_973] {strides = array<i32>} : memref<128x128xf32, #tpu.memory_space<vmem>>, vector<1x16xf32>,
        %get3A_975 = vector.shape_cast %get3A_974 : vector<1x16xf32> to vector<16xf32>
        %mul3A_976 = vector.broadcast %squeeze3A_967 : f32 to vector<16xf32>
        %mul3A_977 = arith.mulf %get3A_975, %mul3A_976 : vector<16xf32>
        %swap3A_978 = arith.index_cast %add3A_971 : i32 to index
        %swap3A_979 = arith.constant 0 : index
        %swap3A_980 = tpu.vector_load %arg12[%swap3A_978, %swap3A_979] {strides = array<i32>} : memref<128x128xf32, #tpu.memory_space<vmem>>, vector<1x16xf32>,
        %swap3A_981 = vector.shape_cast %swap3A_980 : vector<1x16xf32> to vector<16xf32>
        %swap3A_982 = vector.shape_cast %mul3A_977 : vector<16xf32> to vector<1x16xf32>
        tpu.vector_store %arg12[%swap3A_978, %swap3A_979], %swap3A_982 {strides = array<i32>} : memref<128x128xf32, #tpu.memory_space<vmem>>, vector<1x16xf32>,
        %get3A_983 = arith.index_cast %add3A_971 : i32 to index
        %get3A_984 = arith.constant 16 : index
        %get3A_985 = tpu.vector_load %arg12[%get3A_983, %get3A_984] {strides = array<i32>} : memref<128x128xf32, #tpu.memory_space<vmem>>, vector<1x16xf32>,
        %get3A_986 = vector.shape_cast %get3A_985 : vector<1x16xf32> to vector<16xf32>
        %mul3A_987 = vector.broadcast %squeeze3A_967 : f32 to vector<16xf32>
        %mul3A_988 = arith.mulf %get3A_986, %mul3A_987 : vector<16xf32>
        %swap3A_989 = arith.index_cast %add3A_971 : i32 to index
        %swap3A_990 = arith.constant 16 : index
        %swap3A_991 = tpu.vector_load %arg12[%swap3A_989, %swap3A_990] {strides = array<i32>} : memref<128x128xf32, #tpu.memory_space<vmem>>, vector<1x16xf32>,
        %swap3A_992 = vector.shape_cast %swap3A_991 : vector<1x16xf32> to vector<16xf32>
        %swap3A_993 = vector.shape_cast %mul3A_988 : vector<16xf32> to vector<1x16xf32>
        tpu.vector_store %arg12[%swap3A_989, %swap3A_990], %swap3A_993 {strides = array<i32>} : memref<128x128xf32, #tpu.memory_space<vmem>>, vector<1x16xf32>,
        %get3A_994 = arith.index_cast %add3A_971 : i32 to index
        %get3A_995 = arith.constant 32 : index
        %get3A_996 = tpu.vector_load %arg12[%get3A_994, %get3A_995] {strides = array<i32>} : memref<128x128xf32, #tpu.memory_space<vmem>>, vector<1x16xf32>,
        %get3A_997 = vector.shape_cast %get3A_996 : vector<1x16xf32> to vector<16xf32>
        %mul3A_998 = vector.broadcast %squeeze3A_967 : f32 to vector<16xf32>
        %mul3A_999 = arith.mulf %get3A_997, %mul3A_998 : vector<16xf32>
        %swap3A_1000 = arith.index_cast %add3A_971 : i32 to index
        %swap3A_1001 = arith.constant 32 : index
        %swap3A_1002 = tpu.vector_load %arg12[%swap3A_1000, %swap3A_1001] {strides = array<i32>} : memref<128x128xf32, #tpu.memory_space<vmem>>, vector<1x16xf32>,
        %swap3A_1003 = vector.shape_cast %swap3A_1002 : vector<1x16xf32> to vector<16xf32>
        %swap3A_1004 = vector.shape_cast %mul3A_999 : vector<16xf32> to vector<1x16xf32>
        tpu.vector_store %arg12[%swap3A_1000, %swap3A_1001], %swap3A_1004 {strides = array<i32>} : memref<128x128xf32, #tpu.memory_space<vmem>>, vector<1x16xf32>,
        %get3A_1005 = arith.index_cast %add3A_971 : i32 to index
        %get3A_1006 = arith.constant 48 : index
        %get3A_1007 = tpu.vector_load %arg12[%get3A_1005, %get3A_1006] {strides = array<i32>} : memref<128x128xf32, #tpu.memory_space<vmem>>, vector<1x16xf32>,
        %get3A_1008 = vector.shape_cast %get3A_1007 : vector<1x16xf32> to vector<16xf32>
        %mul3A_1009 = vector.broadcast %squeeze3A_967 : f32 to vector<16xf32>
        %mul3A_1010 = arith.mulf %get3A_1008, %mul3A_1009 : vector<16xf32>
        %swap3A_1011 = arith.index_cast %add3A_971 : i32 to index
        %swap3A_1012 = arith.constant 48 : index
        %swap3A_1013 = tpu.vector_load %arg12[%swap3A_1011, %swap3A_1012] {strides = array<i32>} : memref<128x128xf32, #tpu.memory_space<vmem>>, vector<1x16xf32>,
        %swap3A_1014 = vector.shape_cast %swap3A_1013 : vector<1x16xf32> to vector<16xf32>
        %swap3A_1015 = vector.shape_cast %mul3A_1010 : vector<16xf32> to vector<1x16xf32>
        tpu.vector_store %arg12[%swap3A_1011, %swap3A_1012], %swap3A_1015 {strides = array<i32>} : memref<128x128xf32, #tpu.memory_space<vmem>>, vector<1x16xf32>,
        %get3A_1016 = arith.index_cast %add3A_971 : i32 to index
        %get3A_1017 = arith.constant 64 : index
        %get3A_1018 = tpu.vector_load %arg12[%get3A_1016, %get3A_1017] {strides = array<i32>} : memref<128x128xf32, #tpu.memory_space<vmem>>, vector<1x16xf32>,
        %get3A_1019 = vector.shape_cast %get3A_1018 : vector<1x16xf32> to vector<16xf32>
        %mul3A_1020 = vector.broadcast %squeeze3A_967 : f32 to vector<16xf32>
        %mul3A_1021 = arith.mulf %get3A_1019, %mul3A_1020 : vector<16xf32>
        %swap3A_1022 = arith.index_cast %add3A_971 : i32 to index
        %swap3A_1023 = arith.constant 64 : index
        %swap3A_1024 = tpu.vector_load %arg12[%swap3A_1022, %swap3A_1023] {strides = array<i32>} : memref<128x128xf32, #tpu.memory_space<vmem>>, vector<1x16xf32>,
        %swap3A_1025 = vector.shape_cast %swap3A_1024 : vector<1x16xf32> to vector<16xf32>
        %swap3A_1026 = vector.shape_cast %mul3A_1021 : vector<16xf32> to vector<1x16xf32>
        tpu.vector_store %arg12[%swap3A_1022, %swap3A_1023], %swap3A_1026 {strides = array<i32>} : memref<128x128xf32, #tpu.memory_space<vmem>>, vector<1x16xf32>,
        %get3A_1027 = arith.index_cast %add3A_971 : i32 to index
        %get3A_1028 = arith.constant 80 : index
        %get3A_1029 = tpu.vector_load %arg12[%get3A_1027, %get3A_1028] {strides = array<i32>} : memref<128x128xf32, #tpu.memory_space<vmem>>, vector<1x16xf32>,
        %get3A_1030 = vector.shape_cast %get3A_1029 : vector<1x16xf32> to vector<16xf32>
        %mul3A_1031 = vector.broadcast %squeeze3A_967 : f32 to vector<16xf32>
        %mul3A_1032 = arith.mulf %get3A_1030, %mul3A_1031 : vector<16xf32>
        %swap3A_1033 = arith.index_cast %add3A_971 : i32 to index
        %swap3A_1034 = arith.constant 80 : index
        %swap3A_1035 = tpu.vector_load %arg12[%swap3A_1033, %swap3A_1034] {strides = array<i32>} : memref<128x128xf32, #tpu.memory_space<vmem>>, vector<1x16xf32>,
        %swap3A_1036 = vector.shape_cast %swap3A_1035 : vector<1x16xf32> to vector<16xf32>
        %swap3A_1037 = vector.shape_cast %mul3A_1032 : vector<16xf32> to vector<1x16xf32>
        tpu.vector_store %arg12[%swap3A_1033, %swap3A_1034], %swap3A_1037 {strides = array<i32>} : memref<128x128xf32, #tpu.memory_space<vmem>>, vector<1x16xf32>,
        %get3A_1038 = arith.index_cast %add3A_971 : i32 to index
        %get3A_1039 = arith.constant 96 : index
        %get3A_1040 = tpu.vector_load %arg12[%get3A_1038, %get3A_1039] {strides = array<i32>} : memref<128x128xf32, #tpu.memory_space<vmem>>, vector<1x16xf32>,
        %get3A_1041 = vector.shape_cast %get3A_1040 : vector<1x16xf32> to vector<16xf32>
        %mul3A_1042 = vector.broadcast %squeeze3A_967 : f32 to vector<16xf32>
        %mul3A_1043 = arith.mulf %get3A_1041, %mul3A_1042 : vector<16xf32>
        %swap3A_1044 = arith.index_cast %add3A_971 : i32 to index
        %swap3A_1045 = arith.constant 96 : index
        %swap3A_1046 = tpu.vector_load %arg12[%swap3A_1044, %swap3A_1045] {strides = array<i32>} : memref<128x128xf32, #tpu.memory_space<vmem>>, vector<1x16xf32>,
        %swap3A_1047 = vector.shape_cast %swap3A_1046 : vector<1x16xf32> to vector<16xf32>
        %swap3A_1048 = vector.shape_cast %mul3A_1043 : vector<16xf32> to vector<1x16xf32>
        tpu.vector_store %arg12[%swap3A_1044, %swap3A_1045], %swap3A_1048 {strides = array<i32>} : memref<128x128xf32, #tpu.memory_space<vmem>>, vector<1x16xf32>,
        %get3A_1049 = arith.index_cast %add3A_971 : i32 to index
        %get3A_1050 = arith.constant 112 : index
        %get3A_1051 = tpu.vector_load %arg12[%get3A_1049, %get3A_1050] {strides = array<i32>} : memref<128x128xf32, #tpu.memory_space<vmem>>, vector<1x16xf32>,
        %get3A_1052 = vector.shape_cast %get3A_1051 : vector<1x16xf32> to vector<16xf32>
        %mul3A_1053 = vector.broadcast %squeeze3A_967 : f32 to vector<16xf32>
        %mul3A_1054 = arith.mulf %get3A_1052, %mul3A_1053 : vector<16xf32>
        %swap3A_1055 = arith.index_cast %add3A_971 : i32 to index
        %swap3A_1056 = arith.constant 112 : index
        %swap3A_1057 = tpu.vector_load %arg12[%swap3A_1055, %swap3A_1056] {strides = array<i32>} : memref<128x128xf32, #tpu.memory_space<vmem>>, vector<1x16xf32>,
        %swap3A_1058 = vector.shape_cast %swap3A_1057 : vector<1x16xf32> to vector<16xf32>
        %swap3A_1059 = vector.shape_cast %mul3A_1054 : vector<16xf32> to vector<1x16xf32>
        tpu.vector_store %arg12[%swap3A_1055, %swap3A_1056], %swap3A_1059 {strides = array<i32>} : memref<128x128xf32, #tpu.memory_space<vmem>>, vector<1x16xf32>,
        %slice3A_1060 = vector.extract_strided_slice %select_n3A {offsets = [10], sizes = [1], strides = [1]} : vector<16xf32> to vector<1xf32>
        %squeeze3A_1061 = vector.extract %slice3A_1060[0] : f32 from vector<1xf32>
        %mul3A_1062 = arith.constant 16 : i32
        %mul3A_1063 = arith.muli %scan3A_100, %mul3A_1062 : i32
        %add3A_1064 = arith.constant 10 : i32
        %add3A_1065 = arith.addi %mul3A_1063, %add3A_1064 : i32
        %get3A_1066 = arith.index_cast %add3A_1065 : i32 to index
        %get3A_1067 = arith.constant 0 : index
        %get3A_1068 = tpu.vector_load %arg12[%get3A_1066, %get3A_1067] {strides = array<i32>} : memref<128x128xf32, #tpu.memory_space<vmem>>, vector<1x16xf32>,
        %get3A_1069 = vector.shape_cast %get3A_1068 : vector<1x16xf32> to vector<16xf32>
        %mul3A_1070 = vector.broadcast %squeeze3A_1061 : f32 to vector<16xf32>
        %mul3A_1071 = arith.mulf %get3A_1069, %mul3A_1070 : vector<16xf32>
        %swap3A_1072 = arith.index_cast %add3A_1065 : i32 to index
        %swap3A_1073 = arith.constant 0 : index
        %swap3A_1074 = tpu.vector_load %arg12[%swap3A_1072, %swap3A_1073] {strides = array<i32>} : memref<128x128xf32, #tpu.memory_space<vmem>>, vector<1x16xf32>,
        %swap3A_1075 = vector.shape_cast %swap3A_1074 : vector<1x16xf32> to vector<16xf32>
        %swap3A_1076 = vector.shape_cast %mul3A_1071 : vector<16xf32> to vector<1x16xf32>
        tpu.vector_store %arg12[%swap3A_1072, %swap3A_1073], %swap3A_1076 {strides = array<i32>} : memref<128x128xf32, #tpu.memory_space<vmem>>, vector<1x16xf32>,
        %get3A_1077 = arith.index_cast %add3A_1065 : i32 to index
        %get3A_1078 = arith.constant 16 : index
        %get3A_1079 = tpu.vector_load %arg12[%get3A_1077, %get3A_1078] {strides = array<i32>} : memref<128x128xf32, #tpu.memory_space<vmem>>, vector<1x16xf32>,
        %get3A_1080 = vector.shape_cast %get3A_1079 : vector<1x16xf32> to vector<16xf32>
        %mul3A_1081 = vector.broadcast %squeeze3A_1061 : f32 to vector<16xf32>
        %mul3A_1082 = arith.mulf %get3A_1080, %mul3A_1081 : vector<16xf32>
        %swap3A_1083 = arith.index_cast %add3A_1065 : i32 to index
        %swap3A_1084 = arith.constant 16 : index
        %swap3A_1085 = tpu.vector_load %arg12[%swap3A_1083, %swap3A_1084] {strides = array<i32>} : memref<128x128xf32, #tpu.memory_space<vmem>>, vector<1x16xf32>,
        %swap3A_1086 = vector.shape_cast %swap3A_1085 : vector<1x16xf32> to vector<16xf32>
        %swap3A_1087 = vector.shape_cast %mul3A_1082 : vector<16xf32> to vector<1x16xf32>
        tpu.vector_store %arg12[%swap3A_1083, %swap3A_1084], %swap3A_1087 {strides = array<i32>} : memref<128x128xf32, #tpu.memory_space<vmem>>, vector<1x16xf32>,
        %get3A_1088 = arith.index_cast %add3A_1065 : i32 to index
        %get3A_1089 = arith.constant 32 : index
        %get3A_1090 = tpu.vector_load %arg12[%get3A_1088, %get3A_1089] {strides = array<i32>} : memref<128x128xf32, #tpu.memory_space<vmem>>, vector<1x16xf32>,
        %get3A_1091 = vector.shape_cast %get3A_1090 : vector<1x16xf32> to vector<16xf32>
        %mul3A_1092 = vector.broadcast %squeeze3A_1061 : f32 to vector<16xf32>
        %mul3A_1093 = arith.mulf %get3A_1091, %mul3A_1092 : vector<16xf32>
        %swap3A_1094 = arith.index_cast %add3A_1065 : i32 to index
        %swap3A_1095 = arith.constant 32 : index
        %swap3A_1096 = tpu.vector_load %arg12[%swap3A_1094, %swap3A_1095] {strides = array<i32>} : memref<128x128xf32, #tpu.memory_space<vmem>>, vector<1x16xf32>,
        %swap3A_1097 = vector.shape_cast %swap3A_1096 : vector<1x16xf32> to vector<16xf32>
        %swap3A_1098 = vector.shape_cast %mul3A_1093 : vector<16xf32> to vector<1x16xf32>
        tpu.vector_store %arg12[%swap3A_1094, %swap3A_1095], %swap3A_1098 {strides = array<i32>} : memref<128x128xf32, #tpu.memory_space<vmem>>, vector<1x16xf32>,
        %get3A_1099 = arith.index_cast %add3A_1065 : i32 to index
        %get3A_1100 = arith.constant 48 : index
        %get3A_1101 = tpu.vector_load %arg12[%get3A_1099, %get3A_1100] {strides = array<i32>} : memref<128x128xf32, #tpu.memory_space<vmem>>, vector<1x16xf32>,
        %get3A_1102 = vector.shape_cast %get3A_1101 : vector<1x16xf32> to vector<16xf32>
        %mul3A_1103 = vector.broadcast %squeeze3A_1061 : f32 to vector<16xf32>
        %mul3A_1104 = arith.mulf %get3A_1102, %mul3A_1103 : vector<16xf32>
        %swap3A_1105 = arith.index_cast %add3A_1065 : i32 to index
        %swap3A_1106 = arith.constant 48 : index
        %swap3A_1107 = tpu.vector_load %arg12[%swap3A_1105, %swap3A_1106] {strides = array<i32>} : memref<128x128xf32, #tpu.memory_space<vmem>>, vector<1x16xf32>,
        %swap3A_1108 = vector.shape_cast %swap3A_1107 : vector<1x16xf32> to vector<16xf32>
        %swap3A_1109 = vector.shape_cast %mul3A_1104 : vector<16xf32> to vector<1x16xf32>
        tpu.vector_store %arg12[%swap3A_1105, %swap3A_1106], %swap3A_1109 {strides = array<i32>} : memref<128x128xf32, #tpu.memory_space<vmem>>, vector<1x16xf32>,
        %get3A_1110 = arith.index_cast %add3A_1065 : i32 to index
        %get3A_1111 = arith.constant 64 : index
        %get3A_1112 = tpu.vector_load %arg12[%get3A_1110, %get3A_1111] {strides = array<i32>} : memref<128x128xf32, #tpu.memory_space<vmem>>, vector<1x16xf32>,
        %get3A_1113 = vector.shape_cast %get3A_1112 : vector<1x16xf32> to vector<16xf32>
        %mul3A_1114 = vector.broadcast %squeeze3A_1061 : f32 to vector<16xf32>
        %mul3A_1115 = arith.mulf %get3A_1113, %mul3A_1114 : vector<16xf32>
        %swap3A_1116 = arith.index_cast %add3A_1065 : i32 to index
        %swap3A_1117 = arith.constant 64 : index
        %swap3A_1118 = tpu.vector_load %arg12[%swap3A_1116, %swap3A_1117] {strides = array<i32>} : memref<128x128xf32, #tpu.memory_space<vmem>>, vector<1x16xf32>,
        %swap3A_1119 = vector.shape_cast %swap3A_1118 : vector<1x16xf32> to vector<16xf32>
        %swap3A_1120 = vector.shape_cast %mul3A_1115 : vector<16xf32> to vector<1x16xf32>
        tpu.vector_store %arg12[%swap3A_1116, %swap3A_1117], %swap3A_1120 {strides = array<i32>} : memref<128x128xf32, #tpu.memory_space<vmem>>, vector<1x16xf32>,
        %get3A_1121 = arith.index_cast %add3A_1065 : i32 to index
        %get3A_1122 = arith.constant 80 : index
        %get3A_1123 = tpu.vector_load %arg12[%get3A_1121, %get3A_1122] {strides = array<i32>} : memref<128x128xf32, #tpu.memory_space<vmem>>, vector<1x16xf32>,
        %get3A_1124 = vector.shape_cast %get3A_1123 : vector<1x16xf32> to vector<16xf32>
        %mul3A_1125 = vector.broadcast %squeeze3A_1061 : f32 to vector<16xf32>
        %mul3A_1126 = arith.mulf %get3A_1124, %mul3A_1125 : vector<16xf32>
        %swap3A_1127 = arith.index_cast %add3A_1065 : i32 to index
        %swap3A_1128 = arith.constant 80 : index
        %swap3A_1129 = tpu.vector_load %arg12[%swap3A_1127, %swap3A_1128] {strides = array<i32>} : memref<128x128xf32, #tpu.memory_space<vmem>>, vector<1x16xf32>,
        %swap3A_1130 = vector.shape_cast %swap3A_1129 : vector<1x16xf32> to vector<16xf32>
        %swap3A_1131 = vector.shape_cast %mul3A_1126 : vector<16xf32> to vector<1x16xf32>
        tpu.vector_store %arg12[%swap3A_1127, %swap3A_1128], %swap3A_1131 {strides = array<i32>} : memref<128x128xf32, #tpu.memory_space<vmem>>, vector<1x16xf32>,
        %get3A_1132 = arith.index_cast %add3A_1065 : i32 to index
        %get3A_1133 = arith.constant 96 : index
        %get3A_1134 = tpu.vector_load %arg12[%get3A_1132, %get3A_1133] {strides = array<i32>} : memref<128x128xf32, #tpu.memory_space<vmem>>, vector<1x16xf32>,
        %get3A_1135 = vector.shape_cast %get3A_1134 : vector<1x16xf32> to vector<16xf32>
        %mul3A_1136 = vector.broadcast %squeeze3A_1061 : f32 to vector<16xf32>
        %mul3A_1137 = arith.mulf %get3A_1135, %mul3A_1136 : vector<16xf32>
        %swap3A_1138 = arith.index_cast %add3A_1065 : i32 to index
        %swap3A_1139 = arith.constant 96 : index
        %swap3A_1140 = tpu.vector_load %arg12[%swap3A_1138, %swap3A_1139] {strides = array<i32>} : memref<128x128xf32, #tpu.memory_space<vmem>>, vector<1x16xf32>,
        %swap3A_1141 = vector.shape_cast %swap3A_1140 : vector<1x16xf32> to vector<16xf32>
        %swap3A_1142 = vector.shape_cast %mul3A_1137 : vector<16xf32> to vector<1x16xf32>
        tpu.vector_store %arg12[%swap3A_1138, %swap3A_1139], %swap3A_1142 {strides = array<i32>} : memref<128x128xf32, #tpu.memory_space<vmem>>, vector<1x16xf32>,
        %get3A_1143 = arith.index_cast %add3A_1065 : i32 to index
        %get3A_1144 = arith.constant 112 : index
        %get3A_1145 = tpu.vector_load %arg12[%get3A_1143, %get3A_1144] {strides = array<i32>} : memref<128x128xf32, #tpu.memory_space<vmem>>, vector<1x16xf32>,
        %get3A_1146 = vector.shape_cast %get3A_1145 : vector<1x16xf32> to vector<16xf32>
        %mul3A_1147 = vector.broadcast %squeeze3A_1061 : f32 to vector<16xf32>
        %mul3A_1148 = arith.mulf %get3A_1146, %mul3A_1147 : vector<16xf32>
        %swap3A_1149 = arith.index_cast %add3A_1065 : i32 to index
        %swap3A_1150 = arith.constant 112 : index
        %swap3A_1151 = tpu.vector_load %arg12[%swap3A_1149, %swap3A_1150] {strides = array<i32>} : memref<128x128xf32, #tpu.memory_space<vmem>>, vector<1x16xf32>,
        %swap3A_1152 = vector.shape_cast %swap3A_1151 : vector<1x16xf32> to vector<16xf32>
        %swap3A_1153 = vector.shape_cast %mul3A_1148 : vector<16xf32> to vector<1x16xf32>
        tpu.vector_store %arg12[%swap3A_1149, %swap3A_1150], %swap3A_1153 {strides = array<i32>} : memref<128x128xf32, #tpu.memory_space<vmem>>, vector<1x16xf32>,
        %slice3A_1154 = vector.extract_strided_slice %select_n3A {offsets = [11], sizes = [1], strides = [1]} : vector<16xf32> to vector<1xf32>
        %squeeze3A_1155 = vector.extract %slice3A_1154[0] : f32 from vector<1xf32>
        %mul3A_1156 = arith.constant 16 : i32
        %mul3A_1157 = arith.muli %scan3A_100, %mul3A_1156 : i32
        %add3A_1158 = arith.constant 11 : i32
        %add3A_1159 = arith.addi %mul3A_1157, %add3A_1158 : i32
        %get3A_1160 = arith.index_cast %add3A_1159 : i32 to index
        %get3A_1161 = arith.constant 0 : index
        %get3A_1162 = tpu.vector_load %arg12[%get3A_1160, %get3A_1161] {strides = array<i32>} : memref<128x128xf32, #tpu.memory_space<vmem>>, vector<1x16xf32>,
        %get3A_1163 = vector.shape_cast %get3A_1162 : vector<1x16xf32> to vector<16xf32>
        %mul3A_1164 = vector.broadcast %squeeze3A_1155 : f32 to vector<16xf32>
        %mul3A_1165 = arith.mulf %get3A_1163, %mul3A_1164 : vector<16xf32>
        %swap3A_1166 = arith.index_cast %add3A_1159 : i32 to index
        %swap3A_1167 = arith.constant 0 : index
        %swap3A_1168 = tpu.vector_load %arg12[%swap3A_1166, %swap3A_1167] {strides = array<i32>} : memref<128x128xf32, #tpu.memory_space<vmem>>, vector<1x16xf32>,
        %swap3A_1169 = vector.shape_cast %swap3A_1168 : vector<1x16xf32> to vector<16xf32>
        %swap3A_1170 = vector.shape_cast %mul3A_1165 : vector<16xf32> to vector<1x16xf32>
        tpu.vector_store %arg12[%swap3A_1166, %swap3A_1167], %swap3A_1170 {strides = array<i32>} : memref<128x128xf32, #tpu.memory_space<vmem>>, vector<1x16xf32>,
        %get3A_1171 = arith.index_cast %add3A_1159 : i32 to index
        %get3A_1172 = arith.constant 16 : index
        %get3A_1173 = tpu.vector_load %arg12[%get3A_1171, %get3A_1172] {strides = array<i32>} : memref<128x128xf32, #tpu.memory_space<vmem>>, vector<1x16xf32>,
        %get3A_1174 = vector.shape_cast %get3A_1173 : vector<1x16xf32> to vector<16xf32>
        %mul3A_1175 = vector.broadcast %squeeze3A_1155 : f32 to vector<16xf32>
        %mul3A_1176 = arith.mulf %get3A_1174, %mul3A_1175 : vector<16xf32>
        %swap3A_1177 = arith.index_cast %add3A_1159 : i32 to index
        %swap3A_1178 = arith.constant 16 : index
        %swap3A_1179 = tpu.vector_load %arg12[%swap3A_1177, %swap3A_1178] {strides = array<i32>} : memref<128x128xf32, #tpu.memory_space<vmem>>, vector<1x16xf32>,
        %swap3A_1180 = vector.shape_cast %swap3A_1179 : vector<1x16xf32> to vector<16xf32>
        %swap3A_1181 = vector.shape_cast %mul3A_1176 : vector<16xf32> to vector<1x16xf32>
        tpu.vector_store %arg12[%swap3A_1177, %swap3A_1178], %swap3A_1181 {strides = array<i32>} : memref<128x128xf32, #tpu.memory_space<vmem>>, vector<1x16xf32>,
        %get3A_1182 = arith.index_cast %add3A_1159 : i32 to index
        %get3A_1183 = arith.constant 32 : index
        %get3A_1184 = tpu.vector_load %arg12[%get3A_1182, %get3A_1183] {strides = array<i32>} : memref<128x128xf32, #tpu.memory_space<vmem>>, vector<1x16xf32>,
        %get3A_1185 = vector.shape_cast %get3A_1184 : vector<1x16xf32> to vector<16xf32>
        %mul3A_1186 = vector.broadcast %squeeze3A_1155 : f32 to vector<16xf32>
        %mul3A_1187 = arith.mulf %get3A_1185, %mul3A_1186 : vector<16xf32>
        %swap3A_1188 = arith.index_cast %add3A_1159 : i32 to index
        %swap3A_1189 = arith.constant 32 : index
        %swap3A_1190 = tpu.vector_load %arg12[%swap3A_1188, %swap3A_1189] {strides = array<i32>} : memref<128x128xf32, #tpu.memory_space<vmem>>, vector<1x16xf32>,
        %swap3A_1191 = vector.shape_cast %swap3A_1190 : vector<1x16xf32> to vector<16xf32>
        %swap3A_1192 = vector.shape_cast %mul3A_1187 : vector<16xf32> to vector<1x16xf32>
        tpu.vector_store %arg12[%swap3A_1188, %swap3A_1189], %swap3A_1192 {strides = array<i32>} : memref<128x128xf32, #tpu.memory_space<vmem>>, vector<1x16xf32>,
        %get3A_1193 = arith.index_cast %add3A_1159 : i32 to index
        %get3A_1194 = arith.constant 48 : index
        %get3A_1195 = tpu.vector_load %arg12[%get3A_1193, %get3A_1194] {strides = array<i32>} : memref<128x128xf32, #tpu.memory_space<vmem>>, vector<1x16xf32>,
        %get3A_1196 = vector.shape_cast %get3A_1195 : vector<1x16xf32> to vector<16xf32>
        %mul3A_1197 = vector.broadcast %squeeze3A_1155 : f32 to vector<16xf32>
        %mul3A_1198 = arith.mulf %get3A_1196, %mul3A_1197 : vector<16xf32>
        %swap3A_1199 = arith.index_cast %add3A_1159 : i32 to index
        %swap3A_1200 = arith.constant 48 : index
        %swap3A_1201 = tpu.vector_load %arg12[%swap3A_1199, %swap3A_1200] {strides = array<i32>} : memref<128x128xf32, #tpu.memory_space<vmem>>, vector<1x16xf32>,
        %swap3A_1202 = vector.shape_cast %swap3A_1201 : vector<1x16xf32> to vector<16xf32>
        %swap3A_1203 = vector.shape_cast %mul3A_1198 : vector<16xf32> to vector<1x16xf32>
        tpu.vector_store %arg12[%swap3A_1199, %swap3A_1200], %swap3A_1203 {strides = array<i32>} : memref<128x128xf32, #tpu.memory_space<vmem>>, vector<1x16xf32>,
        %get3A_1204 = arith.index_cast %add3A_1159 : i32 to index
        %get3A_1205 = arith.constant 64 : index
        %get3A_1206 = tpu.vector_load %arg12[%get3A_1204, %get3A_1205] {strides = array<i32>} : memref<128x128xf32, #tpu.memory_space<vmem>>, vector<1x16xf32>,
        %get3A_1207 = vector.shape_cast %get3A_1206 : vector<1x16xf32> to vector<16xf32>
        %mul3A_1208 = vector.broadcast %squeeze3A_1155 : f32 to vector<16xf32>
        %mul3A_1209 = arith.mulf %get3A_1207, %mul3A_1208 : vector<16xf32>
        %swap3A_1210 = arith.index_cast %add3A_1159 : i32 to index
        %swap3A_1211 = arith.constant 64 : index
        %swap3A_1212 = tpu.vector_load %arg12[%swap3A_1210, %swap3A_1211] {strides = array<i32>} : memref<128x128xf32, #tpu.memory_space<vmem>>, vector<1x16xf32>,
        %swap3A_1213 = vector.shape_cast %swap3A_1212 : vector<1x16xf32> to vector<16xf32>
        %swap3A_1214 = vector.shape_cast %mul3A_1209 : vector<16xf32> to vector<1x16xf32>
        tpu.vector_store %arg12[%swap3A_1210, %swap3A_1211], %swap3A_1214 {strides = array<i32>} : memref<128x128xf32, #tpu.memory_space<vmem>>, vector<1x16xf32>,
        %get3A_1215 = arith.index_cast %add3A_1159 : i32 to index
        %get3A_1216 = arith.constant 80 : index
        %get3A_1217 = tpu.vector_load %arg12[%get3A_1215, %get3A_1216] {strides = array<i32>} : memref<128x128xf32, #tpu.memory_space<vmem>>, vector<1x16xf32>,
        %get3A_1218 = vector.shape_cast %get3A_1217 : vector<1x16xf32> to vector<16xf32>
        %mul3A_1219 = vector.broadcast %squeeze3A_1155 : f32 to vector<16xf32>
        %mul3A_1220 = arith.mulf %get3A_1218, %mul3A_1219 : vector<16xf32>
        %swap3A_1221 = arith.index_cast %add3A_1159 : i32 to index
        %swap3A_1222 = arith.constant 80 : index
        %swap3A_1223 = tpu.vector_load %arg12[%swap3A_1221, %swap3A_1222] {strides = array<i32>} : memref<128x128xf32, #tpu.memory_space<vmem>>, vector<1x16xf32>,
        %swap3A_1224 = vector.shape_cast %swap3A_1223 : vector<1x16xf32> to vector<16xf32>
        %swap3A_1225 = vector.shape_cast %mul3A_1220 : vector<16xf32> to vector<1x16xf32>
        tpu.vector_store %arg12[%swap3A_1221, %swap3A_1222], %swap3A_1225 {strides = array<i32>} : memref<128x128xf32, #tpu.memory_space<vmem>>, vector<1x16xf32>,
        %get3A_1226 = arith.index_cast %add3A_1159 : i32 to index
        %get3A_1227 = arith.constant 96 : index
        %get3A_1228 = tpu.vector_load %arg12[%get3A_1226, %get3A_1227] {strides = array<i32>} : memref<128x128xf32, #tpu.memory_space<vmem>>, vector<1x16xf32>,
        %get3A_1229 = vector.shape_cast %get3A_1228 : vector<1x16xf32> to vector<16xf32>
        %mul3A_1230 = vector.broadcast %squeeze3A_1155 : f32 to vector<16xf32>
        %mul3A_1231 = arith.mulf %get3A_1229, %mul3A_1230 : vector<16xf32>
        %swap3A_1232 = arith.index_cast %add3A_1159 : i32 to index
        %swap3A_1233 = arith.constant 96 : index
        %swap3A_1234 = tpu.vector_load %arg12[%swap3A_1232, %swap3A_1233] {strides = array<i32>} : memref<128x128xf32, #tpu.memory_space<vmem>>, vector<1x16xf32>,
        %swap3A_1235 = vector.shape_cast %swap3A_1234 : vector<1x16xf32> to vector<16xf32>
        %swap3A_1236 = vector.shape_cast %mul3A_1231 : vector<16xf32> to vector<1x16xf32>
        tpu.vector_store %arg12[%swap3A_1232, %swap3A_1233], %swap3A_1236 {strides = array<i32>} : memref<128x128xf32, #tpu.memory_space<vmem>>, vector<1x16xf32>,
        %get3A_1237 = arith.index_cast %add3A_1159 : i32 to index
        %get3A_1238 = arith.constant 112 : index
        %get3A_1239 = tpu.vector_load %arg12[%get3A_1237, %get3A_1238] {strides = array<i32>} : memref<128x128xf32, #tpu.memory_space<vmem>>, vector<1x16xf32>,
        %get3A_1240 = vector.shape_cast %get3A_1239 : vector<1x16xf32> to vector<16xf32>
        %mul3A_1241 = vector.broadcast %squeeze3A_1155 : f32 to vector<16xf32>
        %mul3A_1242 = arith.mulf %get3A_1240, %mul3A_1241 : vector<16xf32>
        %swap3A_1243 = arith.index_cast %add3A_1159 : i32 to index
        %swap3A_1244 = arith.constant 112 : index
        %swap3A_1245 = tpu.vector_load %arg12[%swap3A_1243, %swap3A_1244] {strides = array<i32>} : memref<128x128xf32, #tpu.memory_space<vmem>>, vector<1x16xf32>,
        %swap3A_1246 = vector.shape_cast %swap3A_1245 : vector<1x16xf32> to vector<16xf32>
        %swap3A_1247 = vector.shape_cast %mul3A_1242 : vector<16xf32> to vector<1x16xf32>
        tpu.vector_store %arg12[%swap3A_1243, %swap3A_1244], %swap3A_1247 {strides = array<i32>} : memref<128x128xf32, #tpu.memory_space<vmem>>, vector<1x16xf32>,
        %slice3A_1248 = vector.extract_strided_slice %select_n3A {offsets = [12], sizes = [1], strides = [1]} : vector<16xf32> to vector<1xf32>
        %squeeze3A_1249 = vector.extract %slice3A_1248[0] : f32 from vector<1xf32>
        %mul3A_1250 = arith.constant 16 : i32
        %mul3A_1251 = arith.muli %scan3A_100, %mul3A_1250 : i32
        %add3A_1252 = arith.constant 12 : i32
        %add3A_1253 = arith.addi %mul3A_1251, %add3A_1252 : i32
        %get3A_1254 = arith.index_cast %add3A_1253 : i32 to index
        %get3A_1255 = arith.constant 0 : index
        %get3A_1256 = tpu.vector_load %arg12[%get3A_1254, %get3A_1255] {strides = array<i32>} : memref<128x128xf32, #tpu.memory_space<vmem>>, vector<1x16xf32>,
        %get3A_1257 = vector.shape_cast %get3A_1256 : vector<1x16xf32> to vector<16xf32>
        %mul3A_1258 = vector.broadcast %squeeze3A_1249 : f32 to vector<16xf32>
        %mul3A_1259 = arith.mulf %get3A_1257, %mul3A_1258 : vector<16xf32>
        %swap3A_1260 = arith.index_cast %add3A_1253 : i32 to index
        %swap3A_1261 = arith.constant 0 : index
        %swap3A_1262 = tpu.vector_load %arg12[%swap3A_1260, %swap3A_1261] {strides = array<i32>} : memref<128x128xf32, #tpu.memory_space<vmem>>, vector<1x16xf32>,
        %swap3A_1263 = vector.shape_cast %swap3A_1262 : vector<1x16xf32> to vector<16xf32>
        %swap3A_1264 = vector.shape_cast %mul3A_1259 : vector<16xf32> to vector<1x16xf32>
        tpu.vector_store %arg12[%swap3A_1260, %swap3A_1261], %swap3A_1264 {strides = array<i32>} : memref<128x128xf32, #tpu.memory_space<vmem>>, vector<1x16xf32>,
        %get3A_1265 = arith.index_cast %add3A_1253 : i32 to index
        %get3A_1266 = arith.constant 16 : index
        %get3A_1267 = tpu.vector_load %arg12[%get3A_1265, %get3A_1266] {strides = array<i32>} : memref<128x128xf32, #tpu.memory_space<vmem>>, vector<1x16xf32>,
        %get3A_1268 = vector.shape_cast %get3A_1267 : vector<1x16xf32> to vector<16xf32>
        %mul3A_1269 = vector.broadcast %squeeze3A_1249 : f32 to vector<16xf32>
        %mul3A_1270 = arith.mulf %get3A_1268, %mul3A_1269 : vector<16xf32>
        %swap3A_1271 = arith.index_cast %add3A_1253 : i32 to index
        %swap3A_1272 = arith.constant 16 : index
        %swap3A_1273 = tpu.vector_load %arg12[%swap3A_1271, %swap3A_1272] {strides = array<i32>} : memref<128x128xf32, #tpu.memory_space<vmem>>, vector<1x16xf32>,
        %swap3A_1274 = vector.shape_cast %swap3A_1273 : vector<1x16xf32> to vector<16xf32>
        %swap3A_1275 = vector.shape_cast %mul3A_1270 : vector<16xf32> to vector<1x16xf32>
        tpu.vector_store %arg12[%swap3A_1271, %swap3A_1272], %swap3A_1275 {strides = array<i32>} : memref<128x128xf32, #tpu.memory_space<vmem>>, vector<1x16xf32>,
        %get3A_1276 = arith.index_cast %add3A_1253 : i32 to index
        %get3A_1277 = arith.constant 32 : index
        %get3A_1278 = tpu.vector_load %arg12[%get3A_1276, %get3A_1277] {strides = array<i32>} : memref<128x128xf32, #tpu.memory_space<vmem>>, vector<1x16xf32>,
        %get3A_1279 = vector.shape_cast %get3A_1278 : vector<1x16xf32> to vector<16xf32>
        %mul3A_1280 = vector.broadcast %squeeze3A_1249 : f32 to vector<16xf32>
        %mul3A_1281 = arith.mulf %get3A_1279, %mul3A_1280 : vector<16xf32>
        %swap3A_1282 = arith.index_cast %add3A_1253 : i32 to index
        %swap3A_1283 = arith.constant 32 : index
        %swap3A_1284 = tpu.vector_load %arg12[%swap3A_1282, %swap3A_1283] {strides = array<i32>} : memref<128x128xf32, #tpu.memory_space<vmem>>, vector<1x16xf32>,
        %swap3A_1285 = vector.shape_cast %swap3A_1284 : vector<1x16xf32> to vector<16xf32>
        %swap3A_1286 = vector.shape_cast %mul3A_1281 : vector<16xf32> to vector<1x16xf32>
        tpu.vector_store %arg12[%swap3A_1282, %swap3A_1283], %swap3A_1286 {strides = array<i32>} : memref<128x128xf32, #tpu.memory_space<vmem>>, vector<1x16xf32>,
        %get3A_1287 = arith.index_cast %add3A_1253 : i32 to index
        %get3A_1288 = arith.constant 48 : index
        %get3A_1289 = tpu.vector_load %arg12[%get3A_1287, %get3A_1288] {strides = array<i32>} : memref<128x128xf32, #tpu.memory_space<vmem>>, vector<1x16xf32>,
        %get3A_1290 = vector.shape_cast %get3A_1289 : vector<1x16xf32> to vector<16xf32>
        %mul3A_1291 = vector.broadcast %squeeze3A_1249 : f32 to vector<16xf32>
        %mul3A_1292 = arith.mulf %get3A_1290, %mul3A_1291 : vector<16xf32>
        %swap3A_1293 = arith.index_cast %add3A_1253 : i32 to index
        %swap3A_1294 = arith.constant 48 : index
        %swap3A_1295 = tpu.vector_load %arg12[%swap3A_1293, %swap3A_1294] {strides = array<i32>} : memref<128x128xf32, #tpu.memory_space<vmem>>, vector<1x16xf32>,
        %swap3A_1296 = vector.shape_cast %swap3A_1295 : vector<1x16xf32> to vector<16xf32>
        %swap3A_1297 = vector.shape_cast %mul3A_1292 : vector<16xf32> to vector<1x16xf32>
        tpu.vector_store %arg12[%swap3A_1293, %swap3A_1294], %swap3A_1297 {strides = array<i32>} : memref<128x128xf32, #tpu.memory_space<vmem>>, vector<1x16xf32>,
        %get3A_1298 = arith.index_cast %add3A_1253 : i32 to index
        %get3A_1299 = arith.constant 64 : index
        %get3A_1300 = tpu.vector_load %arg12[%get3A_1298, %get3A_1299] {strides = array<i32>} : memref<128x128xf32, #tpu.memory_space<vmem>>, vector<1x16xf32>,
        %get3A_1301 = vector.shape_cast %get3A_1300 : vector<1x16xf32> to vector<16xf32>
        %mul3A_1302 = vector.broadcast %squeeze3A_1249 : f32 to vector<16xf32>
        %mul3A_1303 = arith.mulf %get3A_1301, %mul3A_1302 : vector<16xf32>
        %swap3A_1304 = arith.index_cast %add3A_1253 : i32 to index
        %swap3A_1305 = arith.constant 64 : index
        %swap3A_1306 = tpu.vector_load %arg12[%swap3A_1304, %swap3A_1305] {strides = array<i32>} : memref<128x128xf32, #tpu.memory_space<vmem>>, vector<1x16xf32>,
        %swap3A_1307 = vector.shape_cast %swap3A_1306 : vector<1x16xf32> to vector<16xf32>
        %swap3A_1308 = vector.shape_cast %mul3A_1303 : vector<16xf32> to vector<1x16xf32>
        tpu.vector_store %arg12[%swap3A_1304, %swap3A_1305], %swap3A_1308 {strides = array<i32>} : memref<128x128xf32, #tpu.memory_space<vmem>>, vector<1x16xf32>,
        %get3A_1309 = arith.index_cast %add3A_1253 : i32 to index
        %get3A_1310 = arith.constant 80 : index
        %get3A_1311 = tpu.vector_load %arg12[%get3A_1309, %get3A_1310] {strides = array<i32>} : memref<128x128xf32, #tpu.memory_space<vmem>>, vector<1x16xf32>,
        %get3A_1312 = vector.shape_cast %get3A_1311 : vector<1x16xf32> to vector<16xf32>
        %mul3A_1313 = vector.broadcast %squeeze3A_1249 : f32 to vector<16xf32>
        %mul3A_1314 = arith.mulf %get3A_1312, %mul3A_1313 : vector<16xf32>
        %swap3A_1315 = arith.index_cast %add3A_1253 : i32 to index
        %swap3A_1316 = arith.constant 80 : index
        %swap3A_1317 = tpu.vector_load %arg12[%swap3A_1315, %swap3A_1316] {strides = array<i32>} : memref<128x128xf32, #tpu.memory_space<vmem>>, vector<1x16xf32>,
        %swap3A_1318 = vector.shape_cast %swap3A_1317 : vector<1x16xf32> to vector<16xf32>
        %swap3A_1319 = vector.shape_cast %mul3A_1314 : vector<16xf32> to vector<1x16xf32>
        tpu.vector_store %arg12[%swap3A_1315, %swap3A_1316], %swap3A_1319 {strides = array<i32>} : memref<128x128xf32, #tpu.memory_space<vmem>>, vector<1x16xf32>,
        %get3A_1320 = arith.index_cast %add3A_1253 : i32 to index
        %get3A_1321 = arith.constant 96 : index
        %get3A_1322 = tpu.vector_load %arg12[%get3A_1320, %get3A_1321] {strides = array<i32>} : memref<128x128xf32, #tpu.memory_space<vmem>>, vector<1x16xf32>,
        %get3A_1323 = vector.shape_cast %get3A_1322 : vector<1x16xf32> to vector<16xf32>
        %mul3A_1324 = vector.broadcast %squeeze3A_1249 : f32 to vector<16xf32>
        %mul3A_1325 = arith.mulf %get3A_1323, %mul3A_1324 : vector<16xf32>
        %swap3A_1326 = arith.index_cast %add3A_1253 : i32 to index
        %swap3A_1327 = arith.constant 96 : index
        %swap3A_1328 = tpu.vector_load %arg12[%swap3A_1326, %swap3A_1327] {strides = array<i32>} : memref<128x128xf32, #tpu.memory_space<vmem>>, vector<1x16xf32>,
        %swap3A_1329 = vector.shape_cast %swap3A_1328 : vector<1x16xf32> to vector<16xf32>
        %swap3A_1330 = vector.shape_cast %mul3A_1325 : vector<16xf32> to vector<1x16xf32>
        tpu.vector_store %arg12[%swap3A_1326, %swap3A_1327], %swap3A_1330 {strides = array<i32>} : memref<128x128xf32, #tpu.memory_space<vmem>>, vector<1x16xf32>,
        %get3A_1331 = arith.index_cast %add3A_1253 : i32 to index
        %get3A_1332 = arith.constant 112 : index
        %get3A_1333 = tpu.vector_load %arg12[%get3A_1331, %get3A_1332] {strides = array<i32>} : memref<128x128xf32, #tpu.memory_space<vmem>>, vector<1x16xf32>,
        %get3A_1334 = vector.shape_cast %get3A_1333 : vector<1x16xf32> to vector<16xf32>
        %mul3A_1335 = vector.broadcast %squeeze3A_1249 : f32 to vector<16xf32>
        %mul3A_1336 = arith.mulf %get3A_1334, %mul3A_1335 : vector<16xf32>
        %swap3A_1337 = arith.index_cast %add3A_1253 : i32 to index
        %swap3A_1338 = arith.constant 112 : index
        %swap3A_1339 = tpu.vector_load %arg12[%swap3A_1337, %swap3A_1338] {strides = array<i32>} : memref<128x128xf32, #tpu.memory_space<vmem>>, vector<1x16xf32>,
        %swap3A_1340 = vector.shape_cast %swap3A_1339 : vector<1x16xf32> to vector<16xf32>
        %swap3A_1341 = vector.shape_cast %mul3A_1336 : vector<16xf32> to vector<1x16xf32>
        tpu.vector_store %arg12[%swap3A_1337, %swap3A_1338], %swap3A_1341 {strides = array<i32>} : memref<128x128xf32, #tpu.memory_space<vmem>>, vector<1x16xf32>,
        %slice3A_1342 = vector.extract_strided_slice %select_n3A {offsets = [13], sizes = [1], strides = [1]} : vector<16xf32> to vector<1xf32>
        %squeeze3A_1343 = vector.extract %slice3A_1342[0] : f32 from vector<1xf32>
        %mul3A_1344 = arith.constant 16 : i32
        %mul3A_1345 = arith.muli %scan3A_100, %mul3A_1344 : i32
        %add3A_1346 = arith.constant 13 : i32
        %add3A_1347 = arith.addi %mul3A_1345, %add3A_1346 : i32
        %get3A_1348 = arith.index_cast %add3A_1347 : i32 to index
        %get3A_1349 = arith.constant 0 : index
        %get3A_1350 = tpu.vector_load %arg12[%get3A_1348, %get3A_1349] {strides = array<i32>} : memref<128x128xf32, #tpu.memory_space<vmem>>, vector<1x16xf32>,
        %get3A_1351 = vector.shape_cast %get3A_1350 : vector<1x16xf32> to vector<16xf32>
        %mul3A_1352 = vector.broadcast %squeeze3A_1343 : f32 to vector<16xf32>
        %mul3A_1353 = arith.mulf %get3A_1351, %mul3A_1352 : vector<16xf32>
        %swap3A_1354 = arith.index_cast %add3A_1347 : i32 to index
        %swap3A_1355 = arith.constant 0 : index
        %swap3A_1356 = tpu.vector_load %arg12[%swap3A_1354, %swap3A_1355] {strides = array<i32>} : memref<128x128xf32, #tpu.memory_space<vmem>>, vector<1x16xf32>,
        %swap3A_1357 = vector.shape_cast %swap3A_1356 : vector<1x16xf32> to vector<16xf32>
        %swap3A_1358 = vector.shape_cast %mul3A_1353 : vector<16xf32> to vector<1x16xf32>
        tpu.vector_store %arg12[%swap3A_1354, %swap3A_1355], %swap3A_1358 {strides = array<i32>} : memref<128x128xf32, #tpu.memory_space<vmem>>, vector<1x16xf32>,
        %get3A_1359 = arith.index_cast %add3A_1347 : i32 to index
        %get3A_1360 = arith.constant 16 : index
        %get3A_1361 = tpu.vector_load %arg12[%get3A_1359, %get3A_1360] {strides = array<i32>} : memref<128x128xf32, #tpu.memory_space<vmem>>, vector<1x16xf32>,
        %get3A_1362 = vector.shape_cast %get3A_1361 : vector<1x16xf32> to vector<16xf32>
        %mul3A_1363 = vector.broadcast %squeeze3A_1343 : f32 to vector<16xf32>
        %mul3A_1364 = arith.mulf %get3A_1362, %mul3A_1363 : vector<16xf32>
        %swap3A_1365 = arith.index_cast %add3A_1347 : i32 to index
        %swap3A_1366 = arith.constant 16 : index
        %swap3A_1367 = tpu.vector_load %arg12[%swap3A_1365, %swap3A_1366] {strides = array<i32>} : memref<128x128xf32, #tpu.memory_space<vmem>>, vector<1x16xf32>,
        %swap3A_1368 = vector.shape_cast %swap3A_1367 : vector<1x16xf32> to vector<16xf32>
        %swap3A_1369 = vector.shape_cast %mul3A_1364 : vector<16xf32> to vector<1x16xf32>
        tpu.vector_store %arg12[%swap3A_1365, %swap3A_1366], %swap3A_1369 {strides = array<i32>} : memref<128x128xf32, #tpu.memory_space<vmem>>, vector<1x16xf32>,
        %get3A_1370 = arith.index_cast %add3A_1347 : i32 to index
        %get3A_1371 = arith.constant 32 : index
        %get3A_1372 = tpu.vector_load %arg12[%get3A_1370, %get3A_1371] {strides = array<i32>} : memref<128x128xf32, #tpu.memory_space<vmem>>, vector<1x16xf32>,
        %get3A_1373 = vector.shape_cast %get3A_1372 : vector<1x16xf32> to vector<16xf32>
        %mul3A_1374 = vector.broadcast %squeeze3A_1343 : f32 to vector<16xf32>
        %mul3A_1375 = arith.mulf %get3A_1373, %mul3A_1374 : vector<16xf32>
        %swap3A_1376 = arith.index_cast %add3A_1347 : i32 to index
        %swap3A_1377 = arith.constant 32 : index
        %swap3A_1378 = tpu.vector_load %arg12[%swap3A_1376, %swap3A_1377] {strides = array<i32>} : memref<128x128xf32, #tpu.memory_space<vmem>>, vector<1x16xf32>,
        %swap3A_1379 = vector.shape_cast %swap3A_1378 : vector<1x16xf32> to vector<16xf32>
        %swap3A_1380 = vector.shape_cast %mul3A_1375 : vector<16xf32> to vector<1x16xf32>
        tpu.vector_store %arg12[%swap3A_1376, %swap3A_1377], %swap3A_1380 {strides = array<i32>} : memref<128x128xf32, #tpu.memory_space<vmem>>, vector<1x16xf32>,
        %get3A_1381 = arith.index_cast %add3A_1347 : i32 to index
        %get3A_1382 = arith.constant 48 : index
        %get3A_1383 = tpu.vector_load %arg12[%get3A_1381, %get3A_1382] {strides = array<i32>} : memref<128x128xf32, #tpu.memory_space<vmem>>, vector<1x16xf32>,
        %get3A_1384 = vector.shape_cast %get3A_1383 : vector<1x16xf32> to vector<16xf32>
        %mul3A_1385 = vector.broadcast %squeeze3A_1343 : f32 to vector<16xf32>
        %mul3A_1386 = arith.mulf %get3A_1384, %mul3A_1385 : vector<16xf32>
        %swap3A_1387 = arith.index_cast %add3A_1347 : i32 to index
        %swap3A_1388 = arith.constant 48 : index
        %swap3A_1389 = tpu.vector_load %arg12[%swap3A_1387, %swap3A_1388] {strides = array<i32>} : memref<128x128xf32, #tpu.memory_space<vmem>>, vector<1x16xf32>,
        %swap3A_1390 = vector.shape_cast %swap3A_1389 : vector<1x16xf32> to vector<16xf32>
        %swap3A_1391 = vector.shape_cast %mul3A_1386 : vector<16xf32> to vector<1x16xf32>
        tpu.vector_store %arg12[%swap3A_1387, %swap3A_1388], %swap3A_1391 {strides = array<i32>} : memref<128x128xf32, #tpu.memory_space<vmem>>, vector<1x16xf32>,
        %get3A_1392 = arith.index_cast %add3A_1347 : i32 to index
        %get3A_1393 = arith.constant 64 : index
        %get3A_1394 = tpu.vector_load %arg12[%get3A_1392, %get3A_1393] {strides = array<i32>} : memref<128x128xf32, #tpu.memory_space<vmem>>, vector<1x16xf32>,
        %get3A_1395 = vector.shape_cast %get3A_1394 : vector<1x16xf32> to vector<16xf32>
        %mul3A_1396 = vector.broadcast %squeeze3A_1343 : f32 to vector<16xf32>
        %mul3A_1397 = arith.mulf %get3A_1395, %mul3A_1396 : vector<16xf32>
        %swap3A_1398 = arith.index_cast %add3A_1347 : i32 to index
        %swap3A_1399 = arith.constant 64 : index
        %swap3A_1400 = tpu.vector_load %arg12[%swap3A_1398, %swap3A_1399] {strides = array<i32>} : memref<128x128xf32, #tpu.memory_space<vmem>>, vector<1x16xf32>,
        %swap3A_1401 = vector.shape_cast %swap3A_1400 : vector<1x16xf32> to vector<16xf32>
        %swap3A_1402 = vector.shape_cast %mul3A_1397 : vector<16xf32> to vector<1x16xf32>
        tpu.vector_store %arg12[%swap3A_1398, %swap3A_1399], %swap3A_1402 {strides = array<i32>} : memref<128x128xf32, #tpu.memory_space<vmem>>, vector<1x16xf32>,
        %get3A_1403 = arith.index_cast %add3A_1347 : i32 to index
        %get3A_1404 = arith.constant 80 : index
        %get3A_1405 = tpu.vector_load %arg12[%get3A_1403, %get3A_1404] {strides = array<i32>} : memref<128x128xf32, #tpu.memory_space<vmem>>, vector<1x16xf32>,
        %get3A_1406 = vector.shape_cast %get3A_1405 : vector<1x16xf32> to vector<16xf32>
        %mul3A_1407 = vector.broadcast %squeeze3A_1343 : f32 to vector<16xf32>
        %mul3A_1408 = arith.mulf %get3A_1406, %mul3A_1407 : vector<16xf32>
        %swap3A_1409 = arith.index_cast %add3A_1347 : i32 to index
        %swap3A_1410 = arith.constant 80 : index
        %swap3A_1411 = tpu.vector_load %arg12[%swap3A_1409, %swap3A_1410] {strides = array<i32>} : memref<128x128xf32, #tpu.memory_space<vmem>>, vector<1x16xf32>,
        %swap3A_1412 = vector.shape_cast %swap3A_1411 : vector<1x16xf32> to vector<16xf32>
        %swap3A_1413 = vector.shape_cast %mul3A_1408 : vector<16xf32> to vector<1x16xf32>
        tpu.vector_store %arg12[%swap3A_1409, %swap3A_1410], %swap3A_1413 {strides = array<i32>} : memref<128x128xf32, #tpu.memory_space<vmem>>, vector<1x16xf32>,
        %get3A_1414 = arith.index_cast %add3A_1347 : i32 to index
        %get3A_1415 = arith.constant 96 : index
        %get3A_1416 = tpu.vector_load %arg12[%get3A_1414, %get3A_1415] {strides = array<i32>} : memref<128x128xf32, #tpu.memory_space<vmem>>, vector<1x16xf32>,
        %get3A_1417 = vector.shape_cast %get3A_1416 : vector<1x16xf32> to vector<16xf32>
        %mul3A_1418 = vector.broadcast %squeeze3A_1343 : f32 to vector<16xf32>
        %mul3A_1419 = arith.mulf %get3A_1417, %mul3A_1418 : vector<16xf32>
        %swap3A_1420 = arith.index_cast %add3A_1347 : i32 to index
        %swap3A_1421 = arith.constant 96 : index
        %swap3A_1422 = tpu.vector_load %arg12[%swap3A_1420, %swap3A_1421] {strides = array<i32>} : memref<128x128xf32, #tpu.memory_space<vmem>>, vector<1x16xf32>,
        %swap3A_1423 = vector.shape_cast %swap3A_1422 : vector<1x16xf32> to vector<16xf32>
        %swap3A_1424 = vector.shape_cast %mul3A_1419 : vector<16xf32> to vector<1x16xf32>
        tpu.vector_store %arg12[%swap3A_1420, %swap3A_1421], %swap3A_1424 {strides = array<i32>} : memref<128x128xf32, #tpu.memory_space<vmem>>, vector<1x16xf32>,
        %get3A_1425 = arith.index_cast %add3A_1347 : i32 to index
        %get3A_1426 = arith.constant 112 : index
        %get3A_1427 = tpu.vector_load %arg12[%get3A_1425, %get3A_1426] {strides = array<i32>} : memref<128x128xf32, #tpu.memory_space<vmem>>, vector<1x16xf32>,
        %get3A_1428 = vector.shape_cast %get3A_1427 : vector<1x16xf32> to vector<16xf32>
        %mul3A_1429 = vector.broadcast %squeeze3A_1343 : f32 to vector<16xf32>
        %mul3A_1430 = arith.mulf %get3A_1428, %mul3A_1429 : vector<16xf32>
        %swap3A_1431 = arith.index_cast %add3A_1347 : i32 to index
        %swap3A_1432 = arith.constant 112 : index
        %swap3A_1433 = tpu.vector_load %arg12[%swap3A_1431, %swap3A_1432] {strides = array<i32>} : memref<128x128xf32, #tpu.memory_space<vmem>>, vector<1x16xf32>,
        %swap3A_1434 = vector.shape_cast %swap3A_1433 : vector<1x16xf32> to vector<16xf32>
        %swap3A_1435 = vector.shape_cast %mul3A_1430 : vector<16xf32> to vector<1x16xf32>
        tpu.vector_store %arg12[%swap3A_1431, %swap3A_1432], %swap3A_1435 {strides = array<i32>} : memref<128x128xf32, #tpu.memory_space<vmem>>, vector<1x16xf32>,
        %slice3A_1436 = vector.extract_strided_slice %select_n3A {offsets = [14], sizes = [1], strides = [1]} : vector<16xf32> to vector<1xf32>
        %squeeze3A_1437 = vector.extract %slice3A_1436[0] : f32 from vector<1xf32>
        %mul3A_1438 = arith.constant 16 : i32
        %mul3A_1439 = arith.muli %scan3A_100, %mul3A_1438 : i32
        %add3A_1440 = arith.constant 14 : i32
        %add3A_1441 = arith.addi %mul3A_1439, %add3A_1440 : i32
        %get3A_1442 = arith.index_cast %add3A_1441 : i32 to index
        %get3A_1443 = arith.constant 0 : index
        %get3A_1444 = tpu.vector_load %arg12[%get3A_1442, %get3A_1443] {strides = array<i32>} : memref<128x128xf32, #tpu.memory_space<vmem>>, vector<1x16xf32>,
        %get3A_1445 = vector.shape_cast %get3A_1444 : vector<1x16xf32> to vector<16xf32>
        %mul3A_1446 = vector.broadcast %squeeze3A_1437 : f32 to vector<16xf32>
        %mul3A_1447 = arith.mulf %get3A_1445, %mul3A_1446 : vector<16xf32>
        %swap3A_1448 = arith.index_cast %add3A_1441 : i32 to index
        %swap3A_1449 = arith.constant 0 : index
        %swap3A_1450 = tpu.vector_load %arg12[%swap3A_1448, %swap3A_1449] {strides = array<i32>} : memref<128x128xf32, #tpu.memory_space<vmem>>, vector<1x16xf32>,
        %swap3A_1451 = vector.shape_cast %swap3A_1450 : vector<1x16xf32> to vector<16xf32>
        %swap3A_1452 = vector.shape_cast %mul3A_1447 : vector<16xf32> to vector<1x16xf32>
        tpu.vector_store %arg12[%swap3A_1448, %swap3A_1449], %swap3A_1452 {strides = array<i32>} : memref<128x128xf32, #tpu.memory_space<vmem>>, vector<1x16xf32>,
        %get3A_1453 = arith.index_cast %add3A_1441 : i32 to index
        %get3A_1454 = arith.constant 16 : index
        %get3A_1455 = tpu.vector_load %arg12[%get3A_1453, %get3A_1454] {strides = array<i32>} : memref<128x128xf32, #tpu.memory_space<vmem>>, vector<1x16xf32>,
        %get3A_1456 = vector.shape_cast %get3A_1455 : vector<1x16xf32> to vector<16xf32>
        %mul3A_1457 = vector.broadcast %squeeze3A_1437 : f32 to vector<16xf32>
        %mul3A_1458 = arith.mulf %get3A_1456, %mul3A_1457 : vector<16xf32>
        %swap3A_1459 = arith.index_cast %add3A_1441 : i32 to index
        %swap3A_1460 = arith.constant 16 : index
        %swap3A_1461 = tpu.vector_load %arg12[%swap3A_1459, %swap3A_1460] {strides = array<i32>} : memref<128x128xf32, #tpu.memory_space<vmem>>, vector<1x16xf32>,
        %swap3A_1462 = vector.shape_cast %swap3A_1461 : vector<1x16xf32> to vector<16xf32>
        %swap3A_1463 = vector.shape_cast %mul3A_1458 : vector<16xf32> to vector<1x16xf32>
        tpu.vector_store %arg12[%swap3A_1459, %swap3A_1460], %swap3A_1463 {strides = array<i32>} : memref<128x128xf32, #tpu.memory_space<vmem>>, vector<1x16xf32>,
        %get3A_1464 = arith.index_cast %add3A_1441 : i32 to index
        %get3A_1465 = arith.constant 32 : index
        %get3A_1466 = tpu.vector_load %arg12[%get3A_1464, %get3A_1465] {strides = array<i32>} : memref<128x128xf32, #tpu.memory_space<vmem>>, vector<1x16xf32>,
        %get3A_1467 = vector.shape_cast %get3A_1466 : vector<1x16xf32> to vector<16xf32>
        %mul3A_1468 = vector.broadcast %squeeze3A_1437 : f32 to vector<16xf32>
        %mul3A_1469 = arith.mulf %get3A_1467, %mul3A_1468 : vector<16xf32>
        %swap3A_1470 = arith.index_cast %add3A_1441 : i32 to index
        %swap3A_1471 = arith.constant 32 : index
        %swap3A_1472 = tpu.vector_load %arg12[%swap3A_1470, %swap3A_1471] {strides = array<i32>} : memref<128x128xf32, #tpu.memory_space<vmem>>, vector<1x16xf32>,
        %swap3A_1473 = vector.shape_cast %swap3A_1472 : vector<1x16xf32> to vector<16xf32>
        %swap3A_1474 = vector.shape_cast %mul3A_1469 : vector<16xf32> to vector<1x16xf32>
        tpu.vector_store %arg12[%swap3A_1470, %swap3A_1471], %swap3A_1474 {strides = array<i32>} : memref<128x128xf32, #tpu.memory_space<vmem>>, vector<1x16xf32>,
        %get3A_1475 = arith.index_cast %add3A_1441 : i32 to index
        %get3A_1476 = arith.constant 48 : index
        %get3A_1477 = tpu.vector_load %arg12[%get3A_1475, %get3A_1476] {strides = array<i32>} : memref<128x128xf32, #tpu.memory_space<vmem>>, vector<1x16xf32>,
        %get3A_1478 = vector.shape_cast %get3A_1477 : vector<1x16xf32> to vector<16xf32>
        %mul3A_1479 = vector.broadcast %squeeze3A_1437 : f32 to vector<16xf32>
        %mul3A_1480 = arith.mulf %get3A_1478, %mul3A_1479 : vector<16xf32>
        %swap3A_1481 = arith.index_cast %add3A_1441 : i32 to index
        %swap3A_1482 = arith.constant 48 : index
        %swap3A_1483 = tpu.vector_load %arg12[%swap3A_1481, %swap3A_1482] {strides = array<i32>} : memref<128x128xf32, #tpu.memory_space<vmem>>, vector<1x16xf32>,
        %swap3A_1484 = vector.shape_cast %swap3A_1483 : vector<1x16xf32> to vector<16xf32>
        %swap3A_1485 = vector.shape_cast %mul3A_1480 : vector<16xf32> to vector<1x16xf32>
        tpu.vector_store %arg12[%swap3A_1481, %swap3A_1482], %swap3A_1485 {strides = array<i32>} : memref<128x128xf32, #tpu.memory_space<vmem>>, vector<1x16xf32>,
        %get3A_1486 = arith.index_cast %add3A_1441 : i32 to index
        %get3A_1487 = arith.constant 64 : index
        %get3A_1488 = tpu.vector_load %arg12[%get3A_1486, %get3A_1487] {strides = array<i32>} : memref<128x128xf32, #tpu.memory_space<vmem>>, vector<1x16xf32>,
        %get3A_1489 = vector.shape_cast %get3A_1488 : vector<1x16xf32> to vector<16xf32>
        %mul3A_1490 = vector.broadcast %squeeze3A_1437 : f32 to vector<16xf32>
        %mul3A_1491 = arith.mulf %get3A_1489, %mul3A_1490 : vector<16xf32>
        %swap3A_1492 = arith.index_cast %add3A_1441 : i32 to index
        %swap3A_1493 = arith.constant 64 : index
        %swap3A_1494 = tpu.vector_load %arg12[%swap3A_1492, %swap3A_1493] {strides = array<i32>} : memref<128x128xf32, #tpu.memory_space<vmem>>, vector<1x16xf32>,
        %swap3A_1495 = vector.shape_cast %swap3A_1494 : vector<1x16xf32> to vector<16xf32>
        %swap3A_1496 = vector.shape_cast %mul3A_1491 : vector<16xf32> to vector<1x16xf32>
        tpu.vector_store %arg12[%swap3A_1492, %swap3A_1493], %swap3A_1496 {strides = array<i32>} : memref<128x128xf32, #tpu.memory_space<vmem>>, vector<1x16xf32>,
        %get3A_1497 = arith.index_cast %add3A_1441 : i32 to index
        %get3A_1498 = arith.constant 80 : index
        %get3A_1499 = tpu.vector_load %arg12[%get3A_1497, %get3A_1498] {strides = array<i32>} : memref<128x128xf32, #tpu.memory_space<vmem>>, vector<1x16xf32>,
        %get3A_1500 = vector.shape_cast %get3A_1499 : vector<1x16xf32> to vector<16xf32>
        %mul3A_1501 = vector.broadcast %squeeze3A_1437 : f32 to vector<16xf32>
        %mul3A_1502 = arith.mulf %get3A_1500, %mul3A_1501 : vector<16xf32>
        %swap3A_1503 = arith.index_cast %add3A_1441 : i32 to index
        %swap3A_1504 = arith.constant 80 : index
        %swap3A_1505 = tpu.vector_load %arg12[%swap3A_1503, %swap3A_1504] {strides = array<i32>} : memref<128x128xf32, #tpu.memory_space<vmem>>, vector<1x16xf32>,
        %swap3A_1506 = vector.shape_cast %swap3A_1505 : vector<1x16xf32> to vector<16xf32>
        %swap3A_1507 = vector.shape_cast %mul3A_1502 : vector<16xf32> to vector<1x16xf32>
        tpu.vector_store %arg12[%swap3A_1503, %swap3A_1504], %swap3A_1507 {strides = array<i32>} : memref<128x128xf32, #tpu.memory_space<vmem>>, vector<1x16xf32>,
        %get3A_1508 = arith.index_cast %add3A_1441 : i32 to index
        %get3A_1509 = arith.constant 96 : index
        %get3A_1510 = tpu.vector_load %arg12[%get3A_1508, %get3A_1509] {strides = array<i32>} : memref<128x128xf32, #tpu.memory_space<vmem>>, vector<1x16xf32>,
        %get3A_1511 = vector.shape_cast %get3A_1510 : vector<1x16xf32> to vector<16xf32>
        %mul3A_1512 = vector.broadcast %squeeze3A_1437 : f32 to vector<16xf32>
        %mul3A_1513 = arith.mulf %get3A_1511, %mul3A_1512 : vector<16xf32>
        %swap3A_1514 = arith.index_cast %add3A_1441 : i32 to index
        %swap3A_1515 = arith.constant 96 : index
        %swap3A_1516 = tpu.vector_load %arg12[%swap3A_1514, %swap3A_1515] {strides = array<i32>} : memref<128x128xf32, #tpu.memory_space<vmem>>, vector<1x16xf32>,
        %swap3A_1517 = vector.shape_cast %swap3A_1516 : vector<1x16xf32> to vector<16xf32>
        %swap3A_1518 = vector.shape_cast %mul3A_1513 : vector<16xf32> to vector<1x16xf32>
        tpu.vector_store %arg12[%swap3A_1514, %swap3A_1515], %swap3A_1518 {strides = array<i32>} : memref<128x128xf32, #tpu.memory_space<vmem>>, vector<1x16xf32>,
        %get3A_1519 = arith.index_cast %add3A_1441 : i32 to index
        %get3A_1520 = arith.constant 112 : index
        %get3A_1521 = tpu.vector_load %arg12[%get3A_1519, %get3A_1520] {strides = array<i32>} : memref<128x128xf32, #tpu.memory_space<vmem>>, vector<1x16xf32>,
        %get3A_1522 = vector.shape_cast %get3A_1521 : vector<1x16xf32> to vector<16xf32>
        %mul3A_1523 = vector.broadcast %squeeze3A_1437 : f32 to vector<16xf32>
        %mul3A_1524 = arith.mulf %get3A_1522, %mul3A_1523 : vector<16xf32>
        %swap3A_1525 = arith.index_cast %add3A_1441 : i32 to index
        %swap3A_1526 = arith.constant 112 : index
        %swap3A_1527 = tpu.vector_load %arg12[%swap3A_1525, %swap3A_1526] {strides = array<i32>} : memref<128x128xf32, #tpu.memory_space<vmem>>, vector<1x16xf32>,
        %swap3A_1528 = vector.shape_cast %swap3A_1527 : vector<1x16xf32> to vector<16xf32>
        %swap3A_1529 = vector.shape_cast %mul3A_1524 : vector<16xf32> to vector<1x16xf32>
        tpu.vector_store %arg12[%swap3A_1525, %swap3A_1526], %swap3A_1529 {strides = array<i32>} : memref<128x128xf32, #tpu.memory_space<vmem>>, vector<1x16xf32>,
        %slice3A_1530 = vector.extract_strided_slice %select_n3A {offsets = [15], sizes = [1], strides = [1]} : vector<16xf32> to vector<1xf32>
        %squeeze3A_1531 = vector.extract %slice3A_1530[0] : f32 from vector<1xf32>
        %mul3A_1532 = arith.constant 16 : i32
        %mul3A_1533 = arith.muli %scan3A_100, %mul3A_1532 : i32
        %add3A_1534 = arith.constant 15 : i32
        %add3A_1535 = arith.addi %mul3A_1533, %add3A_1534 : i32
        %get3A_1536 = arith.index_cast %add3A_1535 : i32 to index
        %get3A_1537 = arith.constant 0 : index
        %get3A_1538 = tpu.vector_load %arg12[%get3A_1536, %get3A_1537] {strides = array<i32>} : memref<128x128xf32, #tpu.memory_space<vmem>>, vector<1x16xf32>,
        %get3A_1539 = vector.shape_cast %get3A_1538 : vector<1x16xf32> to vector<16xf32>
        %mul3A_1540 = vector.broadcast %squeeze3A_1531 : f32 to vector<16xf32>
        %mul3A_1541 = arith.mulf %get3A_1539, %mul3A_1540 : vector<16xf32>
        %swap3A_1542 = arith.index_cast %add3A_1535 : i32 to index
        %swap3A_1543 = arith.constant 0 : index
        %swap3A_1544 = tpu.vector_load %arg12[%swap3A_1542, %swap3A_1543] {strides = array<i32>} : memref<128x128xf32, #tpu.memory_space<vmem>>, vector<1x16xf32>,
        %swap3A_1545 = vector.shape_cast %swap3A_1544 : vector<1x16xf32> to vector<16xf32>
        %swap3A_1546 = vector.shape_cast %mul3A_1541 : vector<16xf32> to vector<1x16xf32>
        tpu.vector_store %arg12[%swap3A_1542, %swap3A_1543], %swap3A_1546 {strides = array<i32>} : memref<128x128xf32, #tpu.memory_space<vmem>>, vector<1x16xf32>,
        %get3A_1547 = arith.index_cast %add3A_1535 : i32 to index
        %get3A_1548 = arith.constant 16 : index
        %get3A_1549 = tpu.vector_load %arg12[%get3A_1547, %get3A_1548] {strides = array<i32>} : memref<128x128xf32, #tpu.memory_space<vmem>>, vector<1x16xf32>,
        %get3A_1550 = vector.shape_cast %get3A_1549 : vector<1x16xf32> to vector<16xf32>
        %mul3A_1551 = vector.broadcast %squeeze3A_1531 : f32 to vector<16xf32>
        %mul3A_1552 = arith.mulf %get3A_1550, %mul3A_1551 : vector<16xf32>
        %swap3A_1553 = arith.index_cast %add3A_1535 : i32 to index
        %swap3A_1554 = arith.constant 16 : index
        %swap3A_1555 = tpu.vector_load %arg12[%swap3A_1553, %swap3A_1554] {strides = array<i32>} : memref<128x128xf32, #tpu.memory_space<vmem>>, vector<1x16xf32>,
        %swap3A_1556 = vector.shape_cast %swap3A_1555 : vector<1x16xf32> to vector<16xf32>
        %swap3A_1557 = vector.shape_cast %mul3A_1552 : vector<16xf32> to vector<1x16xf32>
        tpu.vector_store %arg12[%swap3A_1553, %swap3A_1554], %swap3A_1557 {strides = array<i32>} : memref<128x128xf32, #tpu.memory_space<vmem>>, vector<1x16xf32>,
        %get3A_1558 = arith.index_cast %add3A_1535 : i32 to index
        %get3A_1559 = arith.constant 32 : index
        %get3A_1560 = tpu.vector_load %arg12[%get3A_1558, %get3A_1559] {strides = array<i32>} : memref<128x128xf32, #tpu.memory_space<vmem>>, vector<1x16xf32>,
        %get3A_1561 = vector.shape_cast %get3A_1560 : vector<1x16xf32> to vector<16xf32>
        %mul3A_1562 = vector.broadcast %squeeze3A_1531 : f32 to vector<16xf32>
        %mul3A_1563 = arith.mulf %get3A_1561, %mul3A_1562 : vector<16xf32>
        %swap3A_1564 = arith.index_cast %add3A_1535 : i32 to index
        %swap3A_1565 = arith.constant 32 : index
        %swap3A_1566 = tpu.vector_load %arg12[%swap3A_1564, %swap3A_1565] {strides = array<i32>} : memref<128x128xf32, #tpu.memory_space<vmem>>, vector<1x16xf32>,
        %swap3A_1567 = vector.shape_cast %swap3A_1566 : vector<1x16xf32> to vector<16xf32>
        %swap3A_1568 = vector.shape_cast %mul3A_1563 : vector<16xf32> to vector<1x16xf32>
        tpu.vector_store %arg12[%swap3A_1564, %swap3A_1565], %swap3A_1568 {strides = array<i32>} : memref<128x128xf32, #tpu.memory_space<vmem>>, vector<1x16xf32>,
        %get3A_1569 = arith.index_cast %add3A_1535 : i32 to index
        %get3A_1570 = arith.constant 48 : index
        %get3A_1571 = tpu.vector_load %arg12[%get3A_1569, %get3A_1570] {strides = array<i32>} : memref<128x128xf32, #tpu.memory_space<vmem>>, vector<1x16xf32>,
        %get3A_1572 = vector.shape_cast %get3A_1571 : vector<1x16xf32> to vector<16xf32>
        %mul3A_1573 = vector.broadcast %squeeze3A_1531 : f32 to vector<16xf32>
        %mul3A_1574 = arith.mulf %get3A_1572, %mul3A_1573 : vector<16xf32>
        %swap3A_1575 = arith.index_cast %add3A_1535 : i32 to index
        %swap3A_1576 = arith.constant 48 : index
        %swap3A_1577 = tpu.vector_load %arg12[%swap3A_1575, %swap3A_1576] {strides = array<i32>} : memref<128x128xf32, #tpu.memory_space<vmem>>, vector<1x16xf32>,
        %swap3A_1578 = vector.shape_cast %swap3A_1577 : vector<1x16xf32> to vector<16xf32>
        %swap3A_1579 = vector.shape_cast %mul3A_1574 : vector<16xf32> to vector<1x16xf32>
        tpu.vector_store %arg12[%swap3A_1575, %swap3A_1576], %swap3A_1579 {strides = array<i32>} : memref<128x128xf32, #tpu.memory_space<vmem>>, vector<1x16xf32>,
        %get3A_1580 = arith.index_cast %add3A_1535 : i32 to index
        %get3A_1581 = arith.constant 64 : index
        %get3A_1582 = tpu.vector_load %arg12[%get3A_1580, %get3A_1581] {strides = array<i32>} : memref<128x128xf32, #tpu.memory_space<vmem>>, vector<1x16xf32>,
        %get3A_1583 = vector.shape_cast %get3A_1582 : vector<1x16xf32> to vector<16xf32>
        %mul3A_1584 = vector.broadcast %squeeze3A_1531 : f32 to vector<16xf32>
        %mul3A_1585 = arith.mulf %get3A_1583, %mul3A_1584 : vector<16xf32>
        %swap3A_1586 = arith.index_cast %add3A_1535 : i32 to index
        %swap3A_1587 = arith.constant 64 : index
        %swap3A_1588 = tpu.vector_load %arg12[%swap3A_1586, %swap3A_1587] {strides = array<i32>} : memref<128x128xf32, #tpu.memory_space<vmem>>, vector<1x16xf32>,
        %swap3A_1589 = vector.shape_cast %swap3A_1588 : vector<1x16xf32> to vector<16xf32>
        %swap3A_1590 = vector.shape_cast %mul3A_1585 : vector<16xf32> to vector<1x16xf32>
        tpu.vector_store %arg12[%swap3A_1586, %swap3A_1587], %swap3A_1590 {strides = array<i32>} : memref<128x128xf32, #tpu.memory_space<vmem>>, vector<1x16xf32>,
        %get3A_1591 = arith.index_cast %add3A_1535 : i32 to index
        %get3A_1592 = arith.constant 80 : index
        %get3A_1593 = tpu.vector_load %arg12[%get3A_1591, %get3A_1592] {strides = array<i32>} : memref<128x128xf32, #tpu.memory_space<vmem>>, vector<1x16xf32>,
        %get3A_1594 = vector.shape_cast %get3A_1593 : vector<1x16xf32> to vector<16xf32>
        %mul3A_1595 = vector.broadcast %squeeze3A_1531 : f32 to vector<16xf32>
        %mul3A_1596 = arith.mulf %get3A_1594, %mul3A_1595 : vector<16xf32>
        %swap3A_1597 = arith.index_cast %add3A_1535 : i32 to index
        %swap3A_1598 = arith.constant 80 : index
        %swap3A_1599 = tpu.vector_load %arg12[%swap3A_1597, %swap3A_1598] {strides = array<i32>} : memref<128x128xf32, #tpu.memory_space<vmem>>, vector<1x16xf32>,
        %swap3A_1600 = vector.shape_cast %swap3A_1599 : vector<1x16xf32> to vector<16xf32>
        %swap3A_1601 = vector.shape_cast %mul3A_1596 : vector<16xf32> to vector<1x16xf32>
        tpu.vector_store %arg12[%swap3A_1597, %swap3A_1598], %swap3A_1601 {strides = array<i32>} : memref<128x128xf32, #tpu.memory_space<vmem>>, vector<1x16xf32>,
        %get3A_1602 = arith.index_cast %add3A_1535 : i32 to index
        %get3A_1603 = arith.constant 96 : index
        %get3A_1604 = tpu.vector_load %arg12[%get3A_1602, %get3A_1603] {strides = array<i32>} : memref<128x128xf32, #tpu.memory_space<vmem>>, vector<1x16xf32>,
        %get3A_1605 = vector.shape_cast %get3A_1604 : vector<1x16xf32> to vector<16xf32>
        %mul3A_1606 = vector.broadcast %squeeze3A_1531 : f32 to vector<16xf32>
        %mul3A_1607 = arith.mulf %get3A_1605, %mul3A_1606 : vector<16xf32>
        %swap3A_1608 = arith.index_cast %add3A_1535 : i32 to index
        %swap3A_1609 = arith.constant 96 : index
        %swap3A_1610 = tpu.vector_load %arg12[%swap3A_1608, %swap3A_1609] {strides = array<i32>} : memref<128x128xf32, #tpu.memory_space<vmem>>, vector<1x16xf32>,
        %swap3A_1611 = vector.shape_cast %swap3A_1610 : vector<1x16xf32> to vector<16xf32>
        %swap3A_1612 = vector.shape_cast %mul3A_1607 : vector<16xf32> to vector<1x16xf32>
        tpu.vector_store %arg12[%swap3A_1608, %swap3A_1609], %swap3A_1612 {strides = array<i32>} : memref<128x128xf32, #tpu.memory_space<vmem>>, vector<1x16xf32>,
        %get3A_1613 = arith.index_cast %add3A_1535 : i32 to index
        %get3A_1614 = arith.constant 112 : index
        %get3A_1615 = tpu.vector_load %arg12[%get3A_1613, %get3A_1614] {strides = array<i32>} : memref<128x128xf32, #tpu.memory_space<vmem>>, vector<1x16xf32>,
        %get3A_1616 = vector.shape_cast %get3A_1615 : vector<1x16xf32> to vector<16xf32>
        %mul3A_1617 = vector.broadcast %squeeze3A_1531 : f32 to vector<16xf32>
        %mul3A_1618 = arith.mulf %get3A_1616, %mul3A_1617 : vector<16xf32>
        %swap3A_1619 = arith.index_cast %add3A_1535 : i32 to index
        %swap3A_1620 = arith.constant 112 : index
        %swap3A_1621 = tpu.vector_load %arg12[%swap3A_1619, %swap3A_1620] {strides = array<i32>} : memref<128x128xf32, #tpu.memory_space<vmem>>, vector<1x16xf32>,
        %swap3A_1622 = vector.shape_cast %swap3A_1621 : vector<1x16xf32> to vector<16xf32>
        %swap3A_1623 = vector.shape_cast %mul3A_1618 : vector<16xf32> to vector<1x16xf32>
        tpu.vector_store %arg12[%swap3A_1619, %swap3A_1620], %swap3A_1623 {strides = array<i32>} : memref<128x128xf32, #tpu.memory_space<vmem>>, vector<1x16xf32>,
        %scan3A_1624 = arith.constant 0 : i32
        scf.yield %scan3A_1624 : i32
      }
      %scan3A_95 = arith.constant 8 : i32
      %dma_start3A_96 = arith.constant 0 : i32
      %dma_start3A_97 = arith.constant 0 : i32
      %dma_start3A_98 = tpu.memref_slice %arg8[%dma_start3A_96, %dma_start3A_97] : memref<5000x128xf32, #tpu.memory_space<vmem_shared>> -> memref<5000x128xf32, #tpu.memory_space<vmem_shared>>
      tpu.enqueue_indirect_dma source(%arg12 : memref<128x128xf32, #tpu.memory_space<vmem>>) target(%dma_start3A_98 : memref<5000x128xf32, #tpu.memory_space<vmem_shared>>) offsets(%arg10 : memref<128xi32, #tpu.memory_space<vmem>>) semaphore(%arg16 : memref<!tpu.dma_semaphore, #tpu.memory_space<semaphore_mem>>) {add = true}
      %scan3A_99 = arith.constant 0 : i32
      scf.yield %scan3A_99 : i32
    }
    %scan3A_60 = arith.constant 157 : i32
    %dma_wait3A = arith.constant 0 : i32
    %dma_wait3A_61 = arith.constant 0 : i32
    %dma_wait3A_62 = tpu.memref_slice %arg8[%dma_wait3A, %dma_wait3A_61] : memref<5000x128xf32, #tpu.memory_space<vmem_shared>> -> memref<5000x128xf32, #tpu.memory_space<vmem_shared>>
    tpu.wait_indirect_dma semaphore(%arg16 : memref<!tpu.dma_semaphore, #tpu.memory_space<semaphore_mem>>) src(%arg12 : memref<128x128xf32, #tpu.memory_space<vmem>>) dst(%dma_wait3A_62 : memref<5000x128xf32, #tpu.memory_space<vmem_shared>>)
    %barrier3A_63 = arith.constant 0 : index
    tpu.barrier barrier_id(%barrier3A_63)
    %mul3A_64 = arith.constant 312 : i32
    %mul3A_65 = arith.muli %arg1, %mul3A_64 : i32
    %mul3A_66 = arith.constant 312 : i32
    %mul3A_67 = arith.muli %arg1, %mul3A_66 : i32
    %add3A = arith.addi %mul3A_0, %mul3A_67 : i32
    "tpu.region"() ({
      %run_scoped3A = tpu.sem_alloc : memref<!tpu.dma_semaphore, #tpu.memory_space<semaphore_mem>>
      %dma_start3A_73 = arith.constant 0 : i32
      %dma_start3A_74 = tpu.memref_slice %arg7[%add3A, %dma_start3A_73] : memref<10000x128xf32, #tpu.memory_space<hbm>> -> memref<312x128xf32, #tpu.memory_space<hbm>>
      %dma_start3A_75 = arith.constant 0 : i32
      %dma_start3A_76 = tpu.memref_slice %arg8[%mul3A_65, %dma_start3A_75] : memref<5000x128xf32, #tpu.memory_space<vmem_shared>> -> memref<312x128xf32, #tpu.memory_space<vmem_shared>>
      tpu.enqueue_dma source(%dma_start3A_76 : memref<312x128xf32, #tpu.memory_space<vmem_shared>>) target(%dma_start3A_74 : memref<312x128xf32, #tpu.memory_space<hbm>>) target_semaphore(%run_scoped3A : memref<!tpu.dma_semaphore, #tpu.memory_space<semaphore_mem>>)
      %dma_wait3A_77 = arith.constant 0 : i32
      %dma_wait3A_78 = tpu.memref_slice %arg7[%add3A, %dma_wait3A_77] : memref<10000x128xf32, #tpu.memory_space<hbm>> -> memref<312x128xf32, #tpu.memory_space<hbm>>
      %dma_wait3A_79 = arith.constant 0 : i32
      %dma_wait3A_80 = tpu.memref_slice %arg8[%mul3A_65, %dma_wait3A_79] : memref<5000x128xf32, #tpu.memory_space<vmem_shared>> -> memref<312x128xf32, #tpu.memory_space<vmem_shared>>
      tpu.wait_dma2 semaphore(%run_scoped3A : memref<!tpu.dma_semaphore, #tpu.memory_space<semaphore_mem>>) src(%dma_wait3A_80 : memref<312x128xf32, #tpu.memory_space<vmem_shared>>) dst(%dma_wait3A_78 : memref<312x128xf32, #tpu.memory_space<hbm>>)
      tpu.yield
    }) : () -> ()
    %eq3A_68 = arith.constant 15 : i32
    %eq3A_69 = arith.cmpi eq, %arg1, %eq3A_68 : i32
    %convert_element_type3A_70 = arith.extui %eq3A_69 : i1 to i32
    %cond3A_71 = arith.constant 0 : i32
    %cond3A_72 = arith.cmpi ne, %convert_element_type3A_70, %cond3A_71 : i32
    scf.if %cond3A_72 {
      %add3A_73 = arith.constant 4992 : i32
      %add3A_74 = arith.addi %mul3A_0, %add3A_73 : i32
      "tpu.region"() ({
        %run_scoped3A = tpu.sem_alloc : memref<!tpu.dma_semaphore, #tpu.memory_space<semaphore_mem>>
        %dma_start3A_75 = arith.constant 0 : i32
        %dma_start3A_76 = tpu.memref_slice %arg7[%add3A_74, %dma_start3A_75] : memref<10000x128xf32, #tpu.memory_space<hbm>> -> memref<8x128xf32, #tpu.memory_space<hbm>>
        %dma_start3A_77 = arith.constant 4992 : i32
        %dma_start3A_78 = arith.constant 0 : i32
        %dma_start3A_79 = tpu.memref_slice %arg8[%dma_start3A_77, %dma_start3A_78] : memref<5000x128xf32, #tpu.memory_space<vmem_shared>> -> memref<8x128xf32, #tpu.memory_space<vmem_shared>>
        tpu.enqueue_dma source(%dma_start3A_79 : memref<8x128xf32, #tpu.memory_space<vmem_shared>>) target(%dma_start3A_76 : memref<8x128xf32, #tpu.memory_space<hbm>>) target_semaphore(%run_scoped3A : memref<!tpu.dma_semaphore, #tpu.memory_space<semaphore_mem>>)
        %dma_wait3A_80 = arith.constant 0 : i32
        %dma_wait3A_81 = tpu.memref_slice %arg7[%add3A_74, %dma_wait3A_80] : memref<10000x128xf32, #tpu.memory_space<hbm>> -> memref<8x128xf32, #tpu.memory_space<hbm>>
        %dma_wait3A_82 = arith.constant 4992 : i32
        %dma_wait3A_83 = arith.constant 0 : i32
        %dma_wait3A_84 = tpu.memref_slice %arg8[%dma_wait3A_82, %dma_wait3A_83] : memref<5000x128xf32, #tpu.memory_space<vmem_shared>> -> memref<8x128xf32, #tpu.memory_space<vmem_shared>>
        tpu.wait_dma2 semaphore(%run_scoped3A : memref<!tpu.dma_semaphore, #tpu.memory_space<semaphore_mem>>) src(%dma_wait3A_84 : memref<8x128xf32, #tpu.memory_space<vmem_shared>>) dst(%dma_wait3A_81 : memref<8x128xf32, #tpu.memory_space<hbm>>)
        tpu.yield
      }) : () -> ()
    } else {
    }
    return
  }
}

module attributes {stable_mosaic.version = 14 : i64} {
  func.func @_matmul_body(%arg0: i32, %arg1: memref<2000x128xf32, #tpu.memory_space<vmem>>, %arg2: memref<128x128xf32, #tpu.memory_space<vmem>>, %arg3: memref<2000x128xf32, #tpu.memory_space<vmem>>) attributes {dimension_semantics = [#tpu.dimension_semantics<arbitrary>], iteration_bounds = array<i64: 5>, scalar_prefetch = 0 : i64, scratch_operands = 0 : i64, tpu.core_type = #tpu.core_type<tc>, window_params = [{transform_indices = @transform_0, window_bounds = array<i64: 2000, 128>}, {pipeline_mode = #tpu.pipeline_mode<synchronous>, transform_indices = @transform_1, window_bounds = array<i64: 128, 128>}, {transform_indices = @transform_2, window_bounds = array<i64: 2000, 128>}]} {
    %get3A = arith.constant 0 : index
    %get3A_0 = arith.constant 0 : index
    %get3A_1 = vector.load %arg1[%get3A, %get3A_0] : memref<2000x128xf32, #tpu.memory_space<vmem>>, vector<2000x128xf32>
    %get3A_2 = arith.constant 0 : index
    %get3A_3 = arith.constant 0 : index
    %get3A_4 = vector.load %arg2[%get3A_2, %get3A_3] : memref<128x128xf32, #tpu.memory_space<vmem>>, vector<128x128xf32>
    %dot_general3A = arith.constant dense<0.000000e+00> : vector<2000x128xf32>
    %dot_general3A_5 = tpu.matmul %get3A_1, %get3A_4, %dot_general3A {dimension_numbers = #tpu.dot_dimension_numbers<[1], [0], [0], [1], [0, 0, 1, 1], [], []>, transpose_lhs_hint = false} : vector<2000x128xf32>, vector<128x128xf32>, vector<2000x128xf32> -> vector<2000x128xf32>
    %swap3A = arith.constant 0 : index
    %swap3A_6 = arith.constant 0 : index
    %swap3A_7 = vector.load %arg3[%swap3A, %swap3A_6] : memref<2000x128xf32, #tpu.memory_space<vmem>>, vector<2000x128xf32>
    tpu.vector_store %arg3[%swap3A, %swap3A_6], %dot_general3A_5 {strides = array<i32>} : memref<2000x128xf32, #tpu.memory_space<vmem>>, vector<2000x128xf32>,
    return
  }
  func.func @transform_0(%arg0: i32) -> (i32, i32) {
    %c0_i32 = arith.constant 0 : i32
    %c0_i32_0 = arith.constant 0 : i32
    return %arg0, %c0_i32 : i32, i32
  }
  func.func @transform_1(%arg0: i32) -> (i32, i32) {
    %c0_i32 = arith.constant 0 : i32
    %c0_i32_0 = arith.constant 0 : i32
    %c0_i32_1 = arith.constant 0 : i32
    return %c0_i32, %c0_i32_0 : i32, i32
  }
  func.func @transform_2(%arg0: i32) -> (i32, i32) {
    %c0_i32 = arith.constant 0 : i32
    %c0_i32_0 = arith.constant 0 : i32
    return %arg0, %c0_i32 : i32, i32
  }
}

</mosaic_0001>

<sc_bundles>
// kernel: kernel.4.cloned.1.call-start
scs
__scs_entry_jumppad:
0x0: {  	(pc) =	sbr.rel $0x88, $3  }
0x1: {  	(tag) =	ssettag $0x0;
	lr =	simm.s32 $0x1  }
0x2: {  	[smem:$0x3F9C] =	sst lr;
	_ =	strace $0xD0000000  }
0x3: {  	_ = 	snop  }
0x4: {  	_ = 	snop  }
0x5: {  	_ = 	snop  }
0x6: {  	_ = 	snop  }
0x7: {  	_ = 	snop  }
__scs_overlays_trampoline_lowered:
0x8: {  	[smem:$0x3FAB] =	sst s0  }
0x9: {  	[smem:$0x3FAC] =	sst s1  }
0xa: {  	[smem:$0x3FAD] =	sst s2  }
0xb: {  	[smem:$0x3FAE] =	sst s3  }
0xc: {  	[smem:$0x3FAF] =	sst s4  }
0xd: {  	[smem:$0x3FB0] =	sst s5  }
0xe: {  	[smem:$0x3FB1] =	sst s6  }
0xf: {  	[smem:$0x3FB2] =	sst s7  }
0x10: {  	[smem:$0x3FB3] =	sst s8  }
0x11: {  	[smem:$0x3FB4] =	sst s9;
	s0 =	simm.s32 @!p0 $0x0  }
0x12: {  	s1 =	sld [smem:$0x3F9A];
	s0 =	simm.s32 @p0 $0x1  }
0x13: {  	[smem:$0x3FB5] =	sst s0;
	s0 =	simm.s32 @!p1 $0x0  }
0x14: {  	s2 =	sld [smem:$0x3F99];
	s0 =	simm.s32 @p1 $0x1  }
0x15: {  	[smem:$0x3FB6] =	sst s0;
	s0 =	simm.s32 @!p2 $0x0  }
0x16: {  	s3 =	sld [smem:$0x3FDB];
	s0 =	simm.s32 @p2 $0x1  }
0x17: {  	s4 =	simm.s32 $0x1BF5;
	[smem:$0x3FB8] =	sst s0  }
0x18: {  	s0 =	sld [smem:$0x3F9B];
	_ =	swait.ge [sflag:s4], $0x0  }
0x19: {  	s7 =	sld [smem:$0x3F9C]  }
0x1a: {  	s8 =	sadd.s32 $0xFFFFE003, lr  }
0x1b: {  	s9 =	sadd.s32 $0xFFFFFEF7, lr;
	s5 =	simm.s32 $0xFFFFFFFF;
	p2 =	slt.u32 s8, $0xFFFFF086  }
0x1c: {  	p1 =	slt.u32 s9, $0xF7A;
	s5 =	simm.s32 @!p2 $0x0  }
0x1d: {  	s5 =	simm.s32 @p1 $0x1;
	p0 =	seq.s32 s7, s2  }
0x1e: {  	s7 =	smul.u32 @!p0 $0xF7A, s2;
	p2 =	seq.s32 @!p0 s5, $0x0  }
0x1f: {  	s9 =	smul.u32 $0xF7A, s1;
	s8 =	simm.s32 @!p0 $0x1BF5;
	p2 =	por !p2, p0  }
0x20: {  	[sflag:s8] =	ssyncset.s32 @!p0 $0xFFFFF086;
	s6 =	sadd.s32 @!p0 s3, s7;
	s7 =	simm.s32 @!p0 $0x108  }
0x21: {  	s3 =	sadd.s32 s3, s9;
	s6 =	sadd.s32 @!p0 $0x88, s6;
	s7 =	simm.s32 @p2 $0x1082  }
0x22: {  	[simem:s7], [sflag:s8] =	dma.local @!p0 [hbm:s6], $0xF7A  }
0x23: {  	s9 =	sor.u32 $0xD0000000, s2;
	s6 =	simm.s32 $0x108;
	_ =	swait.ge @!p0 [sflag:s8], $0x0  }
0x24: {  	s3 =	sadd.s32 $0x88, s3;
	s6 =	simm.s32 @!p1 $0x1082;
	[sflag:s4] =	ssyncset.s32 $0xFFFFF086  }
0x25: {  	[simem:s6], [sflag:s4] =	dma.local [hbm:s3], $0xF7A  }
0x26: {  	[smem:$0x3F9C] =	sst s1;
	(tag) =	ssettag s2;
	_ =	strace s9  }
0x27: {  	s1 =	sld [smem:$0x3FAC]  }
0x28: {  	s2 =	sld [smem:$0x3FAD]  }
0x29: {  	s4 =	sld [smem:$0x3FAF]  }
0x2a: {  	p0 =	seq.s32 s5, $0x0;
	s5 =	sld [smem:$0x3FB0]  }
0x2b: {  	s6 =	sld [smem:$0x3FB1]  }
0x2c: {  	s7 =	sld [smem:$0x3FB2]  }
0x2d: {  	s3 =	simm.s32 $0x108;
	s8 =	sld [smem:$0x3FB3]  }
0x2e: {  	s3 =	simm.s32 @!p0 $0x1082;
	s9 =	sld [smem:$0x3FB4]  }
0x2f: {  	lr =	sadd.s32 s0, s3;
	s0 =	sld [smem:$0x3FAB]  }
0x30: {  	s3 =	sld [smem:$0x3FAE]  }
0x31: {  	[smem:$0x3FB7] =	sst s10  }
0x32: {  	s10 =	sld [smem:$0x3FB5];
	_ =	sdelay $0x3  }
0x33: {  	p0 =	seq.s32 s10, $0x1;
	s10 =	sld [smem:$0x3FB7];
	_ =	sdelay $0x3  }
0x34: {  	[smem:$0x3FB7] =	sst s10  }
0x35: {  	s10 =	sld [smem:$0x3FB6];
	_ =	sdelay $0x3  }
0x36: {  	p1 =	seq.s32 s10, $0x1;
	s10 =	sld [smem:$0x3FB7];
	_ =	sdelay $0x3  }
0x37: {  	[smem:$0x3FB7] =	sst s10  }
0x38: {  	s10 =	sld [smem:$0x3FB8]  }
0x39: {  	_ = 	snop;
	(pc) =	sbr.ind lr, $3  }
0x3a: {  	_ = 	snop  }
0x3b: {  	_ = 	snop  }
0x3c: {  	p2 =	seq.s32 s10, $0x1;
	s10 =	sld [smem:$0x3FB7]  }
0x3d: {  	_ =	shalt  }
0x3e: {  	_ =	shalt  }
0x3f: {  	_ =	shalt  }
0x40: {  	_ =	shalt  }
0x41: {  	_ =	shalt  }
0x42: {  	_ =	shalt  }
0x43: {  	_ =	shalt  }
0x44: {  	_ =	shalt  }
0x45: {  	_ =	shalt  }
0x46: {  	_ =	shalt  }
0x47: {  	_ =	shalt  }
0x48: {  	_ =	shalt  }
0x49: {  	_ =	shalt  }
0x4a: {  	_ =	shalt  }
0x4b: {  	_ =	shalt  }
0x4c: {  	_ =	shalt  }
0x4d: {  	_ =	shalt  }
0x4e: {  	_ =	shalt  }
0x4f: {  	_ =	shalt  }
0x50: {  	_ =	shalt  }
0x51: {  	_ =	shalt  }
0x52: {  	_ =	shalt  }
0x53: {  	_ =	shalt  }
0x54: {  	_ =	shalt  }
0x55: {  	_ =	shalt  }
0x56: {  	_ =	shalt  }
0x57: {  	_ =	shalt  }
0x58: {  	_ =	shalt  }
0x59: {  	_ =	shalt  }
0x5a: {  	_ =	shalt  }
0x5b: {  	_ =	shalt  }
0x5c: {  	_ =	shalt  }
0x5d: {  	_ =	shalt  }
0x5e: {  	_ =	shalt  }
0x5f: {  	_ =	shalt  }
0x60: {  	_ =	shalt  }
0x61: {  	_ =	shalt  }
0x62: {  	_ =	shalt  }
0x63: {  	_ =	shalt  }
0x64: {  	_ =	shalt  }
0x65: {  	_ =	shalt  }
0x66: {  	_ =	shalt  }
0x67: {  	_ =	shalt  }
0x68: {  	_ =	shalt  }
0x69: {  	_ =	shalt  }
0x6a: {  	_ =	shalt  }
0x6b: {  	_ =	shalt  }
0x6c: {  	_ =	shalt  }
0x6d: {  	_ =	shalt  }
0x6e: {  	_ =	shalt  }
0x6f: {  	_ =	shalt  }
0x70: {  	_ =	shalt  }
0x71: {  	_ =	shalt  }
0x72: {  	_ =	shalt  }
0x73: {  	_ =	shalt  }
0x74: {  	_ =	shalt  }
0x75: {  	_ =	shalt  }
0x76: {  	_ =	shalt  }
0x77: {  	_ =	shalt  }
0x78: {  	_ =	shalt  }
0x79: {  	_ =	shalt  }
0x7a: {  	_ =	shalt  }
0x7b: {  	_ =	shalt  }
0x7c: {  	_ =	shalt  }
0x7d: {  	_ =	shalt  }
0x7e: {  	_ =	shalt  }
0x7f: {  	_ =	shalt  }
0x80: {  	_ =	shalt  }
0x81: {  	_ =	shalt  }
0x82: {  	_ =	shalt  }
0x83: {  	_ =	shalt  }
0x84: {  	_ =	shalt  }
0x85: {  	_ =	shalt  }
0x86: {  	_ =	shalt  }
0x87: {  	_ =	shalt  }
.Lfunc_end0:
.L_simem_size_0:
called_computation_lowered:
.L_overlay_start_0:
0x88: {  	s2 =	sld [smem:$0x3FD9]  }
0x89: {  	s3 =	sld [smem:$0x3FFE];
	_ =	sdelay $0x1  }
0x8a: {  	s1 =	srdreg.scid  }
0x8b: {  	s0 =	sand.u32 $0x1, s1  }
0x8c: {  	s17 =	sshll.u32 s0, $0xA;
	s2 =	sadd.s32 s3, s2  }
0x8d: {  	s2 =	sadd.s32 s2, s17  }
0x8e: {  	[smem:$0x3FC3] =	sst s2  }
0x8f: {  	_ = 	snop  }
0x90: {  	s2 =	sld [smem:$0x3FC5]  }
0x91: {  	s18 =	sld [smem:$0x3FD0];
	(tm) =	ssettm $0x1  }
0x92: {  	s4 =	sld [smem:$0x3FFB];
	_ =	sdelay $0x3  }
0x93: {  	_ =	strace s4  }
0x94: {  	s4 =	sld [smem:$0x3FFC];
	_ =	sdelay $0x3  }
0x95: {  	_ =	strace s4  }
0x96: {  	s4 =	sld [smem:$0x3FFD];
	_ =	sdelay $0x3  }
0x97: {  	_ =	strace s4  }
0x98: {  	_ =	strace $0x8FFFFFFF  }
0x99: {  	s19 =	sld [smem:$0x3FDB];
	_ =	sdelay $0x1  }
0x9a: {  	s5 =	simm.s32 $_scs_section_size  }
0x9b: {  	s6 =	simm.s32 $_size__tile_overlayer_lowered;
	s7 =	simm.s32 $_tile_overlayer_lowered  }
0x9c: {  	s22 =	simm.s32 $0x1BFF;
	s21 =	sshll.u32 s7, $0x1;
	s4 =	sadd.s32 s5, s19  }
0x9d: {  	s8 =	simm.s32 $0x0;
	s20 =	sshll.u32 s6, $0x1;
	s6 =	sadd.s32 s21, s4  }
0x9e: {  	[timem:s8], [sflag:s22] =	dma.local [hbm:s6], s20  }
0x9f: {  	_ =	swait.ge [sflag:s22], s20  }
0xa0: {  	s5 =	ssub.s32 $0x0, s20;
	[sflag:s22] =	ssyncset.done $0x0  }
0xa1: {  	[sflag:s22] =	ssyncadd.s32 s5;
	_ =	sdelay $0x1  }
0xa2: {  	s23 =	simm.s32 $0x1B8B  }
0xa3: {  	_ =	swait.ge [sflag:s23], $0x1  }
0xa4: {  	[sflag:s23] =	ssyncset.done $0x0  }
0xa5: {  	s25 =	simm.s32 $0x1B8E;
	s24 =	sld [smem:$0x3FFE];
	[sflag:s23] =	ssyncadd.s32 $0xFFFFFFFF  }
0xa6: {  	s26 =	simm.s32 $execute0_lowered;
	[smem:$0x3FD2] =	sst s25  }
0xa7: {  	s6 =	sshll.u32 s26, $0x1;
	_ =	strace $0x80000046;
	[dreg:$0x1] =	wrdreg $0xFFFFFFFF  }
0xa8: {  	s28 =	simm.s32 $_size_execute0_lowered;
	s4 =	sadd.s32 s4, s6;
	[dreg:$0x0] =	wrdreg $0x0  }
0xa9: {  	s6 =	sshll.u32 s28, $0x1;
	[dreg:$0x2] =	wrdreg s4  }
0xaa: {  	[dreg:$0x3] =	wrdreg s6  }
0xab: {  	[dreg:$0x4] =	wrdreg $0xC0  }
0xac: {  	_ =	task [dreg:s8], $0x5FFFF  }
0xad: {  	[dreg:$0x1] =	wrdreg $0xFFFFFFFF  }
0xae: {  	[dreg:$0x0] =	wrdreg $0x60  }
0xaf: {  	[dreg:$0x2] =	wrdreg s24  }
0xb0: {  	[dreg:$0x3] =	wrdreg s2  }
0xb1: {  	[dreg:$0x4] =	wrdreg s18  }
0xb2: {  	[dreg:$0x5] =	wrdreg $0x0  }
0xb3: {  	[dreg:$0x6] =	wrdreg $0x9  }
0xb4: {  	_ =	task.clear_ibuf [dreg:s8], $0x7FFFF;
	_ =	strace $0x90000046  }
0xb5: {  	s29 =	simm.s32 $0x9;
	_ =	strace $0x80000048  }
0xb6: {  	_ =	swait.ge [sflag:s29], $0x1  }
0xb7: {  	[sflag:s29] =	ssyncadd.s32 $0xFFFFFFFF  }
0xb8: {  	_ =	strace $0x90000048  }
0xb9: {  	_ =	sfence  }
0xba: {  	s30 =	sld [smem:$0x0];
	_ =	sdelay $0x2  }
0xbb: {  	s31 =	sshll.u32 s1, $0xD;
	s1 =	sshrl.u32 s1, $0x2  }
0xbc: {  	s3 =	sand.u32 $0x4000, s31;
	s1 =	sadd.s32 s1, s30  }
0xbd: {  	s0 =	sor.u32 s3, s0;
	s1 =	sshll.u32 s1, $0x11  }
0xbe: {  	s0 =	sor.u32 s1, s0  }
0xbf: {  	s0 =	sadd.s32 $0x8F2B, s0  }
0xc0: {  	[sflag:s0] =	ssyncadd.remote.s32 $0x1  }
0xc1: {  	_ =	sfence.sel $0xFFFF  }
0xc2: {  	[dreg:$0x0] =	wrdreg $0xFFFFFFFF;
	(pc) =	sbr.abs _section_cstart, $3  }
0xc3: {  	[dreg:$0x1] =	wrdreg $0xFFFFFFFF  }
0xc4: {  	_ =	task.clear_ibuf [dreg:s8], $0x2FFFF;
	_ =	strace $0x9FFFFFFF  }
0xc5: {  	(tm) =	ssettm $0x7FFFFFFF  }
tec
execute0_lowered:
.L_overlay_start_1:
0x0: {  	(tag) =	ssettag $0x1  }
0x1: {  	s8 =	rddreg [dreg:$0x0]  }
0x2: {  	s1 =	rddreg [dreg:$0x1]  }
0x3: {  	s12 =	rddreg [dreg:$0x2]  }
0x4: {  	s2 =	rddreg [dreg:$0x3]  }
0x5: {  	s0 =	rddreg [dreg:$0x4];
	s3 =	simm.s32 $0x0  }
0x6: {  	s4 =	srdreg.scid;
	s16 =	simm.s32 $0x3;
	s17 =	simm.s32 $0xDE40  }
0x7: {  	s18 =	simm.s32 $0x80;
	s19 =	simm.s32 $0x9CC0;
	s20 =	simm.s32 $0x9DC0  }
0x8: {  	s21 =	simm.s32 $0x9C40;
	s22 =	simm.s32 $0x2;
	s24 =	simm.s32 $0x1  }
0x9: {  	s25 =	simm.s32 $0x0;
	[smem:$0x7FF] =	sst s3;
	s9 =	sand.u32 $0x1, s4  }
0xa: {  	s4 =	stileid.u32;
	s5 =	sadd.s32 $0x1E400, s8;
	s23 =	smul.u32 $0x1388, s9  }
0xb: {  	s6 =	sadd.s32 $0xA800, s8;
	s7 =	sadd.s32 $0xA00, s8;
	s10 =	smul.u32 $0x27000, s4  }
0xc: {  	s8 =	sadd.s32 $0x14600, s8;
	s11 =	ssub.s32 $0x2, s9;
	s13 =	smul.u32 $0x138, s4  }
0xd: {  	_ =	strace $0x80000047;
	s15 =	smul.u32 $0x9C400, s9;
	s14 =	sshrl.u32 s11, $0x1  }
0xe: {  	p0 =	sne.s32 s4, $0xF;
	s10 =	sshrl.u32 s10, $0x2;
	s14 =	ssub.s32 s11, s14  }
0xf: {  	s13 =	sadd.s32 s13, s23;
	s15 =	sshrl.u32 s15, $0x3;
	s11 =	smul.u32 $0x9D, s4  }
0x10: {  	v0 =	vmov s23;
	s23 =	simm.s32 $0x9D40;
	s9 =	sadd.s32 s10, s2;
	s10 =	sadd.s32 $0x9C000, s2  }
0x11: {  	s13 =	sshll.u32 s13, $0x4;
	s15 =	sadd.s32 s12, s15;
	s14 =	smax.u32 s14, $0x1  }
0x12: {  	v1 =	vimm.f32 $0.0e+00;
	v2 =	vimm.s32 $0x0;
	s12 =	sadd.s32 s12, s13;
	s13 =	sadd.s32 $0x13800, s15;
	s15 =	simm.s32 $0xDDC0  }
.LBB2_1:
0x13: {  	[tilespmem:s15], [sflag:$0x3] =	stream.linear.gather [hbm4b:s1+s3], $0x80, $0x38;
	[tilespmem:$0x17A40] =	vst v63  }
0x14: {  	_ =	swait.ge [sflag:s16], $0x80  }
0x15: {  	[sflag:s16] =	ssyncset.done $0x0  }
0x16: {  	[sflag:s16] =	ssyncadd.s32 $0xFFFFFF80  }
0x17: {  	s26 =	simm.s32 $0x200;
	s28 =	simm.s32 $0x0;
	v3 =	vld [tilespmem:$0xDDC0]  }
.LBB2_2:
0x18: {  	p1 =	sne.s32 s26, $0x26E00;
	_ =	sdelay $0x2  }
0x19: {  	s29 =	sshra.s32 s28, $0x2;
	s28 =	smov.u32 s26  }
0x1a: {  	[tilespmem:s29+$0xDE40] =	vst v3  }
0x1b: {  	v3 =	vld [tilespmem:$0xDDD0];
	_ =	sdelay $0x4  }
0x1c: {  	[tilespmem:s29+$0xDE50] =	vst v3  }
0x1d: {  	v3 =	vld [tilespmem:$0xDDE0];
	_ =	sdelay $0x4  }
0x1e: {  	[tilespmem:s29+$0xDE60] =	vst v3  }
0x1f: {  	v3 =	vld [tilespmem:$0xDDF0];
	_ =	sdelay $0x4  }
0x20: {  	[tilespmem:s29+$0xDE70] =	vst v3  }
0x21: {  	v3 =	vld [tilespmem:$0xDE00];
	_ =	sdelay $0x4  }
0x22: {  	[tilespmem:s29+$0xDE80] =	vst v3  }
0x23: {  	v3 =	vld [tilespmem:$0xDE10];
	_ =	sdelay $0x4  }
0x24: {  	[tilespmem:s29+$0xDE90] =	vst v3  }
0x25: {  	v3 =	vld [tilespmem:$0xDE20];
	_ =	sdelay $0x4  }
0x26: {  	[tilespmem:s29+$0xDEA0] =	vst v3  }
0x27: {  	v3 =	vld [tilespmem:$0xDE30];
	_ =	sdelay $0x1  }
.Ltmp0:
0x28: {  	(pc) =	sbr.rel @p1 .LBB2_2-.Ltmp0, $3  }
0x29: {  	_ =	sdelay $0x1  }
0x2a: {  	[tilespmem:s29+$0xDEB0] =	vst v3  }
0x2b: {  	s26 =	sadd.s32 $0x200, s26;
	v3 =	vld [tilespmem:$0xDDC0]  }
0x2c: {  	_ =	sdelay $0x2  }
0x2d: {  	s26 =	sshra.s32 s28, $0x2  }
0x2e: {  	[tilespmem:s26+$0xDE40] =	vst v3  }
0x2f: {  	v3 =	vld [tilespmem:$0xDDD0];
	_ =	sdelay $0x4  }
0x30: {  	[tilespmem:s26+$0xDE50] =	vst v3  }
0x31: {  	v3 =	vld [tilespmem:$0xDDE0];
	_ =	sdelay $0x4  }
0x32: {  	[tilespmem:s26+$0xDE60] =	vst v3  }
0x33: {  	v3 =	vld [tilespmem:$0xDDF0];
	_ =	sdelay $0x4  }
0x34: {  	[tilespmem:s26+$0xDE70] =	vst v3  }
0x35: {  	v3 =	vld [tilespmem:$0xDE00];
	_ =	sdelay $0x4  }
0x36: {  	[tilespmem:s26+$0xDE80] =	vst v3  }
0x37: {  	v3 =	vld [tilespmem:$0xDE10];
	_ =	sdelay $0x4  }
0x38: {  	[tilespmem:s26+$0xDE90] =	vst v3  }
0x39: {  	v3 =	vld [tilespmem:$0xDE20];
	_ =	sdelay $0x4  }
0x3a: {  	[tilespmem:s26+$0xDEA0] =	vst v3  }
0x3b: {  	v3 =	vld [tilespmem:$0xDE30];
	_ =	sdelay $0x4  }
0x3c: {  	[tilespmem:s26+$0xDEB0] =	vst v3  }
0x3d: {  	[spmem:s9] =	stream.linear.scatter [tilespmem:s17], [sflag:$0x3], $0x9C00, $0x38;
	[tilespmem:$0x17A40] =	vst v63  }
0x3e: {  	_ =	swait.ge [sflag:s16], $0x9C00  }
0x3f: {  	[sflag:s16] =	ssyncset.done $0x0  }
0x40: {  	s26 =	simm.s32 @!p0 $0xDE40;
	[sflag:s16] =	ssyncadd.s32 $0xFFFF6400  }
0x41: {  	[spmem:s10] =	stream.linear.scatter @!p0 [tilespmem:s26], [sflag:$0x3], $0x400, $0x38;
	[tilespmem:$0x17A40] =	vst v63  }
0x42: {  	s26 =	simm.s32 @!p0 $0x3  }
0x43: {  	_ =	swait.ge @!p0 [sflag:s26], $0x400  }
0x44: {  	[sflag:s26] =	ssyncset.done @!p0 $0x0  }
0x45: {  	[sflag:s26] =	ssyncadd.s32 @!p0 $0xFFFFFC00  }
0x46: {  	s28 =	simm.s32 $0x200;
	s26 =	simm.s32 $0x0;
	[bflag:$0x0] =	sbarrier.arrive $0xFFFF  }
.LBB2_4:
0x47: {  	p1 =	sne.s32 s28, $0xFE00;
	[tilespmem:s26+$0x9E30] =	vst v1  }
0x48: {  	[tilespmem:s26+$0x9DC0] =	vst v1  }
0x49: {  	[tilespmem:s26+$0x9DD0] =	vst v1  }
.Ltmp1:
0x4a: {  	[tilespmem:s26+$0x9DE0] =	vst v1;
	(pc) =	sbr.rel @p1 .LBB2_4-.Ltmp1, $4  }
0x4b: {  	[tilespmem:s26+$0x9DF0] =	vst v1  }
0x4c: {  	[tilespmem:s26+$0x9E00] =	vst v1  }
0x4d: {  	[tilespmem:s26+$0x9E10] =	vst v1  }
0x4e: {  	[tilespmem:s26+$0x9E20] =	vst v1;
	s26 =	sshra.s32 s28, $0x2;
	s28 =	sadd.s32 $0x200, s28  }
0x4f: {  	[tilespmem:s26+$0x9E30] =	vst v1  }
0x50: {  	[tilespmem:s26+$0x9DC0] =	vst v1  }
0x51: {  	[tilespmem:s26+$0x9DD0] =	vst v1  }
0x52: {  	[tilespmem:s26+$0x9DE0] =	vst v1  }
0x53: {  	[tilespmem:s26+$0x9DF0] =	vst v1  }
0x54: {  	[tilespmem:s26+$0x9E00] =	vst v1  }
0x55: {  	[tilespmem:s26+$0x9E10] =	vst v1  }
0x56: {  	[tilespmem:s26+$0x9E20] =	vst v1  }
0x57: {  	[tilespmem:$0x9CC0] =	vst v2  }
0x58: {  	[tilespmem:$0x9CD0] =	vst v2  }
0x59: {  	[tilespmem:$0x9CE0] =	vst v2  }
0x5a: {  	[tilespmem:$0x9CF0] =	vst v2  }
0x5b: {  	[tilespmem:$0x9D00] =	vst v2  }
0x5c: {  	[tilespmem:$0x9D10] =	vst v2  }
0x5d: {  	[tilespmem:$0x9D20] =	vst v2  }
0x5e: {  	s26 =	simm.s32 $0x0;
	s28 =	simm.s32 $0x0;
	[tilespmem:$0x9D30] =	vst v2  }
0x5f: {  	[spmem:s2] =	stream.indirect.scatter.add.f32 [tilespmem:s20], [sflag:$0x2], $0x80, s19, s18, $0xb8;
	[tilespmem:$0x17A40] =	vst v63  }
.LBB2_6:
0x60: {  	s29 =	sadd.s32 s11, s28  }
0x61: {  	s29 =	sshll.u32 s29, $0x4  }
0x62: {  	s30 =	sadd.s32 s6, s29  }
0x63: {  	[tilespmem:s21], [sflag:$0x3] =	stream.linear.gather [hbm4b:s30+s26], $0x80, $0x38;
	[tilespmem:$0x17A40] =	vst v63  }
0x64: {  	_ =	swait.ge [sflag:s16], $0x80  }
0x65: {  	[sflag:s16] =	ssyncset.done $0x0  }
0x66: {  	[sflag:s16] =	ssyncadd.s32 $0xFFFFFF80  }
0x67: {  	_ =	swait.ge [sflag:s22], $0x4000  }
0x68: {  	[sflag:s22] =	ssyncset.done $0x0  }
0x69: {  	[sflag:s22] =	ssyncadd.s32 $0xFFFFC000  }
0x6a: {  	[tilespmem:s20], [sflag:$0x1] =	stream.indirect.gather [hbm4b:s5+s18], $0x80, s21, s18, $0xb8;
	[tilespmem:$0x17A40] =	vst v63  }
0x6b: {  	s31 =	sadd.s32 s8, s29  }
0x6c: {  	[tilespmem:s23], [sflag:$0x3] =	stream.linear.gather [hbm4b:s31+s26], $0x80, $0x38;
	[tilespmem:$0x17A40] =	vst v63  }
0x6d: {  	_ =	swait.ge [sflag:s16], $0x80  }
0x6e: {  	[sflag:s16] =	ssyncset.done $0x0  }
0x6f: {  	s29 =	sadd.s32 s7, s29;
	[sflag:s16] =	ssyncadd.s32 $0xFFFFFF80  }
0x70: {  	[tilespmem:s19], [sflag:$0x3] =	stream.linear.gather [hbm4b:s29+s26], $0x80, $0x38;
	[tilespmem:$0x17A40] =	vst v63  }
0x71: {  	_ =	swait.ge [sflag:s16], $0x80  }
0x72: {  	[sflag:s16] =	ssyncset.done $0x0  }
0x73: {  	[sflag:s16] =	ssyncadd.s32 $0xFFFFFF80  }
0x74: {  	_ =	swait.ge [sflag:s24], $0x4000  }
0x75: {  	[sflag:s24] =	ssyncset.done $0x0  }
0x76: {  	s29 =	simm.s32 $0x0;
	[sflag:s24] =	ssyncadd.s32 $0xFFFFC000  }
.LBB2_7:
0x77: {  	s30 =	sshll.u32 s29, $0x4  }
0x78: {  	v3 =	vld [tilespmem:s30+$0x9CC0];
	_ =	sdelay $0x4  }
0x79: {  	v3 =	vsub.s32 v3, v0  }
0x7a: {  	v4 =	vld [tilespmem:s30+$0x9D40];
	vm0 =	vlt.u32 v3, $0x1388  }
0x7b: {  	s31 =	sshll.u32 s29, $0xB;
	v3 =	vnsel vm0, $0x0, v3  }
0x7c: {  	s31 =	sand.u32 $0x3FFFF800, s31;
	[tilespmem:s30+$0x9CC0] =	vst v3  }
0x7d: {  	v5 =	vld [tilespmem:s31+$0x9DC0]  }
0x7e: {  	v6 =	vld [tilespmem:s31+$0x9DD0]  }
0x7f: {  	v3 =	vnsel vm0, $0x0, v4;
	v54 =	vld [tilespmem:s31+$0x9DE0]  }
0x80: {  	v7 =	vbroadcast v3, $0x0;
	v8 =	vld [tilespmem:s31+$0x9DF0]  }
0x81: {  	v9 =	vld [tilespmem:s31+$0x9E00]  }
0x82: {  	v10 =	vld [tilespmem:s31+$0x9E10];
	v5 =	vmul.f32 v7, v5  }
0x83: {  	v11 =	vld [tilespmem:s31+$0x9E20];
	v6 =	vmul.f32 v6, v7  }
0x84: {  	v57 =	vld [tilespmem:s31+$0x9E40];
	v4 =	vmul.f32 v54, v7;
	[tilespmem:s31+$0x9DC0] =	vst v5  }
0x85: {  	v59 =	vld [tilespmem:s31+$0x9E50];
	v56 =	vmul.f32 v8, v7;
	[tilespmem:s31+$0x9DD0] =	vst v6  }
0x86: {  	v61 =	vld [tilespmem:s31+$0x9E60];
	v58 =	vmul.f32 v9, v7;
	[tilespmem:s31+$0x9DE0] =	vst v4  }
0x87: {  	v63 =	vbroadcast v3, $0x1;
	v12 =	vld [tilespmem:s31+$0x9E70];
	v60 =	vmul.f32 v10, v7;
	[tilespmem:s31+$0x9DF0] =	vst v56  }
0x88: {  	v14 =	vld [tilespmem:s31+$0x9E80];
	v62 =	vmul.f32 v11, v7;
	[tilespmem:s31+$0x9E00] =	vst v58  }
0x89: {  	v16 =	vld [tilespmem:s31+$0x9E90];
	v15 =	vmul.f32 v57, v63;
	[tilespmem:s31+$0x9E10] =	vst v60  }
0x8a: {  	v18 =	vld [tilespmem:s31+$0x9EA0];
	v17 =	vmul.f32 v59, v63;
	[tilespmem:s31+$0x9E20] =	vst v62  }
0x8b: {  	v20 =	vld [tilespmem:s31+$0x9EB0];
	v19 =	vmul.f32 v61, v63;
	[tilespmem:s31+$0x9E40] =	vst v15  }
0x8c: {  	v22 =	vld [tilespmem:s31+$0x9EC0];
	v21 =	vmul.f32 v12, v63;
	[tilespmem:s31+$0x9E50] =	vst v17  }
0x8d: {  	v24 =	vld [tilespmem:s31+$0x9ED0];
	v23 =	vmul.f32 v14, v63;
	[tilespmem:s31+$0x9E60] =	vst v19  }
0x8e: {  	v26 =	vld [tilespmem:s31+$0x9EE0];
	v25 =	vmul.f32 v16, v63;
	[tilespmem:s31+$0x9E70] =	vst v21  }
0x8f: {  	v28 =	vbroadcast v3, $0x2;
	v29 =	vld [tilespmem:s31+$0x9EF0];
	v27 =	vmul.f32 v18, v63;
	[tilespmem:s31+$0x9E80] =	vst v23  }
0x90: {  	v31 =	vld [tilespmem:s31+$0x9F00];
	v30 =	vmul.f32 v20, v63;
	[tilespmem:s31+$0x9E90] =	vst v25  }
0x91: {  	v33 =	vld [tilespmem:s31+$0x9F10];
	v32 =	vmul.f32 v22, v28;
	[tilespmem:s31+$0x9EA0] =	vst v27  }
0x92: {  	v35 =	vld [tilespmem:s31+$0x9F20];
	v34 =	vmul.f32 v24, v28;
	[tilespmem:s31+$0x9EB0] =	vst v30  }
0x93: {  	v37 =	vld [tilespmem:s31+$0x9F30];
	v36 =	vmul.f32 v26, v28;
	[tilespmem:s31+$0x9EC0] =	vst v32  }
0x94: {  	v39 =	vld [tilespmem:s31+$0x9F40];
	v38 =	vmul.f32 v29, v28;
	[tilespmem:s31+$0x9ED0] =	vst v34  }
0x95: {  	v41 =	vld [tilespmem:s31+$0x9F50];
	v40 =	vmul.f32 v31, v28;
	[tilespmem:s31+$0x9EE0] =	vst v36  }
0x96: {  	v43 =	vld [tilespmem:s31+$0x9F60];
	v42 =	vmul.f32 v33, v28;
	[tilespmem:s31+$0x9EF0] =	vst v38  }
0x97: {  	v45 =	vbroadcast v3, $0x3;
	v48 =	vld [tilespmem:s31+$0x9F80];
	v44 =	vmul.f32 v35, v28;
	[tilespmem:s31+$0x9F00] =	vst v40  }
0x98: {  	v50 =	vld [tilespmem:s31+$0x9F90];
	v47 =	vmul.f32 v37, v28;
	[tilespmem:s31+$0x9F10] =	vst v42  }
0x99: {  	v52 =	vld [tilespmem:s31+$0x9FA0];
	v49 =	vmul.f32 v39, v45;
	[tilespmem:s31+$0x9F20] =	vst v44  }
0x9a: {  	v55 =	vld [tilespmem:s31+$0x9E30];
	v51 =	vmul.f32 v41, v45;
	[tilespmem:s31+$0x9F30] =	vst v47  }
0x9b: {  	v46 =	vld [tilespmem:s31+$0x9F70];
	v53 =	vmul.f32 v43, v45;
	[tilespmem:s31+$0x9F40] =	vst v49  }
0x9c: {  	v54 =	vld [tilespmem:s31+$0x9FB0];
	v57 =	vmul.f32 v48, v45;
	[tilespmem:s31+$0x9F50] =	vst v51  }
0x9d: {  	v59 =	vmul.f32 v50, v45;
	v63 =	vld [tilespmem:s31+$0x9FF0];
	[tilespmem:s31+$0x9F60] =	vst v53  }
0x9e: {  	v61 =	vmul.f32 v52, v45;
	v14 =	vld [tilespmem:s31+$0xA000];
	[tilespmem:s31+$0x9F80] =	vst v57  }
0x9f: {  	v16 =	vld [tilespmem:s31+$0xA010];
	v5 =	vmul.f32 v55, v7;
	[tilespmem:s31+$0x9F90] =	vst v59  }
0xa0: {  	v18 =	vld [tilespmem:s31+$0xA020];
	v55 =	vmul.f32 v46, v45;
	v62 =	vbroadcast v3, $0x4;
	[tilespmem:s31+$0x9FA0] =	vst v61  }
0xa1: {  	v20 =	vld [tilespmem:s31+$0xA030];
	[tilespmem:s31+$0x9E30] =	vst v5;
	v13 =	vmul.f32 v54, v45  }
0xa2: {  	v22 =	vld [tilespmem:s31+$0xA040];
	[tilespmem:s31+$0x9F70] =	vst v55;
	v21 =	vmul.f32 v63, v62  }
0xa3: {  	v24 =	vld [tilespmem:s31+$0xA050];
	v23 =	vmul.f32 v14, v62;
	[tilespmem:s31+$0x9FB0] =	vst v13  }
0xa4: {  	v26 =	vld [tilespmem:s31+$0xA060];
	v25 =	vmul.f32 v16, v62;
	[tilespmem:s31+$0x9FF0] =	vst v21  }
0xa5: {  	v28 =	vbroadcast v3, $0x5;
	v29 =	vld [tilespmem:s31+$0xA070];
	v27 =	vmul.f32 v18, v62;
	[tilespmem:s31+$0xA000] =	vst v23  }
0xa6: {  	v31 =	vld [tilespmem:s31+$0xA080];
	v30 =	vmul.f32 v20, v62;
	[tilespmem:s31+$0xA010] =	vst v25  }
0xa7: {  	v33 =	vld [tilespmem:s31+$0xA090];
	v32 =	vmul.f32 v22, v28;
	[tilespmem:s31+$0xA020] =	vst v27  }
0xa8: {  	v35 =	vld [tilespmem:s31+$0xA0A0];
	v34 =	vmul.f32 v24, v28;
	[tilespmem:s31+$0xA030] =	vst v30  }
0xa9: {  	v37 =	vld [tilespmem:s31+$0xA0B0];
	v36 =	vmul.f32 v26, v28;
	[tilespmem:s31+$0xA040] =	vst v32  }
0xaa: {  	v56 =	vld [tilespmem:s31+$0x9FC0];
	v38 =	vmul.f32 v29, v28;
	[tilespmem:s31+$0xA050] =	vst v34  }
0xab: {  	v58 =	vld [tilespmem:s31+$0x9FD0];
	v40 =	vmul.f32 v31, v28;
	[tilespmem:s31+$0xA060] =	vst v36  }
0xac: {  	v60 =	vld [tilespmem:s31+$0x9FE0];
	v42 =	vmul.f32 v33, v28;
	[tilespmem:s31+$0xA070] =	vst v38  }
0xad: {  	v39 =	vld [tilespmem:s31+$0xA0C0];
	v44 =	vmul.f32 v35, v28;
	[tilespmem:s31+$0xA080] =	vst v40  }
0xae: {  	v41 =	vld [tilespmem:s31+$0xA0D0];
	v47 =	vmul.f32 v37, v28;
	[tilespmem:s31+$0xA090] =	vst v42  }
0xaf: {  	v43 =	vld [tilespmem:s31+$0xA0E0];
	v15 =	vmul.f32 v56, v62;
	[tilespmem:s31+$0xA0A0] =	vst v44  }
0xb0: {  	v46 =	vld [tilespmem:s31+$0xA0F0];
	v45 =	vbroadcast v3, $0x6;
	v17 =	vmul.f32 v58, v62;
	[tilespmem:s31+$0xA0B0] =	vst v47  }
0xb1: {  	v48 =	vld [tilespmem:s31+$0xA100];
	v19 =	vmul.f32 v60, v62;
	[tilespmem:s31+$0x9FC0] =	vst v15  }
0xb2: {  	v50 =	vld [tilespmem:s31+$0xA110];
	v49 =	vmul.f32 v39, v45;
	[tilespmem:s31+$0x9FD0] =	vst v17  }
0xb3: {  	v52 =	vld [tilespmem:s31+$0xA120];
	v51 =	vmul.f32 v41, v45;
	[tilespmem:s31+$0x9FE0] =	vst v19  }
0xb4: {  	v54 =	vld [tilespmem:s31+$0xA130];
	v53 =	vmul.f32 v43, v45;
	[tilespmem:s31+$0xA0C0] =	vst v49  }
0xb5: {  	v63 =	vld [tilespmem:s31+$0xA170];
	v55 =	vmul.f32 v46, v45;
	[tilespmem:s31+$0xA0D0] =	vst v51  }
0xb6: {  	v14 =	vld [tilespmem:s31+$0xA180];
	v57 =	vmul.f32 v48, v45;
	[tilespmem:s31+$0xA0E0] =	vst v53  }
0xb7: {  	v16 =	vld [tilespmem:s31+$0xA190];
	v59 =	vmul.f32 v50, v45;
	[tilespmem:s31+$0xA0F0] =	vst v55  }
0xb8: {  	v18 =	vld [tilespmem:s31+$0xA1A0];
	v61 =	vmul.f32 v52, v45;
	v62 =	vbroadcast v3, $0x7;
	[tilespmem:s31+$0xA100] =	vst v57  }
0xb9: {  	v20 =	vld [tilespmem:s31+$0xA1B0];
	[tilespmem:s31+$0xA110] =	vst v59;
	v13 =	vmul.f32 v54, v45  }
0xba: {  	v22 =	vld [tilespmem:s31+$0xA1C0];
	[tilespmem:s31+$0xA120] =	vst v61;
	v21 =	vmul.f32 v63, v62  }
0xbb: {  	v24 =	vld [tilespmem:s31+$0xA1D0];
	v23 =	vmul.f32 v14, v62;
	[tilespmem:s31+$0xA130] =	vst v13  }
0xbc: {  	v26 =	vld [tilespmem:s31+$0xA1E0];
	v25 =	vmul.f32 v16, v62;
	[tilespmem:s31+$0xA170] =	vst v21  }
0xbd: {  	v28 =	vbroadcast v3, $0x8;
	v29 =	vld [tilespmem:s31+$0xA1F0];
	v27 =	vmul.f32 v18, v62;
	[tilespmem:s31+$0xA180] =	vst v23  }
0xbe: {  	v31 =	vld [tilespmem:s31+$0xA200];
	v30 =	vmul.f32 v20, v62;
	[tilespmem:s31+$0xA190] =	vst v25  }
0xbf: {  	v33 =	vld [tilespmem:s31+$0xA210];
	v32 =	vmul.f32 v22, v28;
	[tilespmem:s31+$0xA1A0] =	vst v27  }
0xc0: {  	v35 =	vld [tilespmem:s31+$0xA220];
	v34 =	vmul.f32 v24, v28;
	[tilespmem:s31+$0xA1B0] =	vst v30  }
0xc1: {  	v37 =	vld [tilespmem:s31+$0xA230];
	v36 =	vmul.f32 v26, v28;
	[tilespmem:s31+$0xA1C0] =	vst v32  }
0xc2: {  	v56 =	vld [tilespmem:s31+$0xA140];
	v38 =	vmul.f32 v29, v28;
	[tilespmem:s31+$0xA1D0] =	vst v34  }
0xc3: {  	v58 =	vld [tilespmem:s31+$0xA150];
	v40 =	vmul.f32 v31, v28;
	[tilespmem:s31+$0xA1E0] =	vst v36  }
0xc4: {  	v60 =	vld [tilespmem:s31+$0xA160];
	v42 =	vmul.f32 v33, v28;
	[tilespmem:s31+$0xA1F0] =	vst v38  }
0xc5: {  	v39 =	vld [tilespmem:s31+$0xA240];
	v44 =	vmul.f32 v35, v28;
	[tilespmem:s31+$0xA200] =	vst v40  }
0xc6: {  	v41 =	vld [tilespmem:s31+$0xA250];
	v47 =	vmul.f32 v37, v28;
	[tilespmem:s31+$0xA210] =	vst v42  }
0xc7: {  	v43 =	vld [tilespmem:s31+$0xA260];
	v15 =	vmul.f32 v56, v62;
	[tilespmem:s31+$0xA220] =	vst v44  }
0xc8: {  	v46 =	vld [tilespmem:s31+$0xA270];
	v45 =	vbroadcast v3, $0x9;
	v17 =	vmul.f32 v58, v62;
	[tilespmem:s31+$0xA230] =	vst v47  }
0xc9: {  	v48 =	vld [tilespmem:s31+$0xA280];
	v19 =	vmul.f32 v60, v62;
	[tilespmem:s31+$0xA140] =	vst v15  }
0xca: {  	v50 =	vld [tilespmem:s31+$0xA290];
	v49 =	vmul.f32 v39, v45;
	[tilespmem:s31+$0xA150] =	vst v17  }
0xcb: {  	v52 =	vld [tilespmem:s31+$0xA2A0];
	v51 =	vmul.f32 v41, v45;
	[tilespmem:s31+$0xA160] =	vst v19  }
0xcc: {  	v54 =	vld [tilespmem:s31+$0xA2B0];
	v53 =	vmul.f32 v43, v45;
	[tilespmem:s31+$0xA240] =	vst v49  }
0xcd: {  	v63 =	vld [tilespmem:s31+$0xA2F0];
	v55 =	vmul.f32 v46, v45;
	[tilespmem:s31+$0xA250] =	vst v51  }
0xce: {  	v29 =	vld [tilespmem:s31+$0xA360];
	v57 =	vmul.f32 v48, v45;
	[tilespmem:s31+$0xA260] =	vst v53  }
0xcf: {  	v56 =	vld [tilespmem:s31+$0xA2C0];
	v59 =	vmul.f32 v50, v45;
	[tilespmem:s31+$0xA270] =	vst v55  }
0xd0: {  	v58 =	vld [tilespmem:s31+$0xA2D0];
	v61 =	vmul.f32 v52, v45;
	v62 =	vbroadcast v3, $0xA;
	[tilespmem:s31+$0xA280] =	vst v57  }
0xd1: {  	v31 =	vbroadcast v3, $0xB;
	v60 =	vld [tilespmem:s31+$0xA2E0];
	[tilespmem:s31+$0xA290] =	vst v59;
	v16 =	vmul.f32 v54, v45  }
0xd2: {  	v21 =	vld [tilespmem:s31+$0xA320];
	[tilespmem:s31+$0xA2A0] =	vst v61;
	v24 =	vmul.f32 v63, v62  }
0xd3: {  	v23 =	vld [tilespmem:s31+$0xA330];
	v39 =	vmul.f32 v29, v31;
	[tilespmem:s31+$0xA2B0] =	vst v16  }
0xd4: {  	v25 =	vld [tilespmem:s31+$0xA340];
	v18 =	vmul.f32 v56, v62;
	[tilespmem:s31+$0xA2F0] =	vst v24  }
0xd5: {  	v27 =	vld [tilespmem:s31+$0xA350];
	v20 =	vmul.f32 v58, v62;
	[tilespmem:s31+$0xA360] =	vst v39  }
0xd6: {  	v32 =	vld [tilespmem:s31+$0xA370];
	v22 =	vmul.f32 v60, v62;
	[tilespmem:s31+$0xA2C0] =	vst v18  }
0xd7: {  	v34 =	vld [tilespmem:s31+$0xA380];
	v30 =	vmul.f32 v21, v62;
	[tilespmem:s31+$0xA2D0] =	vst v20  }
0xd8: {  	v36 =	vld [tilespmem:s31+$0xA390];
	v33 =	vmul.f32 v23, v62;
	[tilespmem:s31+$0xA2E0] =	vst v22  }
0xd9: {  	v38 =	vld [tilespmem:s31+$0xA3A0];
	v35 =	vmul.f32 v25, v31;
	[tilespmem:s31+$0xA320] =	vst v30  }
0xda: {  	v40 =	vld [tilespmem:s31+$0xA3B0];
	v37 =	vmul.f32 v27, v31;
	[tilespmem:s31+$0xA330] =	vst v33  }
0xdb: {  	v42 =	vld [tilespmem:s31+$0xA3C0];
	v41 =	vmul.f32 v32, v31;
	[tilespmem:s31+$0xA340] =	vst v35  }
0xdc: {  	v44 =	vld [tilespmem:s31+$0xA3D0];
	v43 =	vmul.f32 v34, v31;
	[tilespmem:s31+$0xA350] =	vst v37  }
0xdd: {  	v46 =	vld [tilespmem:s31+$0xA3E0];
	v45 =	vmul.f32 v36, v31;
	[tilespmem:s31+$0xA370] =	vst v41  }
0xde: {  	v48 =	vbroadcast v3, $0xC;
	v17 =	vld [tilespmem:s31+$0xA300];
	v47 =	vmul.f32 v38, v31;
	[tilespmem:s31+$0xA380] =	vst v43  }
0xdf: {  	v19 =	vld [tilespmem:s31+$0xA310];
	v50 =	vmul.f32 v40, v31;
	[tilespmem:s31+$0xA390] =	vst v45  }
0xe0: {  	v49 =	vld [tilespmem:s31+$0xA3F0];
	v52 =	vmul.f32 v42, v48;
	[tilespmem:s31+$0xA3A0] =	vst v47  }
0xe1: {  	v51 =	vld [tilespmem:s31+$0xA400];
	v54 =	vmul.f32 v44, v48;
	[tilespmem:s31+$0xA3B0] =	vst v50  }
0xe2: {  	v53 =	vld [tilespmem:s31+$0xA410];
	v56 =	vmul.f32 v46, v48;
	[tilespmem:s31+$0xA3C0] =	vst v52  }
0xe3: {  	v55 =	vld [tilespmem:s31+$0xA420];
	v26 =	vmul.f32 v17, v62;
	[tilespmem:s31+$0xA3D0] =	vst v54  }
0xe4: {  	v57 =	vld [tilespmem:s31+$0xA430];
	v28 =	vmul.f32 v19, v62;
	[tilespmem:s31+$0xA3E0] =	vst v56  }
0xe5: {  	v59 =	vld [tilespmem:s31+$0xA440];
	v58 =	vmul.f32 v49, v48;
	[tilespmem:s31+$0xA300] =	vst v26  }
0xe6: {  	v61 =	vld [tilespmem:s31+$0xA450];
	v60 =	vmul.f32 v51, v48;
	[tilespmem:s31+$0xA310] =	vst v28  }
0xe7: {  	v63 =	vld [tilespmem:s31+$0xA460];
	v62 =	vmul.f32 v53, v48;
	[tilespmem:s31+$0xA3F0] =	vst v58  }
0xe8: {  	v24 =	vld [tilespmem:s31+$0xA4A0];
	v16 =	vmul.f32 v55, v48;
	v17 =	vbroadcast v3, $0xD;
	[tilespmem:s31+$0xA400] =	vst v60  }
0xe9: {  	v32 =	vld [tilespmem:s31+$0xA4E0];
	v19 =	vmul.f32 v57, v48;
	[tilespmem:s31+$0xA410] =	vst v62  }
0xea: {  	v39 =	vld [tilespmem:s31+$0xA510];
	[tilespmem:s31+$0xA420] =	vst v16;
	v21 =	vmul.f32 v59, v17  }
0xeb: {  	v18 =	vld [tilespmem:s31+$0xA470];
	[tilespmem:s31+$0xA430] =	vst v19;
	v23 =	vmul.f32 v61, v17  }
0xec: {  	v34 =	vbroadcast v3, $0xE;
	v20 =	vld [tilespmem:s31+$0xA480];
	v25 =	vmul.f32 v63, v17;
	[tilespmem:s31+$0xA440] =	vst v21  }
0xed: {  	v22 =	vld [tilespmem:s31+$0xA490];
	v33 =	vmul.f32 v24, v17;
	[tilespmem:s31+$0xA450] =	vst v23  }
0xee: {  	v30 =	vld [tilespmem:s31+$0xA4D0];
	v42 =	vmul.f32 v32, v34;
	[tilespmem:s31+$0xA460] =	vst v25  }
0xef: {  	v35 =	vld [tilespmem:s31+$0xA4F0];
	v48 =	vmul.f32 v39, v34;
	[tilespmem:s31+$0xA4A0] =	vst v33  }
0xf0: {  	v37 =	vld [tilespmem:s31+$0xA500];
	v27 =	vmul.f32 v18, v17;
	[tilespmem:s31+$0xA4E0] =	vst v42  }
0xf1: {  	v41 =	vld [tilespmem:s31+$0xA520];
	v29 =	vmul.f32 v20, v17;
	[tilespmem:s31+$0xA510] =	vst v48  }
0xf2: {  	v43 =	vld [tilespmem:s31+$0xA530];
	v31 =	vmul.f32 v22, v17;
	[tilespmem:s31+$0xA470] =	vst v27  }
0xf3: {  	v45 =	vld [tilespmem:s31+$0xA540];
	v40 =	vmul.f32 v30, v34;
	[tilespmem:s31+$0xA480] =	vst v29  }
0xf4: {  	v47 =	vld [tilespmem:s31+$0xA550];
	v44 =	vmul.f32 v35, v34;
	[tilespmem:s31+$0xA490] =	vst v31  }
0xf5: {  	v49 =	vld [tilespmem:s31+$0xA560];
	v46 =	vmul.f32 v37, v34;
	[tilespmem:s31+$0xA4D0] =	vst v40  }
0xf6: {  	v3 =	vbroadcast v3, $0xF;
	v51 =	vld [tilespmem:s31+$0xA570];
	v50 =	vmul.f32 v41, v34;
	[tilespmem:s31+$0xA4F0] =	vst v44  }
0xf7: {  	v53 =	vld [tilespmem:s31+$0xA580];
	v52 =	vmul.f32 v43, v34;
	[tilespmem:s31+$0xA500] =	vst v46  }
0xf8: {  	v55 =	vld [tilespmem:s31+$0xA590];
	v54 =	vmul.f32 v45, v3;
	[tilespmem:s31+$0xA520] =	vst v50  }
0xf9: {  	v57 =	vld [tilespmem:s31+$0xA5A0];
	v56 =	vmul.f32 v47, v3;
	[tilespmem:s31+$0xA530] =	vst v52  }
0xfa: {  	v26 =	vld [tilespmem:s31+$0xA4B0];
	v58 =	vmul.f32 v49, v3;
	[tilespmem:s31+$0xA540] =	vst v54  }
0xfb: {  	v28 =	vld [tilespmem:s31+$0xA4C0];
	v60 =	vmul.f32 v51, v3;
	[tilespmem:s31+$0xA550] =	vst v56  }
0xfc: {  	v59 =	vld [tilespmem:s31+$0xA5B0];
	v61 =	vmul.f32 v53, v3;
	[tilespmem:s31+$0xA560] =	vst v58  }
0xfd: {  	v62 =	vmul.f32 v55, v3;
	[tilespmem:s31+$0xA570] =	vst v60  }
0xfe: {  	p1 =	sne.s32 s29, $0x7;
	v63 =	vmul.f32 v57, v3;
	[tilespmem:s31+$0xA580] =	vst v61  }
.Ltmp2:
0xff: {  	v36 =	vmul.f32 v26, v17;
	[tilespmem:s31+$0xA590] =	vst v62;
	(pc) =	sbr.rel @p1 .LBB2_7-.Ltmp2, $4  }
0x100: {  	v38 =	vmul.f32 v28, v34;
	[tilespmem:s31+$0xA5A0] =	vst v63  }
0x101: {  	v3 =	vmul.f32 v59, v3;
	[tilespmem:s31+$0xA4B0] =	vst v36  }
0x102: {  	[tilespmem:s31+$0xA4C0] =	vst v38  }
0x103: {  	s29 =	sadd.s32 $0x1, s29;
	[tilespmem:s31+$0xA5B0] =	vst v3  }
0x104: {  	s28 =	sadd.s32 $0x1, s28  }
0x105: {  	p1 =	sne.s32 s28, $0x9D  }
.Ltmp3:
0x106: {  	_ = 	snop;
	(pc) =	sbr.rel @p1 .LBB2_6-.Ltmp3, $2  }
0x107: {  	_ =	sdelay $0x2  }
0x108: {  	[spmem:s2] =	stream.indirect.scatter.add.f32 [tilespmem:s20], [sflag:$0x2], $0x80, s19, s18, $0xb8;
	[tilespmem:$0x17A40] =	vst v63  }
0x109: {  	_ =	swait.ge [sflag:s22], $0x4000  }
0x10a: {  	[sflag:s22] =	ssyncset.done $0x0  }
0x10b: {  	s26 =	sshll.u32 s4, $0x6;
	[sflag:s22] =	ssyncadd.s32 $0xFFFFC000  }
0x10c: {  	s28 =	sshrl.u32 s9, $0x3;
	s26 =	sor.u32 $0x1C03, s26;
	[bflag:$0x0] =	sbarrier.arrive $0xFFFF  }
0x10d: {  	[hbm:s12], [sflag:s26] =	dma.local [spmem:s28], $0x1380  }
0x10e: {  	_ =	swait.ge [sflag:s16], $0x1380  }
0x10f: {  	s25 =	sadd.s32 $0x1, s25;
	[sflag:s16] =	ssyncset.done $0x0  }
0x110: {  	p1 =	sne.s32 s25, s14;
	s28 =	sshrl.u32 @!p0 s10, $0x3;
	[sflag:s16] =	ssyncadd.s32 $0xFFFFEC80  }
0x111: {  	[hbm:s13], [sflag:s26] =	dma.local @!p0 [spmem:s28], $0x80  }
.Ltmp4:
0x112: {  	_ = 	snop;
	(pc) =	sbr.rel @p1 .LBB2_1-.Ltmp4, $4  }
0x113: {  	s26 =	simm.s32 @!p0 $0x3  }
0x114: {  	_ =	swait.ge @!p0 [sflag:s26], $0x80  }
0x115: {  	[sflag:s26] =	ssyncset.done @!p0 $0x0  }
0x116: {  	[sflag:s26] =	ssyncadd.s32 @!p0 $0xFFFFFF80  }
0x117: {  	_ =	sfence.sel $0x180000  }
0x118: {  	[bflag:$0x0] =	sbarrier.arrive $0xFFFF  }
0x119: {  	p0 =	sne.s32 s4, $0x0;
	_ =	strace $0x90000047  }
0x11a: {  	s0 =	sadd.s32 @!p0 $0x100000, s0;
	[bflag:$0x2] =	sbarrier.arrive $0xFFFF  }
0x11b: {  	[sflag:s0] =	ssyncadd.tile.s32 @!p0 $0x1;
	_ =	shalt  }
.Lfunc_end2:
_tile_overlayer_lowered:
.L_overlay_start_2:
0x11c: {  	(tag) =	ssettag $0x2  }
0x11d: {  	s0 =	rddreg [dreg:$0x0];
	s2 =	stileid.u32  }
0x11e: {  	s1 =	rddreg [dreg:$0x1];
	p0 =	sne.s32 s2, $0x0  }
0x11f: {  	s3 =	rddreg [dreg:$0x2];
	[bflag:$0x3] =	sbarrier.arrive $0xFFFF;
	s2 =	simm.s32 @!p0 $0x1C03  }
0x120: {  	[timem:s3], [sflag:s2] =	dma.local @!p0 [hbm:s0], s1  }
0x121: {  	s0 =	simm.s32 @!p0 $0x3  }
0x122: {  	_ =	swait.ge @!p0 [sflag:s0], s1  }
0x123: {  	s1 =	ssub.s32 @!p0 $0x0, s1;
	[sflag:s0] =	ssyncset.done @!p0 $0x0  }
0x124: {  	[sflag:s0] =	ssyncadd.s32 @!p0 s1  }
0x125: {  	[bflag:$0x3] =	sbarrier.arrive $0xFFFF  }
0x126: {  	_ =	shalt  }

</sc_bundles>
